<compile_context>
chip_gen: v7x
topology: tpu7x:2x2x1
jax: 0.10.2.dev20260603
libtpu: 0.0.44.dev20260713+nightly
codegen_flags: <defaults>
</compile_context>

<pallas_src>
import functools

import jax
import jax.numpy as jnp
import numpy as np
from jax import lax
from jax.experimental import pallas as pl
from jax.experimental.pallas import tpu as pltpu
from jax.experimental.pallas import tpu_sc as plsc

N_NODES = 10000
N_PAD = 10240
D = 256
E = 160000

NC = 2
NS = 16
NW = NC * NS
L = 16
DPW = D // NW
NPAIR = DPW // 2

CH = 8000
NCHUNK = E // CH

_mesh = plsc.VectorSubcoreMesh(core_axis_name="c", subcore_axis_name="s")


@functools.partial(
    pl.kernel,
    mesh=_mesh,
    compiler_params=pltpu.CompilerParams(
        needs_layout_passes=False, use_tc_tiling_on_sc=False
    ),
    out_type=jax.ShapeDtypeStruct((NW * E,), jnp.float32),
    scratch_types=[
        pltpu.VMEM((NPAIR, N_PAD), jnp.int32),
        pltpu.VMEM((CH,), jnp.int32),
        pltpu.VMEM((CH,), jnp.int32),
        pltpu.VMEM((CH,), jnp.float32),
        pltpu.VMEM((CH,), jnp.float32),
        pltpu.SemaphoreType.DMA,
        pltpu.SemaphoreType.DMA,
        pltpu.SemaphoreType.DMA,
        pltpu.SemaphoreType.DMA,
    ],
)
def _sc_partial_dots(
    zt_hbm, uv_hbm, out_hbm,
    zt, eb0, eb1, pb0, pb1,
    in_sem0, in_sem1, out_sem0, out_sem1,
):
    cid = lax.axis_index("c")
    sid = lax.axis_index("s")
    wid = sid * NC + cid

    ebs = (eb0, eb1)
    pbs = (pb0, pb1)
    in_sems = (in_sem0, in_sem1)
    out_sems = (out_sem0, out_sem1)

    pltpu.sync_copy(zt_hbm.at[pl.ds(wid * NPAIR, NPAIR), :], zt)

    def start_in(c, b):
        pltpu.async_copy(uv_hbm.at[pl.ds(c * CH, CH)], ebs[b], in_sems[b])

    def wait_in(b):
        pltpu.make_async_copy(
            uv_hbm.at[pl.ds(0, CH)], ebs[b], in_sems[b]
        ).wait()

    def start_out(c, b):
        pltpu.async_copy(
            pbs[b], out_hbm.at[pl.ds(wid * E + c * CH, CH)], out_sems[b]
        )

    def wait_out(b):
        pltpu.make_async_copy(
            pbs[b], out_hbm.at[pl.ds(0, CH)], out_sems[b]
        ).wait()

    pcols = [jnp.full((L,), p, jnp.int32) for p in range(NPAIR)]

    def compute_chunk(b):
        eb = ebs[b]
        pb = pbs[b]

        @plsc.parallel_loop(0, CH, step=L, unroll=2)
        def j_body(off):
            uv16 = eb[pl.ds(off, L)]
            u16 = uv16 & 0xFFFF
            v16 = uv16 >> 16
            sums = []
            for p in range(NPAIR):
                uw = plsc.load_gather(zt, [pcols[p], u16])
                vw = plsc.load_gather(zt, [pcols[p], v16])
                prod = plsc.bitcast(uw, jnp.bfloat16) * plsc.bitcast(
                    vw, jnp.bfloat16
                )
                lo, hi = plsc.unpack(prod, format=plsc.PackFormat.INTERLEAVED)
                sums.append(lo + hi)
            pb[pl.ds(off, L)] = (sums[0] + sums[1]) + (sums[2] + sums[3])

    start_in(0, 0)

    def chunk_body(g):
        for b in range(2):
            c = g + b

            @pl.when(c + 1 < NCHUNK)
            def _():
                start_in(c + 1, 1 - b)

            wait_in(b)

            @pl.when(c >= 2)
            def _():
                wait_out(b)

            compute_chunk(b)
            start_out(c, b)

    pl.loop(0, NCHUNK, step=2)(chunk_body)

    wait_out(0)
    wait_out(1)


_PBR = 512

_SEL_EVEN = np.zeros((D, D // 2), np.float32)
_SEL_EVEN[2 * np.arange(D // 2), np.arange(D // 2)] = 1.0
_SEL_ODD = np.zeros((D, D // 2), np.float32)
_SEL_ODD[2 * np.arange(D // 2) + 1, np.arange(D // 2)] = 1.0


def _pack_kernel(z_ref, se_ref, so_ref, o_ref):
    x = z_ref[...]
    lo = jnp.dot(x, se_ref[...], preferred_element_type=jnp.float32)
    hi = jnp.dot(x, so_ref[...], preferred_element_type=jnp.float32)

    def rne(f):
        u = jax.lax.bitcast_convert_type(f, jnp.uint32)
        return (u + 0x7FFF + ((u >> 16) & 1)) >> 16

    w = jax.lax.bitcast_convert_type(rne(lo) | (rne(hi) << 16), jnp.int32)
    o_ref[...] = w.T


def _pack_transpose(z):
    return pl.pallas_call(
        _pack_kernel,
        grid=(N_PAD // _PBR,),
        in_specs=[
            pl.BlockSpec((_PBR, D), lambda i: (i, 0)),
            pl.BlockSpec((D, D // 2), lambda i: (0, 0)),
            pl.BlockSpec((D, D // 2), lambda i: (0, 0)),
        ],
        out_specs=pl.BlockSpec((D // 2, _PBR), lambda i: (0, i)),
        out_shape=jax.ShapeDtypeStruct((D // 2, N_PAD), jnp.int32),
    )(z, jnp.asarray(_SEL_EVEN), jnp.asarray(_SEL_ODD))


_BLK = 16000
_NSTEP = E // _BLK
_GRID2 = _NSTEP // 2


def _tc_sum_kernel(
    parts_hbm, out_hbm, buf0, buf1, obuf0, obuf1, sem0, sem1, osem0, osem1
):
    g = pl.program_id(0)
    bufs = (buf0, buf1)
    obufs = (obuf0, obuf1)
    sems = (sem0, sem1)
    osems = (osem0, osem1)

    def start_in(step, b):
        for r in range(NW):
            pltpu.make_async_copy(
                parts_hbm.at[pl.ds(r * E + step * _BLK, _BLK)],
                bufs[b].at[r],
                sems[b],
            ).start()

    def wait_in(b):
        for r in range(NW):
            pltpu.make_async_copy(
                parts_hbm.at[pl.ds(0, _BLK)], bufs[b].at[r], sems[b]
            ).wait()

    def wait_out(b):
        pltpu.make_async_copy(
            obufs[b], out_hbm.at[pl.ds(0, _BLK)], osems[b]
        ).wait()

    @pl.when(g == 0)
    def _():
        start_in(0, 0)

    for b in range(2):
        step = 2 * g + b

        @pl.when(step + 1 < _NSTEP)
        def _():
            start_in(step + 1, 1 - b)

        wait_in(b)

        @pl.when(step >= 2)
        def _():
            wait_out(b)

        obufs[b][...] = jnp.sum(bufs[b][...], axis=0)
        pltpu.make_async_copy(
            obufs[b], out_hbm.at[pl.ds(step * _BLK, _BLK)], osems[b]
        ).start()

    @pl.when(g == _GRID2 - 1)
    def _():
        wait_out(0)
        wait_out(1)


def _tc_sum(parts_flat):
    return pl.pallas_call(
        _tc_sum_kernel,
        grid=(_GRID2,),
        in_specs=[pl.BlockSpec(memory_space=pl.ANY)],
        out_specs=pl.BlockSpec(memory_space=pl.ANY),
        out_shape=jax.ShapeDtypeStruct((E,), jnp.float32),
        scratch_shapes=[
            pltpu.VMEM((NW, _BLK), jnp.float32),
            pltpu.VMEM((NW, _BLK), jnp.float32),
            pltpu.VMEM((_BLK,), jnp.float32),
            pltpu.VMEM((_BLK,), jnp.float32),
            pltpu.SemaphoreType.DMA,
            pltpu.SemaphoreType.DMA,
            pltpu.SemaphoreType.DMA,
            pltpu.SemaphoreType.DMA,
        ],
    )(parts_flat)


def kernel(z, edges):
    edges = edges.astype(jnp.int32)
    uv = edges[:, 0] | (edges[:, 1] << 16)
    zt = _pack_transpose(z)
    parts = _sc_partial_dots(zt, uv)
    return _tc_sum(parts)

# --- scband reference (transcript-rebuilt; emitter-appended) ---
"""Pipeline reference for scband-dot-decoder-10170482557118 (READ-ONLY COPY).

The authoritative reference and input builder live on the scoring server;
editing this copy changes nothing except your own understanding.
"""

import jax, jax.numpy as jnp
import numpy as np

def setup_inputs(seed: int = 0) -> dict:
    key = jax.random.key(seed)
    k1, k2 = jax.random.split(key)
    z = jax.random.normal(k1, (10000, 256), dtype=jnp.float32)
    edges = jax.random.randint(k2, (160000, 2), 0, 10000, dtype=jnp.int64)
    return {"z": z, "edges": edges}

def reference(z, edges):
    u = jnp.take(z, edges[:, 0], axis=0)
    v = jnp.take(z, edges[:, 1], axis=0)
    return (u * v).sum(axis=1)

if __name__ == "__main__":
    import jax
    _d = setup_inputs()
    print(jax.jit(kernel)(*tuple(_d.values())))

</pallas_src>

<mosaic_0001>
#map = affine_map<(d0, d1) -> (0, 0)>
#map1 = affine_map<(d0, d1) -> (0)>
module attributes {stable_mosaic.version = 14 : i64} {
  func.func @_sc_partial_dots(%arg0: i32, %arg1: i32, %arg2: memref<128x10240xi32, #tpu.memory_space<hbm>>, %arg3: memref<160000xi32, #tpu.memory_space<hbm>>, %arg4: memref<5120000xf32, #tpu.memory_space<hbm>>, %arg5: memref<4x10240xi32, #tpu.memory_space<vmem>>, %arg6: memref<8000xi32, #tpu.memory_space<vmem>>, %arg7: memref<8000xi32, #tpu.memory_space<vmem>>, %arg8: memref<8000xf32, #tpu.memory_space<vmem>>, %arg9: memref<8000xf32, #tpu.memory_space<vmem>>, %arg10: memref<!tpu.dma_semaphore, #tpu.memory_space<semaphore_mem>>, %arg11: memref<!tpu.dma_semaphore, #tpu.memory_space<semaphore_mem>>, %arg12: memref<!tpu.dma_semaphore, #tpu.memory_space<semaphore_mem>>, %arg13: memref<!tpu.dma_semaphore, #tpu.memory_space<semaphore_mem>>) attributes {dimension_semantics = [#tpu.dimension_semantics<core_parallel>, #tpu.dimension_semantics<subcore_parallel>], iteration_bounds = array<i64: 2, 16>, scalar_prefetch = 0 : i64, scratch_operands = 9 : i64, tpu.core_type = #tpu.core_type<sc_vector_subcore>, window_params = [{transform_indices = #map}, {transform_indices = #map1}, {transform_indices = #map1}]} {
    %mul3A = arith.constant 2 : i32
    %mul3A_0 = arith.muli %arg1, %mul3A : i32
    %add3A = arith.addi %mul3A_0, %arg0 : i32
    %mul3A_1 = arith.constant 4 : i32
    %mul3A_2 = arith.muli %add3A, %mul3A_1 : i32
    "tpu.region"() ({
      %run_scoped3A = tpu.sem_alloc : memref<!tpu.dma_semaphore, #tpu.memory_space<semaphore_mem>>
      %dma_start3A_24 = arith.constant 0 : i32
      %dma_start3A_25 = tpu.memref_slice %arg2[%mul3A_2, %dma_start3A_24] : memref<128x10240xi32, #tpu.memory_space<hbm>> -> memref<4x10240xi32, #tpu.memory_space<hbm>>
      %dma_start3A_26 = arith.constant 0 : i32
      %dma_start3A_27 = tpu.memref_slice %arg2[%mul3A_2, %dma_start3A_26] : memref<128x10240xi32, #tpu.memory_space<hbm>> -> memref<4x10240xi32, #tpu.memory_space<hbm>>
      tpu.enqueue_dma source(%dma_start3A_27 : memref<4x10240xi32, #tpu.memory_space<hbm>>) target(%arg5 : memref<4x10240xi32, #tpu.memory_space<vmem>>) target_semaphore(%run_scoped3A : memref<!tpu.dma_semaphore, #tpu.memory_space<semaphore_mem>>)
      %dma_wait3A_28 = arith.constant 0 : i32
      %dma_wait3A_29 = tpu.memref_slice %arg2[%mul3A_2, %dma_wait3A_28] : memref<128x10240xi32, #tpu.memory_space<hbm>> -> memref<4x10240xi32, #tpu.memory_space<hbm>>
      %dma_wait3A_30 = arith.constant 0 : i32
      %dma_wait3A_31 = tpu.memref_slice %arg2[%mul3A_2, %dma_wait3A_30] : memref<128x10240xi32, #tpu.memory_space<hbm>> -> memref<4x10240xi32, #tpu.memory_space<hbm>>
      tpu.wait_dma2 semaphore(%run_scoped3A : memref<!tpu.dma_semaphore, #tpu.memory_space<semaphore_mem>>) src(%dma_wait3A_31 : memref<4x10240xi32, #tpu.memory_space<hbm>>) dst(%arg5 : memref<4x10240xi32, #tpu.memory_space<vmem>>)
      tpu.yield
    }) : () -> ()
    %broadcast_in_dim3A = arith.constant 0 : i32
    %broadcast_in_dim3A_3 = vector.broadcast %broadcast_in_dim3A : i32 to vector<16xi32>
    %broadcast_in_dim3A_4 = arith.constant 1 : i32
    %broadcast_in_dim3A_5 = vector.broadcast %broadcast_in_dim3A_4 : i32 to vector<16xi32>
    %broadcast_in_dim3A_6 = arith.constant 2 : i32
    %broadcast_in_dim3A_7 = vector.broadcast %broadcast_in_dim3A_6 : i32 to vector<16xi32>
    %broadcast_in_dim3A_8 = arith.constant 3 : i32
    %broadcast_in_dim3A_9 = vector.broadcast %broadcast_in_dim3A_8 : i32 to vector<16xi32>
    %dma_start3A = arith.constant 0 : i32
    %dma_start3A_10 = tpu.memref_slice %arg3[%dma_start3A] : memref<160000xi32, #tpu.memory_space<hbm>> -> memref<8000xi32, #tpu.memory_space<hbm>>
    %dma_start3A_11 = arith.constant 0 : i32
    %dma_start3A_12 = tpu.memref_slice %arg3[%dma_start3A_11] : memref<160000xi32, #tpu.memory_space<hbm>> -> memref<8000xi32, #tpu.memory_space<hbm>>
    tpu.enqueue_dma source(%dma_start3A_12 : memref<8000xi32, #tpu.memory_space<hbm>>) target(%arg6 : memref<8000xi32, #tpu.memory_space<vmem>>) target_semaphore(%arg10 : memref<!tpu.dma_semaphore, #tpu.memory_space<semaphore_mem>>)
    %scan3A = arith.constant 0 : i32
    %scan3A_13 = arith.constant 10 : i32
    %scan3A_14 = arith.addi %scan3A, %scan3A_13 : i32
    %scan3A_15 = arith.constant 1 : i32
    scf.for %scan3A_24 = %scan3A to %scan3A_14 step %scan3A_15  : i32 {
      %mul3A_25 = arith.constant 2 : i32
      %mul3A_26 = arith.muli %scan3A_24, %mul3A_25 : i32
      %add3A_27 = arith.constant 0 : i32
      %add3A_28 = arith.addi %add3A_27, %mul3A_26 : i32
      %add3A_29 = arith.constant 0 : i32
      %add3A_30 = arith.addi %add3A_28, %add3A_29 : i32
      %add3A_31 = arith.constant 1 : i32
      %add3A_32 = arith.addi %add3A_30, %add3A_31 : i32
      %lt3A = arith.constant 20 : i32
      %lt3A_33 = arith.cmpi slt, %add3A_32, %lt3A : i32
      %convert_element_type3A = arith.extui %lt3A_33 : i1 to i32
      %cond3A = arith.constant 0 : i32
      %cond3A_34 = arith.cmpi ne, %convert_element_type3A, %cond3A : i32
      scf.if %cond3A_34 {
        %add3A_80 = arith.constant 1 : i32
        %add3A_81 = arith.addi %add3A_30, %add3A_80 : i32
        %mul3A_82 = arith.constant 8000 : i32
        %mul3A_83 = arith.muli %add3A_81, %mul3A_82 : i32
        %dma_start3A_84 = tpu.memref_slice %arg3[%mul3A_83] : memref<160000xi32, #tpu.memory_space<hbm>> -> memref<8000xi32, #tpu.memory_space<hbm>>
        %dma_start3A_85 = tpu.memref_slice %arg3[%mul3A_83] : memref<160000xi32, #tpu.memory_space<hbm>> -> memref<8000xi32, #tpu.memory_space<hbm>>
        tpu.enqueue_dma source(%dma_start3A_85 : memref<8000xi32, #tpu.memory_space<hbm>>) target(%arg7 : memref<8000xi32, #tpu.memory_space<vmem>>) target_semaphore(%arg11 : memref<!tpu.dma_semaphore, #tpu.memory_space<semaphore_mem>>)
      } else {
      }
      %dma_wait3A_35 = arith.constant 0 : i32
      %dma_wait3A_36 = tpu.memref_slice %arg3[%dma_wait3A_35] : memref<160000xi32, #tpu.memory_space<hbm>> -> memref<8000xi32, #tpu.memory_space<hbm>>
      %dma_wait3A_37 = arith.constant 0 : i32
      %dma_wait3A_38 = tpu.memref_slice %arg3[%dma_wait3A_37] : memref<160000xi32, #tpu.memory_space<hbm>> -> memref<8000xi32, #tpu.memory_space<hbm>>
      tpu.wait_dma2 semaphore(%arg10 : memref<!tpu.dma_semaphore, #tpu.memory_space<semaphore_mem>>) src(%dma_wait3A_38 : memref<8000xi32, #tpu.memory_space<hbm>>) dst(%arg6 : memref<8000xi32, #tpu.memory_space<vmem>>)
      %ge3A = arith.constant 2 : i32
      %ge3A_39 = arith.cmpi sge, %add3A_30, %ge3A : i32
      %convert_element_type3A_40 = arith.extui %ge3A_39 : i1 to i32
      %cond3A_41 = arith.constant 0 : i32
      %cond3A_42 = arith.cmpi ne, %convert_element_type3A_40, %cond3A_41 : i32
      scf.if %cond3A_42 {
        %dma_wait3A_80 = arith.constant 0 : i32
        %dma_wait3A_81 = tpu.memref_slice %arg4[%dma_wait3A_80] : memref<5120000xf32, #tpu.memory_space<hbm>> -> memref<8000xf32, #tpu.memory_space<hbm>>
        %dma_wait3A_82 = arith.constant 0 : i32
        %dma_wait3A_83 = tpu.memref_slice %arg4[%dma_wait3A_82] : memref<5120000xf32, #tpu.memory_space<hbm>> -> memref<8000xf32, #tpu.memory_space<hbm>>
        tpu.wait_dma2 semaphore(%arg12 : memref<!tpu.dma_semaphore, #tpu.memory_space<semaphore_mem>>) src(%arg8 : memref<8000xf32, #tpu.memory_space<vmem>>) dst(%dma_wait3A_83 : memref<8000xf32, #tpu.memory_space<hbm>>)
      } else {
      }
      %parallel_loop3A = arith.constant 0 : i32
      %parallel_loop3A_43 = arith.constant 8000 : i32
      %parallel_loop3A_44 = arith.constant 16 : i32
      scf.for %parallel_loop3A_80 = %parallel_loop3A to %parallel_loop3A_43 step %parallel_loop3A_44  : i32 {
        %parallel_loop3A_81 = arith.index_cast %parallel_loop3A_80 : i32 to index
        %parallel_loop3A_82 = tpu.vector_load %arg6[%parallel_loop3A_81] {strides = array<i32>} : memref<8000xi32, #tpu.memory_space<vmem>>, vector<16xi32>,
        %parallel_loop3A_83 = arith.constant 65535 : i32
        %parallel_loop3A_84 = vector.broadcast %parallel_loop3A_83 : i32 to vector<16xi32>
        %parallel_loop3A_85 = arith.andi %parallel_loop3A_82, %parallel_loop3A_84 : vector<16xi32>
        %parallel_loop3A_86 = arith.constant 16 : i32
        %parallel_loop3A_87 = vector.broadcast %parallel_loop3A_86 : i32 to vector<16xi32>
        %parallel_loop3A_88 = arith.shrsi %parallel_loop3A_82, %parallel_loop3A_87 : vector<16xi32>
        %parallel_loop3A_89 = tpu.vector_load_idx %arg5[%broadcast_in_dim3A_3, %parallel_loop3A_85] : memref<4x10240xi32, #tpu.memory_space<vmem>>[vector<16xi32>, vector<16xi32>], vector<16xi32>,
        %parallel_loop3A_90 = tpu.vector_load_idx %arg5[%broadcast_in_dim3A_3, %parallel_loop3A_88] : memref<4x10240xi32, #tpu.memory_space<vmem>>[vector<16xi32>, vector<16xi32>], vector<16xi32>,
        %parallel_loop3A_91 = vector.bitcast %parallel_loop3A_89 : vector<16xi32> to vector<32xbf16>
        %parallel_loop3A_92 = vector.bitcast %parallel_loop3A_90 : vector<16xi32> to vector<32xbf16>
        %parallel_loop3A_93 = arith.mulf %parallel_loop3A_91, %parallel_loop3A_92 : vector<32xbf16>
        %parallel_loop3A_94 = tpu.unpack_subelements %parallel_loop3A_93, 0 {pack_format = #tpu.pack_format<interleaved>} : vector<32xbf16> -> vector<16xf32>
        %parallel_loop3A_95 = tpu.unpack_subelements %parallel_loop3A_93, 1 {pack_format = #tpu.pack_format<interleaved>} : vector<32xbf16> -> vector<16xf32>
        %parallel_loop3A_96 = arith.addf %parallel_loop3A_94, %parallel_loop3A_95 : vector<16xf32>
        %parallel_loop3A_97 = tpu.vector_load_idx %arg5[%broadcast_in_dim3A_5, %parallel_loop3A_85] : memref<4x10240xi32, #tpu.memory_space<vmem>>[vector<16xi32>, vector<16xi32>], vector<16xi32>,
        %parallel_loop3A_98 = tpu.vector_load_idx %arg5[%broadcast_in_dim3A_5, %parallel_loop3A_88] : memref<4x10240xi32, #tpu.memory_space<vmem>>[vector<16xi32>, vector<16xi32>], vector<16xi32>,
        %parallel_loop3A_99 = vector.bitcast %parallel_loop3A_97 : vector<16xi32> to vector<32xbf16>
        %parallel_loop3A_100 = vector.bitcast %parallel_loop3A_98 : vector<16xi32> to vector<32xbf16>
        %parallel_loop3A_101 = arith.mulf %parallel_loop3A_99, %parallel_loop3A_100 : vector<32xbf16>
        %parallel_loop3A_102 = tpu.unpack_subelements %parallel_loop3A_101, 0 {pack_format = #tpu.pack_format<interleaved>} : vector<32xbf16> -> vector<16xf32>
        %parallel_loop3A_103 = tpu.unpack_subelements %parallel_loop3A_101, 1 {pack_format = #tpu.pack_format<interleaved>} : vector<32xbf16> -> vector<16xf32>
        %parallel_loop3A_104 = arith.addf %parallel_loop3A_102, %parallel_loop3A_103 : vector<16xf32>
        %parallel_loop3A_105 = tpu.vector_load_idx %arg5[%broadcast_in_dim3A_7, %parallel_loop3A_85] : memref<4x10240xi32, #tpu.memory_space<vmem>>[vector<16xi32>, vector<16xi32>], vector<16xi32>,
        %parallel_loop3A_106 = tpu.vector_load_idx %arg5[%broadcast_in_dim3A_7, %parallel_loop3A_88] : memref<4x10240xi32, #tpu.memory_space<vmem>>[vector<16xi32>, vector<16xi32>], vector<16xi32>,
        %parallel_loop3A_107 = vector.bitcast %parallel_loop3A_105 : vector<16xi32> to vector<32xbf16>
        %parallel_loop3A_108 = vector.bitcast %parallel_loop3A_106 : vector<16xi32> to vector<32xbf16>
        %parallel_loop3A_109 = arith.mulf %parallel_loop3A_107, %parallel_loop3A_108 : vector<32xbf16>
        %parallel_loop3A_110 = tpu.unpack_subelements %parallel_loop3A_109, 0 {pack_format = #tpu.pack_format<interleaved>} : vector<32xbf16> -> vector<16xf32>
        %parallel_loop3A_111 = tpu.unpack_subelements %parallel_loop3A_109, 1 {pack_format = #tpu.pack_format<interleaved>} : vector<32xbf16> -> vector<16xf32>
        %parallel_loop3A_112 = arith.addf %parallel_loop3A_110, %parallel_loop3A_111 : vector<16xf32>
        %parallel_loop3A_113 = tpu.vector_load_idx %arg5[%broadcast_in_dim3A_9, %parallel_loop3A_85] : memref<4x10240xi32, #tpu.memory_space<vmem>>[vector<16xi32>, vector<16xi32>], vector<16xi32>,
        %parallel_loop3A_114 = tpu.vector_load_idx %arg5[%broadcast_in_dim3A_9, %parallel_loop3A_88] : memref<4x10240xi32, #tpu.memory_space<vmem>>[vector<16xi32>, vector<16xi32>], vector<16xi32>,
        %parallel_loop3A_115 = vector.bitcast %parallel_loop3A_113 : vector<16xi32> to vector<32xbf16>
        %parallel_loop3A_116 = vector.bitcast %parallel_loop3A_114 : vector<16xi32> to vector<32xbf16>
        %parallel_loop3A_117 = arith.mulf %parallel_loop3A_115, %parallel_loop3A_116 : vector<32xbf16>
        %parallel_loop3A_118 = tpu.unpack_subelements %parallel_loop3A_117, 0 {pack_format = #tpu.pack_format<interleaved>} : vector<32xbf16> -> vector<16xf32>
        %parallel_loop3A_119 = tpu.unpack_subelements %parallel_loop3A_117, 1 {pack_format = #tpu.pack_format<interleaved>} : vector<32xbf16> -> vector<16xf32>
        %parallel_loop3A_120 = arith.addf %parallel_loop3A_118, %parallel_loop3A_119 : vector<16xf32>
        %parallel_loop3A_121 = arith.addf %parallel_loop3A_96, %parallel_loop3A_104 : vector<16xf32>
        %parallel_loop3A_122 = arith.addf %parallel_loop3A_112, %parallel_loop3A_120 : vector<16xf32>
        %parallel_loop3A_123 = arith.addf %parallel_loop3A_121, %parallel_loop3A_122 : vector<16xf32>
        %parallel_loop3A_124 = arith.index_cast %parallel_loop3A_80 : i32 to index
        %parallel_loop3A_125 = tpu.vector_load %arg8[%parallel_loop3A_124] {strides = array<i32>} : memref<8000xf32, #tpu.memory_space<vmem>>, vector<16xf32>,
        tpu.vector_store %arg8[%parallel_loop3A_124], %parallel_loop3A_123 {strides = array<i32>} : memref<8000xf32, #tpu.memory_space<vmem>>, vector<16xf32>,
      } {sc.loop_unroll_factor = 2 : i64, sc.parallel_access}
      %mul3A_45 = arith.constant 160000 : i32
      %mul3A_46 = arith.muli %add3A, %mul3A_45 : i32
      %mul3A_47 = arith.constant 8000 : i32
      %mul3A_48 = arith.muli %add3A_30, %mul3A_47 : i32
      %add3A_49 = arith.addi %mul3A_46, %mul3A_48 : i32
      %dma_start3A_50 = tpu.memref_slice %arg4[%add3A_49] : memref<5120000xf32, #tpu.memory_space<hbm>> -> memref<8000xf32, #tpu.memory_space<hbm>>
      %dma_start3A_51 = tpu.memref_slice %arg4[%add3A_49] : memref<5120000xf32, #tpu.memory_space<hbm>> -> memref<8000xf32, #tpu.memory_space<hbm>>
      tpu.enqueue_dma source(%arg8 : memref<8000xf32, #tpu.memory_space<vmem>>) target(%dma_start3A_51 : memref<8000xf32, #tpu.memory_space<hbm>>) target_semaphore(%arg12 : memref<!tpu.dma_semaphore, #tpu.memory_space<semaphore_mem>>)
      %add3A_52 = arith.constant 1 : i32
      %add3A_53 = arith.addi %add3A_28, %add3A_52 : i32
      %add3A_54 = arith.constant 1 : i32
      %add3A_55 = arith.addi %add3A_53, %add3A_54 : i32
      %lt3A_56 = arith.constant 20 : i32
      %lt3A_57 = arith.cmpi slt, %add3A_55, %lt3A_56 : i32
      %convert_element_type3A_58 = arith.extui %lt3A_57 : i1 to i32
      %cond3A_59 = arith.constant 0 : i32
      %cond3A_60 = arith.cmpi ne, %convert_element_type3A_58, %cond3A_59 : i32
      scf.if %cond3A_60 {
        %add3A_80 = arith.constant 1 : i32
        %add3A_81 = arith.addi %add3A_53, %add3A_80 : i32
        %mul3A_82 = arith.constant 8000 : i32
        %mul3A_83 = arith.muli %add3A_81, %mul3A_82 : i32
        %dma_start3A_84 = tpu.memref_slice %arg3[%mul3A_83] : memref<160000xi32, #tpu.memory_space<hbm>> -> memref<8000xi32, #tpu.memory_space<hbm>>
        %dma_start3A_85 = tpu.memref_slice %arg3[%mul3A_83] : memref<160000xi32, #tpu.memory_space<hbm>> -> memref<8000xi32, #tpu.memory_space<hbm>>
        tpu.enqueue_dma source(%dma_start3A_85 : memref<8000xi32, #tpu.memory_space<hbm>>) target(%arg6 : memref<8000xi32, #tpu.memory_space<vmem>>) target_semaphore(%arg10 : memref<!tpu.dma_semaphore, #tpu.memory_space<semaphore_mem>>)
      } else {
      }
      %dma_wait3A_61 = arith.constant 0 : i32
      %dma_wait3A_62 = tpu.memref_slice %arg3[%dma_wait3A_61] : memref<160000xi32, #tpu.memory_space<hbm>> -> memref<8000xi32, #tpu.memory_space<hbm>>
      %dma_wait3A_63 = arith.constant 0 : i32
      %dma_wait3A_64 = tpu.memref_slice %arg3[%dma_wait3A_63] : memref<160000xi32, #tpu.memory_space<hbm>> -> memref<8000xi32, #tpu.memory_space<hbm>>
      tpu.wait_dma2 semaphore(%arg11 : memref<!tpu.dma_semaphore, #tpu.memory_space<semaphore_mem>>) src(%dma_wait3A_64 : memref<8000xi32, #tpu.memory_space<hbm>>) dst(%arg7 : memref<8000xi32, #tpu.memory_space<vmem>>)
      %ge3A_65 = arith.constant 2 : i32
      %ge3A_66 = arith.cmpi sge, %add3A_53, %ge3A_65 : i32
      %convert_element_type3A_67 = arith.extui %ge3A_66 : i1 to i32
      %cond3A_68 = arith.constant 0 : i32
      %cond3A_69 = arith.cmpi ne, %convert_element_type3A_67, %cond3A_68 : i32
      scf.if %cond3A_69 {
        %dma_wait3A_80 = arith.constant 0 : i32
        %dma_wait3A_81 = tpu.memref_slice %arg4[%dma_wait3A_80] : memref<5120000xf32, #tpu.memory_space<hbm>> -> memref<8000xf32, #tpu.memory_space<hbm>>
        %dma_wait3A_82 = arith.constant 0 : i32
        %dma_wait3A_83 = tpu.memref_slice %arg4[%dma_wait3A_82] : memref<5120000xf32, #tpu.memory_space<hbm>> -> memref<8000xf32, #tpu.memory_space<hbm>>
        tpu.wait_dma2 semaphore(%arg13 : memref<!tpu.dma_semaphore, #tpu.memory_space<semaphore_mem>>) src(%arg9 : memref<8000xf32, #tpu.memory_space<vmem>>) dst(%dma_wait3A_83 : memref<8000xf32, #tpu.memory_space<hbm>>)
      } else {
      }
      %parallel_loop3A_70 = arith.constant 0 : i32
      %parallel_loop3A_71 = arith.constant 8000 : i32
      %parallel_loop3A_72 = arith.constant 16 : i32
      scf.for %parallel_loop3A_80 = %parallel_loop3A_70 to %parallel_loop3A_71 step %parallel_loop3A_72  : i32 {
        %parallel_loop3A_81 = arith.index_cast %parallel_loop3A_80 : i32 to index
        %parallel_loop3A_82 = tpu.vector_load %arg7[%parallel_loop3A_81] {strides = array<i32>} : memref<8000xi32, #tpu.memory_space<vmem>>, vector<16xi32>,
        %parallel_loop3A_83 = arith.constant 65535 : i32
        %parallel_loop3A_84 = vector.broadcast %parallel_loop3A_83 : i32 to vector<16xi32>
        %parallel_loop3A_85 = arith.andi %parallel_loop3A_82, %parallel_loop3A_84 : vector<16xi32>
        %parallel_loop3A_86 = arith.constant 16 : i32
        %parallel_loop3A_87 = vector.broadcast %parallel_loop3A_86 : i32 to vector<16xi32>
        %parallel_loop3A_88 = arith.shrsi %parallel_loop3A_82, %parallel_loop3A_87 : vector<16xi32>
        %parallel_loop3A_89 = tpu.vector_load_idx %arg5[%broadcast_in_dim3A_3, %parallel_loop3A_85] : memref<4x10240xi32, #tpu.memory_space<vmem>>[vector<16xi32>, vector<16xi32>], vector<16xi32>,
        %parallel_loop3A_90 = tpu.vector_load_idx %arg5[%broadcast_in_dim3A_3, %parallel_loop3A_88] : memref<4x10240xi32, #tpu.memory_space<vmem>>[vector<16xi32>, vector<16xi32>], vector<16xi32>,
        %parallel_loop3A_91 = vector.bitcast %parallel_loop3A_89 : vector<16xi32> to vector<32xbf16>
        %parallel_loop3A_92 = vector.bitcast %parallel_loop3A_90 : vector<16xi32> to vector<32xbf16>
        %parallel_loop3A_93 = arith.mulf %parallel_loop3A_91, %parallel_loop3A_92 : vector<32xbf16>
        %parallel_loop3A_94 = tpu.unpack_subelements %parallel_loop3A_93, 0 {pack_format = #tpu.pack_format<interleaved>} : vector<32xbf16> -> vector<16xf32>
        %parallel_loop3A_95 = tpu.unpack_subelements %parallel_loop3A_93, 1 {pack_format = #tpu.pack_format<interleaved>} : vector<32xbf16> -> vector<16xf32>
        %parallel_loop3A_96 = arith.addf %parallel_loop3A_94, %parallel_loop3A_95 : vector<16xf32>
        %parallel_loop3A_97 = tpu.vector_load_idx %arg5[%broadcast_in_dim3A_5, %parallel_loop3A_85] : memref<4x10240xi32, #tpu.memory_space<vmem>>[vector<16xi32>, vector<16xi32>], vector<16xi32>,
        %parallel_loop3A_98 = tpu.vector_load_idx %arg5[%broadcast_in_dim3A_5, %parallel_loop3A_88] : memref<4x10240xi32, #tpu.memory_space<vmem>>[vector<16xi32>, vector<16xi32>], vector<16xi32>,
        %parallel_loop3A_99 = vector.bitcast %parallel_loop3A_97 : vector<16xi32> to vector<32xbf16>
        %parallel_loop3A_100 = vector.bitcast %parallel_loop3A_98 : vector<16xi32> to vector<32xbf16>
        %parallel_loop3A_101 = arith.mulf %parallel_loop3A_99, %parallel_loop3A_100 : vector<32xbf16>
        %parallel_loop3A_102 = tpu.unpack_subelements %parallel_loop3A_101, 0 {pack_format = #tpu.pack_format<interleaved>} : vector<32xbf16> -> vector<16xf32>
        %parallel_loop3A_103 = tpu.unpack_subelements %parallel_loop3A_101, 1 {pack_format = #tpu.pack_format<interleaved>} : vector<32xbf16> -> vector<16xf32>
        %parallel_loop3A_104 = arith.addf %parallel_loop3A_102, %parallel_loop3A_103 : vector<16xf32>
        %parallel_loop3A_105 = tpu.vector_load_idx %arg5[%broadcast_in_dim3A_7, %parallel_loop3A_85] : memref<4x10240xi32, #tpu.memory_space<vmem>>[vector<16xi32>, vector<16xi32>], vector<16xi32>,
        %parallel_loop3A_106 = tpu.vector_load_idx %arg5[%broadcast_in_dim3A_7, %parallel_loop3A_88] : memref<4x10240xi32, #tpu.memory_space<vmem>>[vector<16xi32>, vector<16xi32>], vector<16xi32>,
        %parallel_loop3A_107 = vector.bitcast %parallel_loop3A_105 : vector<16xi32> to vector<32xbf16>
        %parallel_loop3A_108 = vector.bitcast %parallel_loop3A_106 : vector<16xi32> to vector<32xbf16>
        %parallel_loop3A_109 = arith.mulf %parallel_loop3A_107, %parallel_loop3A_108 : vector<32xbf16>
        %parallel_loop3A_110 = tpu.unpack_subelements %parallel_loop3A_109, 0 {pack_format = #tpu.pack_format<interleaved>} : vector<32xbf16> -> vector<16xf32>
        %parallel_loop3A_111 = tpu.unpack_subelements %parallel_loop3A_109, 1 {pack_format = #tpu.pack_format<interleaved>} : vector<32xbf16> -> vector<16xf32>
        %parallel_loop3A_112 = arith.addf %parallel_loop3A_110, %parallel_loop3A_111 : vector<16xf32>
        %parallel_loop3A_113 = tpu.vector_load_idx %arg5[%broadcast_in_dim3A_9, %parallel_loop3A_85] : memref<4x10240xi32, #tpu.memory_space<vmem>>[vector<16xi32>, vector<16xi32>], vector<16xi32>,
        %parallel_loop3A_114 = tpu.vector_load_idx %arg5[%broadcast_in_dim3A_9, %parallel_loop3A_88] : memref<4x10240xi32, #tpu.memory_space<vmem>>[vector<16xi32>, vector<16xi32>], vector<16xi32>,
        %parallel_loop3A_115 = vector.bitcast %parallel_loop3A_113 : vector<16xi32> to vector<32xbf16>
        %parallel_loop3A_116 = vector.bitcast %parallel_loop3A_114 : vector<16xi32> to vector<32xbf16>
        %parallel_loop3A_117 = arith.mulf %parallel_loop3A_115, %parallel_loop3A_116 : vector<32xbf16>
        %parallel_loop3A_118 = tpu.unpack_subelements %parallel_loop3A_117, 0 {pack_format = #tpu.pack_format<interleaved>} : vector<32xbf16> -> vector<16xf32>
        %parallel_loop3A_119 = tpu.unpack_subelements %parallel_loop3A_117, 1 {pack_format = #tpu.pack_format<interleaved>} : vector<32xbf16> -> vector<16xf32>
        %parallel_loop3A_120 = arith.addf %parallel_loop3A_118, %parallel_loop3A_119 : vector<16xf32>
        %parallel_loop3A_121 = arith.addf %parallel_loop3A_96, %parallel_loop3A_104 : vector<16xf32>
        %parallel_loop3A_122 = arith.addf %parallel_loop3A_112, %parallel_loop3A_120 : vector<16xf32>
        %parallel_loop3A_123 = arith.addf %parallel_loop3A_121, %parallel_loop3A_122 : vector<16xf32>
        %parallel_loop3A_124 = arith.index_cast %parallel_loop3A_80 : i32 to index
        %parallel_loop3A_125 = tpu.vector_load %arg9[%parallel_loop3A_124] {strides = array<i32>} : memref<8000xf32, #tpu.memory_space<vmem>>, vector<16xf32>,
        tpu.vector_store %arg9[%parallel_loop3A_124], %parallel_loop3A_123 {strides = array<i32>} : memref<8000xf32, #tpu.memory_space<vmem>>, vector<16xf32>,
      } {sc.loop_unroll_factor = 2 : i64, sc.parallel_access}
      %mul3A_73 = arith.constant 160000 : i32
      %mul3A_74 = arith.muli %add3A, %mul3A_73 : i32
      %mul3A_75 = arith.constant 8000 : i32
      %mul3A_76 = arith.muli %add3A_53, %mul3A_75 : i32
      %add3A_77 = arith.addi %mul3A_74, %mul3A_76 : i32
      %dma_start3A_78 = tpu.memref_slice %arg4[%add3A_77] : memref<5120000xf32, #tpu.memory_space<hbm>> -> memref<8000xf32, #tpu.memory_space<hbm>>
      %dma_start3A_79 = tpu.memref_slice %arg4[%add3A_77] : memref<5120000xf32, #tpu.memory_space<hbm>> -> memref<8000xf32, #tpu.memory_space<hbm>>
      tpu.enqueue_dma source(%arg9 : memref<8000xf32, #tpu.memory_space<vmem>>) target(%dma_start3A_79 : memref<8000xf32, #tpu.memory_space<hbm>>) target_semaphore(%arg13 : memref<!tpu.dma_semaphore, #tpu.memory_space<semaphore_mem>>)
    }
    %scan3A_16 = arith.constant 10 : i32
    %dma_wait3A = arith.constant 0 : i32
    %dma_wait3A_17 = tpu.memref_slice %arg4[%dma_wait3A] : memref<5120000xf32, #tpu.memory_space<hbm>> -> memref<8000xf32, #tpu.memory_space<hbm>>
    %dma_wait3A_18 = arith.constant 0 : i32
    %dma_wait3A_19 = tpu.memref_slice %arg4[%dma_wait3A_18] : memref<5120000xf32, #tpu.memory_space<hbm>> -> memref<8000xf32, #tpu.memory_space<hbm>>
    tpu.wait_dma2 semaphore(%arg12 : memref<!tpu.dma_semaphore, #tpu.memory_space<semaphore_mem>>) src(%arg8 : memref<8000xf32, #tpu.memory_space<vmem>>) dst(%dma_wait3A_19 : memref<8000xf32, #tpu.memory_space<hbm>>)
    %dma_wait3A_20 = arith.constant 0 : i32
    %dma_wait3A_21 = tpu.memref_slice %arg4[%dma_wait3A_20] : memref<5120000xf32, #tpu.memory_space<hbm>> -> memref<8000xf32, #tpu.memory_space<hbm>>
    %dma_wait3A_22 = arith.constant 0 : i32
    %dma_wait3A_23 = tpu.memref_slice %arg4[%dma_wait3A_22] : memref<5120000xf32, #tpu.memory_space<hbm>> -> memref<8000xf32, #tpu.memory_space<hbm>>
    tpu.wait_dma2 semaphore(%arg13 : memref<!tpu.dma_semaphore, #tpu.memory_space<semaphore_mem>>) src(%arg9 : memref<8000xf32, #tpu.memory_space<vmem>>) dst(%dma_wait3A_23 : memref<8000xf32, #tpu.memory_space<hbm>>)
    return
  }
}

module attributes {stable_mosaic.version = 14 : i64} {
  func.func @_pack_kernel(%arg0: i32, %arg1: memref<512x256xf32, #tpu.memory_space<vmem>>, %arg2: memref<256x128xf32, #tpu.memory_space<vmem>>, %arg3: memref<256x128xf32, #tpu.memory_space<vmem>>, %arg4: memref<128x512xi32, #tpu.memory_space<vmem>>) attributes {dimension_semantics = [#tpu.dimension_semantics<arbitrary>], iteration_bounds = array<i64: 20>, scalar_prefetch = 0 : i64, scratch_operands = 0 : i64, tpu.core_type = #tpu.core_type<tc>, window_params = [{transform_indices = @transform_0, window_bounds = array<i64: 512, 256>}, {pipeline_mode = #tpu.pipeline_mode<synchronous>, transform_indices = @transform_1, window_bounds = array<i64: 256, 128>}, {pipeline_mode = #tpu.pipeline_mode<synchronous>, transform_indices = @transform_2, window_bounds = array<i64: 256, 128>}, {transform_indices = @transform_3, window_bounds = array<i64: 128, 512>}]} {
    %get3A = arith.constant 0 : index
    %get3A_0 = arith.constant 0 : index
    %get3A_1 = vector.load %arg1[%get3A, %get3A_0] : memref<512x256xf32, #tpu.memory_space<vmem>>, vector<512x256xf32>
    %get3A_2 = arith.constant 0 : index
    %get3A_3 = arith.constant 0 : index
    %get3A_4 = vector.load %arg2[%get3A_2, %get3A_3] : memref<256x128xf32, #tpu.memory_space<vmem>>, vector<256x128xf32>
    %dot_general3A = arith.constant dense<0.000000e+00> : vector<512x128xf32>
    %dot_general3A_5 = tpu.matmul %get3A_1, %get3A_4, %dot_general3A {dimension_numbers = #tpu.dot_dimension_numbers<[1], [0], [0], [1], [0, 0, 1, 1], [], []>, transpose_lhs_hint = false} : vector<512x256xf32>, vector<256x128xf32>, vector<512x128xf32> -> vector<512x128xf32>
    %get3A_6 = arith.constant 0 : index
    %get3A_7 = arith.constant 0 : index
    %get3A_8 = vector.load %arg3[%get3A_6, %get3A_7] : memref<256x128xf32, #tpu.memory_space<vmem>>, vector<256x128xf32>
    %dot_general3A_9 = arith.constant dense<0.000000e+00> : vector<512x128xf32>
    %dot_general3A_10 = tpu.matmul %get3A_1, %get3A_8, %dot_general3A_9 {dimension_numbers = #tpu.dot_dimension_numbers<[1], [0], [0], [1], [0, 0, 1, 1], [], []>, transpose_lhs_hint = false} : vector<512x256xf32>, vector<256x128xf32>, vector<512x128xf32> -> vector<512x128xf32>
    %bitcast_convert_type3A = tpu.bitcast %dot_general3A_5 : vector<512x128xf32> -> vector<512x128xi32>
    %add3A = arith.constant 32767 : i32
    %add3A_11 = vector.broadcast %add3A : i32 to vector<512x128xi32>
    %add3A_12 = arith.addi %bitcast_convert_type3A, %add3A_11 : vector<512x128xi32>
    %shift_right_logical3A = arith.constant 16 : i32
    %shift_right_logical3A_13 = vector.broadcast %shift_right_logical3A : i32 to vector<512x128xi32>
    %shift_right_logical3A_14 = arith.shrui %bitcast_convert_type3A, %shift_right_logical3A_13 : vector<512x128xi32>
    %and3A = arith.constant 1 : i32
    %and3A_15 = vector.broadcast %and3A : i32 to vector<512x128xi32>
    %and3A_16 = arith.andi %shift_right_logical3A_14, %and3A_15 : vector<512x128xi32>
    %add3A_17 = arith.addi %add3A_12, %and3A_16 : vector<512x128xi32>
    %shift_right_logical3A_18 = arith.constant 16 : i32
    %shift_right_logical3A_19 = vector.broadcast %shift_right_logical3A_18 : i32 to vector<512x128xi32>
    %shift_right_logical3A_20 = arith.shrui %add3A_17, %shift_right_logical3A_19 : vector<512x128xi32>
    %bitcast_convert_type3A_21 = tpu.bitcast %dot_general3A_10 : vector<512x128xf32> -> vector<512x128xi32>
    %add3A_22 = arith.constant 32767 : i32
    %add3A_23 = vector.broadcast %add3A_22 : i32 to vector<512x128xi32>
    %add3A_24 = arith.addi %bitcast_convert_type3A_21, %add3A_23 : vector<512x128xi32>
    %shift_right_logical3A_25 = arith.constant 16 : i32
    %shift_right_logical3A_26 = vector.broadcast %shift_right_logical3A_25 : i32 to vector<512x128xi32>
    %shift_right_logical3A_27 = arith.shrui %bitcast_convert_type3A_21, %shift_right_logical3A_26 : vector<512x128xi32>
    %and3A_28 = arith.constant 1 : i32
    %and3A_29 = vector.broadcast %and3A_28 : i32 to vector<512x128xi32>
    %and3A_30 = arith.andi %shift_right_logical3A_27, %and3A_29 : vector<512x128xi32>
    %add3A_31 = arith.addi %add3A_24, %and3A_30 : vector<512x128xi32>
    %shift_right_logical3A_32 = arith.constant 16 : i32
    %shift_right_logical3A_33 = vector.broadcast %shift_right_logical3A_32 : i32 to vector<512x128xi32>
    %shift_right_logical3A_34 = arith.shrui %add3A_31, %shift_right_logical3A_33 : vector<512x128xi32>
    %shift_left3A = arith.constant 16 : i32
    %shift_left3A_35 = vector.broadcast %shift_left3A : i32 to vector<512x128xi32>
    %shift_left3A_36 = arith.shli %shift_right_logical3A_34, %shift_left3A_35 : vector<512x128xi32>
    %or3A = arith.ori %shift_right_logical3A_20, %shift_left3A_36 : vector<512x128xi32>
    %bitcast_convert_type3A_37 = tpu.bitcast %or3A : vector<512x128xi32> -> vector<512x128xi32>
    %transpose3A = tpu.transpose %bitcast_convert_type3A_37, [1, 0] : vector<512x128xi32> -> vector<128x512xi32>
    %swap3A = arith.constant 0 : index
    %swap3A_38 = arith.constant 0 : index
    %swap3A_39 = vector.load %arg4[%swap3A, %swap3A_38] : memref<128x512xi32, #tpu.memory_space<vmem>>, vector<128x512xi32>
    tpu.vector_store %arg4[%swap3A, %swap3A_38], %transpose3A {strides = array<i32>} : memref<128x512xi32, #tpu.memory_space<vmem>>, vector<128x512xi32>,
    return
  }
  func.func @transform_0(%arg0: i32) -> (i32, i32) {
    %c0_i32 = arith.constant 0 : i32
    %c0_i32_0 = arith.constant 0 : i32
    return %arg0, %c0_i32 : i32, i32
  }
  func.func @transform_1(%arg0: i32) -> (i32, i32) {
    %c0_i32 = arith.constant 0 : i32
    %c0_i32_0 = arith.constant 0 : i32
    %c0_i32_1 = arith.constant 0 : i32
    return %c0_i32, %c0_i32_0 : i32, i32
  }
  func.func @transform_2(%arg0: i32) -> (i32, i32) {
    %c0_i32 = arith.constant 0 : i32
    %c0_i32_0 = arith.constant 0 : i32
    %c0_i32_1 = arith.constant 0 : i32
    return %c0_i32, %c0_i32_0 : i32, i32
  }
  func.func @transform_3(%arg0: i32) -> (i32, i32) {
    %c0_i32 = arith.constant 0 : i32
    %c0_i32_0 = arith.constant 0 : i32
    return %c0_i32, %arg0 : i32, i32
  }
}

module attributes {stable_mosaic.version = 14 : i64} {
  func.func @_tc_sum_kernel(%arg0: i32, %arg1: memref<5120000xf32, #tpu.memory_space<any>>, %arg2: memref<160000xf32, #tpu.memory_space<any>>, %arg3: memref<32x16000xf32, #tpu.memory_space<vmem>>, %arg4: memref<32x16000xf32, #tpu.memory_space<vmem>>, %arg5: memref<16000xf32, #tpu.memory_space<vmem>>, %arg6: memref<16000xf32, #tpu.memory_space<vmem>>, %arg7: memref<!tpu.dma_semaphore, #tpu.memory_space<semaphore_mem>>, %arg8: memref<!tpu.dma_semaphore, #tpu.memory_space<semaphore_mem>>, %arg9: memref<!tpu.dma_semaphore, #tpu.memory_space<semaphore_mem>>, %arg10: memref<!tpu.dma_semaphore, #tpu.memory_space<semaphore_mem>>) attributes {dimension_semantics = [#tpu.dimension_semantics<arbitrary>], iteration_bounds = array<i64: 5>, scalar_prefetch = 0 : i64, scratch_operands = 8 : i64, tpu.core_type = #tpu.core_type<tc>, window_params = [{}, {}]} {
    %eq3A = arith.constant 0 : i32
    %eq3A_0 = arith.cmpi eq, %arg0, %eq3A : i32
    %convert_element_type3A = arith.extui %eq3A_0 : i1 to i32
    %cond3A = arith.constant 0 : i32
    %cond3A_1 = arith.cmpi ne, %convert_element_type3A, %cond3A : i32
    scf.if %cond3A_1 {
      %dma_start3A_434 = arith.constant 0 : i32
      %dma_start3A_435 = arith.constant 0 : i32
      %dma_start3A_436 = tpu.memref_slice %arg3[%dma_start3A_434, %dma_start3A_435] : memref<32x16000xf32, #tpu.memory_space<vmem>> -> memref<1x16000xf32, #tpu.memory_space<vmem>>
      %dma_start3A_437 = tpu.memref_squeeze %dma_start3A_436 : memref<1x16000xf32, #tpu.memory_space<vmem>> -> memref<16000xf32, #tpu.memory_space<vmem>>
      %dma_start3A_438 = arith.constant 0 : i32
      %dma_start3A_439 = tpu.memref_slice %arg1[%dma_start3A_438] : memref<5120000xf32, #tpu.memory_space<any>> -> memref<16000xf32, #tpu.memory_space<any>>
      tpu.enqueue_dma source(%dma_start3A_439 : memref<16000xf32, #tpu.memory_space<any>>) target(%dma_start3A_437 : memref<16000xf32, #tpu.memory_space<vmem>>) target_semaphore(%arg7 : memref<!tpu.dma_semaphore, #tpu.memory_space<semaphore_mem>>)
      %dma_start3A_440 = arith.constant 1 : i32
      %dma_start3A_441 = arith.constant 0 : i32
      %dma_start3A_442 = tpu.memref_slice %arg3[%dma_start3A_440, %dma_start3A_441] : memref<32x16000xf32, #tpu.memory_space<vmem>> -> memref<1x16000xf32, #tpu.memory_space<vmem>>
      %dma_start3A_443 = tpu.memref_squeeze %dma_start3A_442 : memref<1x16000xf32, #tpu.memory_space<vmem>> -> memref<16000xf32, #tpu.memory_space<vmem>>
      %dma_start3A_444 = arith.constant 160000 : i32
      %dma_start3A_445 = tpu.memref_slice %arg1[%dma_start3A_444] : memref<5120000xf32, #tpu.memory_space<any>> -> memref<16000xf32, #tpu.memory_space<any>>
      tpu.enqueue_dma source(%dma_start3A_445 : memref<16000xf32, #tpu.memory_space<any>>) target(%dma_start3A_443 : memref<16000xf32, #tpu.memory_space<vmem>>) target_semaphore(%arg7 : memref<!tpu.dma_semaphore, #tpu.memory_space<semaphore_mem>>)
      %dma_start3A_446 = arith.constant 2 : i32
      %dma_start3A_447 = arith.constant 0 : i32
      %dma_start3A_448 = tpu.memref_slice %arg3[%dma_start3A_446, %dma_start3A_447] : memref<32x16000xf32, #tpu.memory_space<vmem>> -> memref<1x16000xf32, #tpu.memory_space<vmem>>
      %dma_start3A_449 = tpu.memref_squeeze %dma_start3A_448 : memref<1x16000xf32, #tpu.memory_space<vmem>> -> memref<16000xf32, #tpu.memory_space<vmem>>
      %dma_start3A_450 = arith.constant 320000 : i32
      %dma_start3A_451 = tpu.memref_slice %arg1[%dma_start3A_450] : memref<5120000xf32, #tpu.memory_space<any>> -> memref<16000xf32, #tpu.memory_space<any>>
      tpu.enqueue_dma source(%dma_start3A_451 : memref<16000xf32, #tpu.memory_space<any>>) target(%dma_start3A_449 : memref<16000xf32, #tpu.memory_space<vmem>>) target_semaphore(%arg7 : memref<!tpu.dma_semaphore, #tpu.memory_space<semaphore_mem>>)
      %dma_start3A_452 = arith.constant 3 : i32
      %dma_start3A_453 = arith.constant 0 : i32
      %dma_start3A_454 = tpu.memref_slice %arg3[%dma_start3A_452, %dma_start3A_453] : memref<32x16000xf32, #tpu.memory_space<vmem>> -> memref<1x16000xf32, #tpu.memory_space<vmem>>
      %dma_start3A_455 = tpu.memref_squeeze %dma_start3A_454 : memref<1x16000xf32, #tpu.memory_space<vmem>> -> memref<16000xf32, #tpu.memory_space<vmem>>
      %dma_start3A_456 = arith.constant 480000 : i32
      %dma_start3A_457 = tpu.memref_slice %arg1[%dma_start3A_456] : memref<5120000xf32, #tpu.memory_space<any>> -> memref<16000xf32, #tpu.memory_space<any>>
      tpu.enqueue_dma source(%dma_start3A_457 : memref<16000xf32, #tpu.memory_space<any>>) target(%dma_start3A_455 : memref<16000xf32, #tpu.memory_space<vmem>>) target_semaphore(%arg7 : memref<!tpu.dma_semaphore, #tpu.memory_space<semaphore_mem>>)
      %dma_start3A_458 = arith.constant 4 : i32
      %dma_start3A_459 = arith.constant 0 : i32
      %dma_start3A_460 = tpu.memref_slice %arg3[%dma_start3A_458, %dma_start3A_459] : memref<32x16000xf32, #tpu.memory_space<vmem>> -> memref<1x16000xf32, #tpu.memory_space<vmem>>
      %dma_start3A_461 = tpu.memref_squeeze %dma_start3A_460 : memref<1x16000xf32, #tpu.memory_space<vmem>> -> memref<16000xf32, #tpu.memory_space<vmem>>
      %dma_start3A_462 = arith.constant 640000 : i32
      %dma_start3A_463 = tpu.memref_slice %arg1[%dma_start3A_462] : memref<5120000xf32, #tpu.memory_space<any>> -> memref<16000xf32, #tpu.memory_space<any>>
      tpu.enqueue_dma source(%dma_start3A_463 : memref<16000xf32, #tpu.memory_space<any>>) target(%dma_start3A_461 : memref<16000xf32, #tpu.memory_space<vmem>>) target_semaphore(%arg7 : memref<!tpu.dma_semaphore, #tpu.memory_space<semaphore_mem>>)
      %dma_start3A_464 = arith.constant 5 : i32
      %dma_start3A_465 = arith.constant 0 : i32
      %dma_start3A_466 = tpu.memref_slice %arg3[%dma_start3A_464, %dma_start3A_465] : memref<32x16000xf32, #tpu.memory_space<vmem>> -> memref<1x16000xf32, #tpu.memory_space<vmem>>
      %dma_start3A_467 = tpu.memref_squeeze %dma_start3A_466 : memref<1x16000xf32, #tpu.memory_space<vmem>> -> memref<16000xf32, #tpu.memory_space<vmem>>
      %dma_start3A_468 = arith.constant 800000 : i32
      %dma_start3A_469 = tpu.memref_slice %arg1[%dma_start3A_468] : memref<5120000xf32, #tpu.memory_space<any>> -> memref<16000xf32, #tpu.memory_space<any>>
      tpu.enqueue_dma source(%dma_start3A_469 : memref<16000xf32, #tpu.memory_space<any>>) target(%dma_start3A_467 : memref<16000xf32, #tpu.memory_space<vmem>>) target_semaphore(%arg7 : memref<!tpu.dma_semaphore, #tpu.memory_space<semaphore_mem>>)
      %dma_start3A_470 = arith.constant 6 : i32
      %dma_start3A_471 = arith.constant 0 : i32
      %dma_start3A_472 = tpu.memref_slice %arg3[%dma_start3A_470, %dma_start3A_471] : memref<32x16000xf32, #tpu.memory_space<vmem>> -> memref<1x16000xf32, #tpu.memory_space<vmem>>
      %dma_start3A_473 = tpu.memref_squeeze %dma_start3A_472 : memref<1x16000xf32, #tpu.memory_space<vmem>> -> memref<16000xf32, #tpu.memory_space<vmem>>
      %dma_start3A_474 = arith.constant 960000 : i32
      %dma_start3A_475 = tpu.memref_slice %arg1[%dma_start3A_474] : memref<5120000xf32, #tpu.memory_space<any>> -> memref<16000xf32, #tpu.memory_space<any>>
      tpu.enqueue_dma source(%dma_start3A_475 : memref<16000xf32, #tpu.memory_space<any>>) target(%dma_start3A_473 : memref<16000xf32, #tpu.memory_space<vmem>>) target_semaphore(%arg7 : memref<!tpu.dma_semaphore, #tpu.memory_space<semaphore_mem>>)
      %dma_start3A_476 = arith.constant 7 : i32
      %dma_start3A_477 = arith.constant 0 : i32
      %dma_start3A_478 = tpu.memref_slice %arg3[%dma_start3A_476, %dma_start3A_477] : memref<32x16000xf32, #tpu.memory_space<vmem>> -> memref<1x16000xf32, #tpu.memory_space<vmem>>
      %dma_start3A_479 = tpu.memref_squeeze %dma_start3A_478 : memref<1x16000xf32, #tpu.memory_space<vmem>> -> memref<16000xf32, #tpu.memory_space<vmem>>
      %dma_start3A_480 = arith.constant 1120000 : i32
      %dma_start3A_481 = tpu.memref_slice %arg1[%dma_start3A_480] : memref<5120000xf32, #tpu.memory_space<any>> -> memref<16000xf32, #tpu.memory_space<any>>
      tpu.enqueue_dma source(%dma_start3A_481 : memref<16000xf32, #tpu.memory_space<any>>) target(%dma_start3A_479 : memref<16000xf32, #tpu.memory_space<vmem>>) target_semaphore(%arg7 : memref<!tpu.dma_semaphore, #tpu.memory_space<semaphore_mem>>)
      %dma_start3A_482 = arith.constant 8 : i32
      %dma_start3A_483 = arith.constant 0 : i32
      %dma_start3A_484 = tpu.memref_slice %arg3[%dma_start3A_482, %dma_start3A_483] : memref<32x16000xf32, #tpu.memory_space<vmem>> -> memref<1x16000xf32, #tpu.memory_space<vmem>>
      %dma_start3A_485 = tpu.memref_squeeze %dma_start3A_484 : memref<1x16000xf32, #tpu.memory_space<vmem>> -> memref<16000xf32, #tpu.memory_space<vmem>>
      %dma_start3A_486 = arith.constant 1280000 : i32
      %dma_start3A_487 = tpu.memref_slice %arg1[%dma_start3A_486] : memref<5120000xf32, #tpu.memory_space<any>> -> memref<16000xf32, #tpu.memory_space<any>>
      tpu.enqueue_dma source(%dma_start3A_487 : memref<16000xf32, #tpu.memory_space<any>>) target(%dma_start3A_485 : memref<16000xf32, #tpu.memory_space<vmem>>) target_semaphore(%arg7 : memref<!tpu.dma_semaphore, #tpu.memory_space<semaphore_mem>>)
      %dma_start3A_488 = arith.constant 9 : i32
      %dma_start3A_489 = arith.constant 0 : i32
      %dma_start3A_490 = tpu.memref_slice %arg3[%dma_start3A_488, %dma_start3A_489] : memref<32x16000xf32, #tpu.memory_space<vmem>> -> memref<1x16000xf32, #tpu.memory_space<vmem>>
      %dma_start3A_491 = tpu.memref_squeeze %dma_start3A_490 : memref<1x16000xf32, #tpu.memory_space<vmem>> -> memref<16000xf32, #tpu.memory_space<vmem>>
      %dma_start3A_492 = arith.constant 1440000 : i32
      %dma_start3A_493 = tpu.memref_slice %arg1[%dma_start3A_492] : memref<5120000xf32, #tpu.memory_space<any>> -> memref<16000xf32, #tpu.memory_space<any>>
      tpu.enqueue_dma source(%dma_start3A_493 : memref<16000xf32, #tpu.memory_space<any>>) target(%dma_start3A_491 : memref<16000xf32, #tpu.memory_space<vmem>>) target_semaphore(%arg7 : memref<!tpu.dma_semaphore, #tpu.memory_space<semaphore_mem>>)
      %dma_start3A_494 = arith.constant 10 : i32
      %dma_start3A_495 = arith.constant 0 : i32
      %dma_start3A_496 = tpu.memref_slice %arg3[%dma_start3A_494, %dma_start3A_495] : memref<32x16000xf32, #tpu.memory_space<vmem>> -> memref<1x16000xf32, #tpu.memory_space<vmem>>
      %dma_start3A_497 = tpu.memref_squeeze %dma_start3A_496 : memref<1x16000xf32, #tpu.memory_space<vmem>> -> memref<16000xf32, #tpu.memory_space<vmem>>
      %dma_start3A_498 = arith.constant 1600000 : i32
      %dma_start3A_499 = tpu.memref_slice %arg1[%dma_start3A_498] : memref<5120000xf32, #tpu.memory_space<any>> -> memref<16000xf32, #tpu.memory_space<any>>
      tpu.enqueue_dma source(%dma_start3A_499 : memref<16000xf32, #tpu.memory_space<any>>) target(%dma_start3A_497 : memref<16000xf32, #tpu.memory_space<vmem>>) target_semaphore(%arg7 : memref<!tpu.dma_semaphore, #tpu.memory_space<semaphore_mem>>)
      %dma_start3A_500 = arith.constant 11 : i32
      %dma_start3A_501 = arith.constant 0 : i32
      %dma_start3A_502 = tpu.memref_slice %arg3[%dma_start3A_500, %dma_start3A_501] : memref<32x16000xf32, #tpu.memory_space<vmem>> -> memref<1x16000xf32, #tpu.memory_space<vmem>>
      %dma_start3A_503 = tpu.memref_squeeze %dma_start3A_502 : memref<1x16000xf32, #tpu.memory_space<vmem>> -> memref<16000xf32, #tpu.memory_space<vmem>>
      %dma_start3A_504 = arith.constant 1760000 : i32
      %dma_start3A_505 = tpu.memref_slice %arg1[%dma_start3A_504] : memref<5120000xf32, #tpu.memory_space<any>> -> memref<16000xf32, #tpu.memory_space<any>>
      tpu.enqueue_dma source(%dma_start3A_505 : memref<16000xf32, #tpu.memory_space<any>>) target(%dma_start3A_503 : memref<16000xf32, #tpu.memory_space<vmem>>) target_semaphore(%arg7 : memref<!tpu.dma_semaphore, #tpu.memory_space<semaphore_mem>>)
      %dma_start3A_506 = arith.constant 12 : i32
      %dma_start3A_507 = arith.constant 0 : i32
      %dma_start3A_508 = tpu.memref_slice %arg3[%dma_start3A_506, %dma_start3A_507] : memref<32x16000xf32, #tpu.memory_space<vmem>> -> memref<1x16000xf32, #tpu.memory_space<vmem>>
      %dma_start3A_509 = tpu.memref_squeeze %dma_start3A_508 : memref<1x16000xf32, #tpu.memory_space<vmem>> -> memref<16000xf32, #tpu.memory_space<vmem>>
      %dma_start3A_510 = arith.constant 1920000 : i32
      %dma_start3A_511 = tpu.memref_slice %arg1[%dma_start3A_510] : memref<5120000xf32, #tpu.memory_space<any>> -> memref<16000xf32, #tpu.memory_space<any>>
      tpu.enqueue_dma source(%dma_start3A_511 : memref<16000xf32, #tpu.memory_space<any>>) target(%dma_start3A_509 : memref<16000xf32, #tpu.memory_space<vmem>>) target_semaphore(%arg7 : memref<!tpu.dma_semaphore, #tpu.memory_space<semaphore_mem>>)
      %dma_start3A_512 = arith.constant 13 : i32
      %dma_start3A_513 = arith.constant 0 : i32
      %dma_start3A_514 = tpu.memref_slice %arg3[%dma_start3A_512, %dma_start3A_513] : memref<32x16000xf32, #tpu.memory_space<vmem>> -> memref<1x16000xf32, #tpu.memory_space<vmem>>
      %dma_start3A_515 = tpu.memref_squeeze %dma_start3A_514 : memref<1x16000xf32, #tpu.memory_space<vmem>> -> memref<16000xf32, #tpu.memory_space<vmem>>
      %dma_start3A_516 = arith.constant 2080000 : i32
      %dma_start3A_517 = tpu.memref_slice %arg1[%dma_start3A_516] : memref<5120000xf32, #tpu.memory_space<any>> -> memref<16000xf32, #tpu.memory_space<any>>
      tpu.enqueue_dma source(%dma_start3A_517 : memref<16000xf32, #tpu.memory_space<any>>) target(%dma_start3A_515 : memref<16000xf32, #tpu.memory_space<vmem>>) target_semaphore(%arg7 : memref<!tpu.dma_semaphore, #tpu.memory_space<semaphore_mem>>)
      %dma_start3A_518 = arith.constant 14 : i32
      %dma_start3A_519 = arith.constant 0 : i32
      %dma_start3A_520 = tpu.memref_slice %arg3[%dma_start3A_518, %dma_start3A_519] : memref<32x16000xf32, #tpu.memory_space<vmem>> -> memref<1x16000xf32, #tpu.memory_space<vmem>>
      %dma_start3A_521 = tpu.memref_squeeze %dma_start3A_520 : memref<1x16000xf32, #tpu.memory_space<vmem>> -> memref<16000xf32, #tpu.memory_space<vmem>>
      %dma_start3A_522 = arith.constant 2240000 : i32
      %dma_start3A_523 = tpu.memref_slice %arg1[%dma_start3A_522] : memref<5120000xf32, #tpu.memory_space<any>> -> memref<16000xf32, #tpu.memory_space<any>>
      tpu.enqueue_dma source(%dma_start3A_523 : memref<16000xf32, #tpu.memory_space<any>>) target(%dma_start3A_521 : memref<16000xf32, #tpu.memory_space<vmem>>) target_semaphore(%arg7 : memref<!tpu.dma_semaphore, #tpu.memory_space<semaphore_mem>>)
      %dma_start3A_524 = arith.constant 15 : i32
      %dma_start3A_525 = arith.constant 0 : i32
      %dma_start3A_526 = tpu.memref_slice %arg3[%dma_start3A_524, %dma_start3A_525] : memref<32x16000xf32, #tpu.memory_space<vmem>> -> memref<1x16000xf32, #tpu.memory_space<vmem>>
      %dma_start3A_527 = tpu.memref_squeeze %dma_start3A_526 : memref<1x16000xf32, #tpu.memory_space<vmem>> -> memref<16000xf32, #tpu.memory_space<vmem>>
      %dma_start3A_528 = arith.constant 2400000 : i32
      %dma_start3A_529 = tpu.memref_slice %arg1[%dma_start3A_528] : memref<5120000xf32, #tpu.memory_space<any>> -> memref<16000xf32, #tpu.memory_space<any>>
      tpu.enqueue_dma source(%dma_start3A_529 : memref<16000xf32, #tpu.memory_space<any>>) target(%dma_start3A_527 : memref<16000xf32, #tpu.memory_space<vmem>>) target_semaphore(%arg7 : memref<!tpu.dma_semaphore, #tpu.memory_space<semaphore_mem>>)
      %dma_start3A_530 = arith.constant 16 : i32
      %dma_start3A_531 = arith.constant 0 : i32
      %dma_start3A_532 = tpu.memref_slice %arg3[%dma_start3A_530, %dma_start3A_531] : memref<32x16000xf32, #tpu.memory_space<vmem>> -> memref<1x16000xf32, #tpu.memory_space<vmem>>
      %dma_start3A_533 = tpu.memref_squeeze %dma_start3A_532 : memref<1x16000xf32, #tpu.memory_space<vmem>> -> memref<16000xf32, #tpu.memory_space<vmem>>
      %dma_start3A_534 = arith.constant 2560000 : i32
      %dma_start3A_535 = tpu.memref_slice %arg1[%dma_start3A_534] : memref<5120000xf32, #tpu.memory_space<any>> -> memref<16000xf32, #tpu.memory_space<any>>
      tpu.enqueue_dma source(%dma_start3A_535 : memref<16000xf32, #tpu.memory_space<any>>) target(%dma_start3A_533 : memref<16000xf32, #tpu.memory_space<vmem>>) target_semaphore(%arg7 : memref<!tpu.dma_semaphore, #tpu.memory_space<semaphore_mem>>)
      %dma_start3A_536 = arith.constant 17 : i32
      %dma_start3A_537 = arith.constant 0 : i32
      %dma_start3A_538 = tpu.memref_slice %arg3[%dma_start3A_536, %dma_start3A_537] : memref<32x16000xf32, #tpu.memory_space<vmem>> -> memref<1x16000xf32, #tpu.memory_space<vmem>>
      %dma_start3A_539 = tpu.memref_squeeze %dma_start3A_538 : memref<1x16000xf32, #tpu.memory_space<vmem>> -> memref<16000xf32, #tpu.memory_space<vmem>>
      %dma_start3A_540 = arith.constant 2720000 : i32
      %dma_start3A_541 = tpu.memref_slice %arg1[%dma_start3A_540] : memref<5120000xf32, #tpu.memory_space<any>> -> memref<16000xf32, #tpu.memory_space<any>>
      tpu.enqueue_dma source(%dma_start3A_541 : memref<16000xf32, #tpu.memory_space<any>>) target(%dma_start3A_539 : memref<16000xf32, #tpu.memory_space<vmem>>) target_semaphore(%arg7 : memref<!tpu.dma_semaphore, #tpu.memory_space<semaphore_mem>>)
      %dma_start3A_542 = arith.constant 18 : i32
      %dma_start3A_543 = arith.constant 0 : i32
      %dma_start3A_544 = tpu.memref_slice %arg3[%dma_start3A_542, %dma_start3A_543] : memref<32x16000xf32, #tpu.memory_space<vmem>> -> memref<1x16000xf32, #tpu.memory_space<vmem>>
      %dma_start3A_545 = tpu.memref_squeeze %dma_start3A_544 : memref<1x16000xf32, #tpu.memory_space<vmem>> -> memref<16000xf32, #tpu.memory_space<vmem>>
      %dma_start3A_546 = arith.constant 2880000 : i32
      %dma_start3A_547 = tpu.memref_slice %arg1[%dma_start3A_546] : memref<5120000xf32, #tpu.memory_space<any>> -> memref<16000xf32, #tpu.memory_space<any>>
      tpu.enqueue_dma source(%dma_start3A_547 : memref<16000xf32, #tpu.memory_space<any>>) target(%dma_start3A_545 : memref<16000xf32, #tpu.memory_space<vmem>>) target_semaphore(%arg7 : memref<!tpu.dma_semaphore, #tpu.memory_space<semaphore_mem>>)
      %dma_start3A_548 = arith.constant 19 : i32
      %dma_start3A_549 = arith.constant 0 : i32
      %dma_start3A_550 = tpu.memref_slice %arg3[%dma_start3A_548, %dma_start3A_549] : memref<32x16000xf32, #tpu.memory_space<vmem>> -> memref<1x16000xf32, #tpu.memory_space<vmem>>
      %dma_start3A_551 = tpu.memref_squeeze %dma_start3A_550 : memref<1x16000xf32, #tpu.memory_space<vmem>> -> memref<16000xf32, #tpu.memory_space<vmem>>
      %dma_start3A_552 = arith.constant 3040000 : i32
      %dma_start3A_553 = tpu.memref_slice %arg1[%dma_start3A_552] : memref<5120000xf32, #tpu.memory_space<any>> -> memref<16000xf32, #tpu.memory_space<any>>
      tpu.enqueue_dma source(%dma_start3A_553 : memref<16000xf32, #tpu.memory_space<any>>) target(%dma_start3A_551 : memref<16000xf32, #tpu.memory_space<vmem>>) target_semaphore(%arg7 : memref<!tpu.dma_semaphore, #tpu.memory_space<semaphore_mem>>)
      %dma_start3A_554 = arith.constant 20 : i32
      %dma_start3A_555 = arith.constant 0 : i32
      %dma_start3A_556 = tpu.memref_slice %arg3[%dma_start3A_554, %dma_start3A_555] : memref<32x16000xf32, #tpu.memory_space<vmem>> -> memref<1x16000xf32, #tpu.memory_space<vmem>>
      %dma_start3A_557 = tpu.memref_squeeze %dma_start3A_556 : memref<1x16000xf32, #tpu.memory_space<vmem>> -> memref<16000xf32, #tpu.memory_space<vmem>>
      %dma_start3A_558 = arith.constant 3200000 : i32
      %dma_start3A_559 = tpu.memref_slice %arg1[%dma_start3A_558] : memref<5120000xf32, #tpu.memory_space<any>> -> memref<16000xf32, #tpu.memory_space<any>>
      tpu.enqueue_dma source(%dma_start3A_559 : memref<16000xf32, #tpu.memory_space<any>>) target(%dma_start3A_557 : memref<16000xf32, #tpu.memory_space<vmem>>) target_semaphore(%arg7 : memref<!tpu.dma_semaphore, #tpu.memory_space<semaphore_mem>>)
      %dma_start3A_560 = arith.constant 21 : i32
      %dma_start3A_561 = arith.constant 0 : i32
      %dma_start3A_562 = tpu.memref_slice %arg3[%dma_start3A_560, %dma_start3A_561] : memref<32x16000xf32, #tpu.memory_space<vmem>> -> memref<1x16000xf32, #tpu.memory_space<vmem>>
      %dma_start3A_563 = tpu.memref_squeeze %dma_start3A_562 : memref<1x16000xf32, #tpu.memory_space<vmem>> -> memref<16000xf32, #tpu.memory_space<vmem>>
      %dma_start3A_564 = arith.constant 3360000 : i32
      %dma_start3A_565 = tpu.memref_slice %arg1[%dma_start3A_564] : memref<5120000xf32, #tpu.memory_space<any>> -> memref<16000xf32, #tpu.memory_space<any>>
      tpu.enqueue_dma source(%dma_start3A_565 : memref<16000xf32, #tpu.memory_space<any>>) target(%dma_start3A_563 : memref<16000xf32, #tpu.memory_space<vmem>>) target_semaphore(%arg7 : memref<!tpu.dma_semaphore, #tpu.memory_space<semaphore_mem>>)
      %dma_start3A_566 = arith.constant 22 : i32
      %dma_start3A_567 = arith.constant 0 : i32
      %dma_start3A_568 = tpu.memref_slice %arg3[%dma_start3A_566, %dma_start3A_567] : memref<32x16000xf32, #tpu.memory_space<vmem>> -> memref<1x16000xf32, #tpu.memory_space<vmem>>
      %dma_start3A_569 = tpu.memref_squeeze %dma_start3A_568 : memref<1x16000xf32, #tpu.memory_space<vmem>> -> memref<16000xf32, #tpu.memory_space<vmem>>
      %dma_start3A_570 = arith.constant 3520000 : i32
      %dma_start3A_571 = tpu.memref_slice %arg1[%dma_start3A_570] : memref<5120000xf32, #tpu.memory_space<any>> -> memref<16000xf32, #tpu.memory_space<any>>
      tpu.enqueue_dma source(%dma_start3A_571 : memref<16000xf32, #tpu.memory_space<any>>) target(%dma_start3A_569 : memref<16000xf32, #tpu.memory_space<vmem>>) target_semaphore(%arg7 : memref<!tpu.dma_semaphore, #tpu.memory_space<semaphore_mem>>)
      %dma_start3A_572 = arith.constant 23 : i32
      %dma_start3A_573 = arith.constant 0 : i32
      %dma_start3A_574 = tpu.memref_slice %arg3[%dma_start3A_572, %dma_start3A_573] : memref<32x16000xf32, #tpu.memory_space<vmem>> -> memref<1x16000xf32, #tpu.memory_space<vmem>>
      %dma_start3A_575 = tpu.memref_squeeze %dma_start3A_574 : memref<1x16000xf32, #tpu.memory_space<vmem>> -> memref<16000xf32, #tpu.memory_space<vmem>>
      %dma_start3A_576 = arith.constant 3680000 : i32
      %dma_start3A_577 = tpu.memref_slice %arg1[%dma_start3A_576] : memref<5120000xf32, #tpu.memory_space<any>> -> memref<16000xf32, #tpu.memory_space<any>>
      tpu.enqueue_dma source(%dma_start3A_577 : memref<16000xf32, #tpu.memory_space<any>>) target(%dma_start3A_575 : memref<16000xf32, #tpu.memory_space<vmem>>) target_semaphore(%arg7 : memref<!tpu.dma_semaphore, #tpu.memory_space<semaphore_mem>>)
      %dma_start3A_578 = arith.constant 24 : i32
      %dma_start3A_579 = arith.constant 0 : i32
      %dma_start3A_580 = tpu.memref_slice %arg3[%dma_start3A_578, %dma_start3A_579] : memref<32x16000xf32, #tpu.memory_space<vmem>> -> memref<1x16000xf32, #tpu.memory_space<vmem>>
      %dma_start3A_581 = tpu.memref_squeeze %dma_start3A_580 : memref<1x16000xf32, #tpu.memory_space<vmem>> -> memref<16000xf32, #tpu.memory_space<vmem>>
      %dma_start3A_582 = arith.constant 3840000 : i32
      %dma_start3A_583 = tpu.memref_slice %arg1[%dma_start3A_582] : memref<5120000xf32, #tpu.memory_space<any>> -> memref<16000xf32, #tpu.memory_space<any>>
      tpu.enqueue_dma source(%dma_start3A_583 : memref<16000xf32, #tpu.memory_space<any>>) target(%dma_start3A_581 : memref<16000xf32, #tpu.memory_space<vmem>>) target_semaphore(%arg7 : memref<!tpu.dma_semaphore, #tpu.memory_space<semaphore_mem>>)
      %dma_start3A_584 = arith.constant 25 : i32
      %dma_start3A_585 = arith.constant 0 : i32
      %dma_start3A_586 = tpu.memref_slice %arg3[%dma_start3A_584, %dma_start3A_585] : memref<32x16000xf32, #tpu.memory_space<vmem>> -> memref<1x16000xf32, #tpu.memory_space<vmem>>
      %dma_start3A_587 = tpu.memref_squeeze %dma_start3A_586 : memref<1x16000xf32, #tpu.memory_space<vmem>> -> memref<16000xf32, #tpu.memory_space<vmem>>
      %dma_start3A_588 = arith.constant 4000000 : i32
      %dma_start3A_589 = tpu.memref_slice %arg1[%dma_start3A_588] : memref<5120000xf32, #tpu.memory_space<any>> -> memref<16000xf32, #tpu.memory_space<any>>
      tpu.enqueue_dma source(%dma_start3A_589 : memref<16000xf32, #tpu.memory_space<any>>) target(%dma_start3A_587 : memref<16000xf32, #tpu.memory_space<vmem>>) target_semaphore(%arg7 : memref<!tpu.dma_semaphore, #tpu.memory_space<semaphore_mem>>)
      %dma_start3A_590 = arith.constant 26 : i32
      %dma_start3A_591 = arith.constant 0 : i32
      %dma_start3A_592 = tpu.memref_slice %arg3[%dma_start3A_590, %dma_start3A_591] : memref<32x16000xf32, #tpu.memory_space<vmem>> -> memref<1x16000xf32, #tpu.memory_space<vmem>>
      %dma_start3A_593 = tpu.memref_squeeze %dma_start3A_592 : memref<1x16000xf32, #tpu.memory_space<vmem>> -> memref<16000xf32, #tpu.memory_space<vmem>>
      %dma_start3A_594 = arith.constant 4160000 : i32
      %dma_start3A_595 = tpu.memref_slice %arg1[%dma_start3A_594] : memref<5120000xf32, #tpu.memory_space<any>> -> memref<16000xf32, #tpu.memory_space<any>>
      tpu.enqueue_dma source(%dma_start3A_595 : memref<16000xf32, #tpu.memory_space<any>>) target(%dma_start3A_593 : memref<16000xf32, #tpu.memory_space<vmem>>) target_semaphore(%arg7 : memref<!tpu.dma_semaphore, #tpu.memory_space<semaphore_mem>>)
      %dma_start3A_596 = arith.constant 27 : i32
      %dma_start3A_597 = arith.constant 0 : i32
      %dma_start3A_598 = tpu.memref_slice %arg3[%dma_start3A_596, %dma_start3A_597] : memref<32x16000xf32, #tpu.memory_space<vmem>> -> memref<1x16000xf32, #tpu.memory_space<vmem>>
      %dma_start3A_599 = tpu.memref_squeeze %dma_start3A_598 : memref<1x16000xf32, #tpu.memory_space<vmem>> -> memref<16000xf32, #tpu.memory_space<vmem>>
      %dma_start3A_600 = arith.constant 4320000 : i32
      %dma_start3A_601 = tpu.memref_slice %arg1[%dma_start3A_600] : memref<5120000xf32, #tpu.memory_space<any>> -> memref<16000xf32, #tpu.memory_space<any>>
      tpu.enqueue_dma source(%dma_start3A_601 : memref<16000xf32, #tpu.memory_space<any>>) target(%dma_start3A_599 : memref<16000xf32, #tpu.memory_space<vmem>>) target_semaphore(%arg7 : memref<!tpu.dma_semaphore, #tpu.memory_space<semaphore_mem>>)
      %dma_start3A_602 = arith.constant 28 : i32
      %dma_start3A_603 = arith.constant 0 : i32
      %dma_start3A_604 = tpu.memref_slice %arg3[%dma_start3A_602, %dma_start3A_603] : memref<32x16000xf32, #tpu.memory_space<vmem>> -> memref<1x16000xf32, #tpu.memory_space<vmem>>
      %dma_start3A_605 = tpu.memref_squeeze %dma_start3A_604 : memref<1x16000xf32, #tpu.memory_space<vmem>> -> memref<16000xf32, #tpu.memory_space<vmem>>
      %dma_start3A_606 = arith.constant 4480000 : i32
      %dma_start3A_607 = tpu.memref_slice %arg1[%dma_start3A_606] : memref<5120000xf32, #tpu.memory_space<any>> -> memref<16000xf32, #tpu.memory_space<any>>
      tpu.enqueue_dma source(%dma_start3A_607 : memref<16000xf32, #tpu.memory_space<any>>) target(%dma_start3A_605 : memref<16000xf32, #tpu.memory_space<vmem>>) target_semaphore(%arg7 : memref<!tpu.dma_semaphore, #tpu.memory_space<semaphore_mem>>)
      %dma_start3A_608 = arith.constant 29 : i32
      %dma_start3A_609 = arith.constant 0 : i32
      %dma_start3A_610 = tpu.memref_slice %arg3[%dma_start3A_608, %dma_start3A_609] : memref<32x16000xf32, #tpu.memory_space<vmem>> -> memref<1x16000xf32, #tpu.memory_space<vmem>>
      %dma_start3A_611 = tpu.memref_squeeze %dma_start3A_610 : memref<1x16000xf32, #tpu.memory_space<vmem>> -> memref<16000xf32, #tpu.memory_space<vmem>>
      %dma_start3A_612 = arith.constant 4640000 : i32
      %dma_start3A_613 = tpu.memref_slice %arg1[%dma_start3A_612] : memref<5120000xf32, #tpu.memory_space<any>> -> memref<16000xf32, #tpu.memory_space<any>>
      tpu.enqueue_dma source(%dma_start3A_613 : memref<16000xf32, #tpu.memory_space<any>>) target(%dma_start3A_611 : memref<16000xf32, #tpu.memory_space<vmem>>) target_semaphore(%arg7 : memref<!tpu.dma_semaphore, #tpu.memory_space<semaphore_mem>>)
      %dma_start3A_614 = arith.constant 30 : i32
      %dma_start3A_615 = arith.constant 0 : i32
      %dma_start3A_616 = tpu.memref_slice %arg3[%dma_start3A_614, %dma_start3A_615] : memref<32x16000xf32, #tpu.memory_space<vmem>> -> memref<1x16000xf32, #tpu.memory_space<vmem>>
      %dma_start3A_617 = tpu.memref_squeeze %dma_start3A_616 : memref<1x16000xf32, #tpu.memory_space<vmem>> -> memref<16000xf32, #tpu.memory_space<vmem>>
      %dma_start3A_618 = arith.constant 4800000 : i32
      %dma_start3A_619 = tpu.memref_slice %arg1[%dma_start3A_618] : memref<5120000xf32, #tpu.memory_space<any>> -> memref<16000xf32, #tpu.memory_space<any>>
      tpu.enqueue_dma source(%dma_start3A_619 : memref<16000xf32, #tpu.memory_space<any>>) target(%dma_start3A_617 : memref<16000xf32, #tpu.memory_space<vmem>>) target_semaphore(%arg7 : memref<!tpu.dma_semaphore, #tpu.memory_space<semaphore_mem>>)
      %dma_start3A_620 = arith.constant 31 : i32
      %dma_start3A_621 = arith.constant 0 : i32
      %dma_start3A_622 = tpu.memref_slice %arg3[%dma_start3A_620, %dma_start3A_621] : memref<32x16000xf32, #tpu.memory_space<vmem>> -> memref<1x16000xf32, #tpu.memory_space<vmem>>
      %dma_start3A_623 = tpu.memref_squeeze %dma_start3A_622 : memref<1x16000xf32, #tpu.memory_space<vmem>> -> memref<16000xf32, #tpu.memory_space<vmem>>
      %dma_start3A_624 = arith.constant 4960000 : i32
      %dma_start3A_625 = tpu.memref_slice %arg1[%dma_start3A_624] : memref<5120000xf32, #tpu.memory_space<any>> -> memref<16000xf32, #tpu.memory_space<any>>
      tpu.enqueue_dma source(%dma_start3A_625 : memref<16000xf32, #tpu.memory_space<any>>) target(%dma_start3A_623 : memref<16000xf32, #tpu.memory_space<vmem>>) target_semaphore(%arg7 : memref<!tpu.dma_semaphore, #tpu.memory_space<semaphore_mem>>)
    } else {
    }
    %mul3A = arith.constant 2 : i32
    %mul3A_2 = arith.muli %mul3A, %arg0 : i32
    %add3A = arith.constant 0 : i32
    %add3A_3 = arith.addi %mul3A_2, %add3A : i32
    %add3A_4 = arith.constant 1 : i32
    %add3A_5 = arith.addi %add3A_3, %add3A_4 : i32
    %lt3A = arith.constant 10 : i32
    %lt3A_6 = arith.cmpi slt, %add3A_5, %lt3A : i32
    %convert_element_type3A_7 = arith.extui %lt3A_6 : i1 to i32
    %cond3A_8 = arith.constant 0 : i32
    %cond3A_9 = arith.cmpi ne, %convert_element_type3A_7, %cond3A_8 : i32
    scf.if %cond3A_9 {
      %add3A_434 = arith.constant 1 : i32
      %add3A_435 = arith.addi %add3A_3, %add3A_434 : i32
      %mul3A_436 = arith.constant 16000 : i32
      %mul3A_437 = arith.muli %add3A_435, %mul3A_436 : i32
      %add3A_438 = arith.constant 0 : i32
      %add3A_439 = arith.addi %add3A_438, %mul3A_437 : i32
      %dma_start3A_440 = arith.constant 0 : i32
      %dma_start3A_441 = arith.constant 0 : i32
      %dma_start3A_442 = tpu.memref_slice %arg4[%dma_start3A_440, %dma_start3A_441] : memref<32x16000xf32, #tpu.memory_space<vmem>> -> memref<1x16000xf32, #tpu.memory_space<vmem>>
      %dma_start3A_443 = tpu.memref_squeeze %dma_start3A_442 : memref<1x16000xf32, #tpu.memory_space<vmem>> -> memref<16000xf32, #tpu.memory_space<vmem>>
      %dma_start3A_444 = tpu.memref_slice %arg1[%add3A_439] : memref<5120000xf32, #tpu.memory_space<any>> -> memref<16000xf32, #tpu.memory_space<any>>
      tpu.enqueue_dma source(%dma_start3A_444 : memref<16000xf32, #tpu.memory_space<any>>) target(%dma_start3A_443 : memref<16000xf32, #tpu.memory_space<vmem>>) target_semaphore(%arg8 : memref<!tpu.dma_semaphore, #tpu.memory_space<semaphore_mem>>)
      %mul3A_445 = arith.constant 16000 : i32
      %mul3A_446 = arith.muli %add3A_435, %mul3A_445 : i32
      %add3A_447 = arith.constant 160000 : i32
      %add3A_448 = arith.addi %add3A_447, %mul3A_446 : i32
      %dma_start3A_449 = arith.constant 1 : i32
      %dma_start3A_450 = arith.constant 0 : i32
      %dma_start3A_451 = tpu.memref_slice %arg4[%dma_start3A_449, %dma_start3A_450] : memref<32x16000xf32, #tpu.memory_space<vmem>> -> memref<1x16000xf32, #tpu.memory_space<vmem>>
      %dma_start3A_452 = tpu.memref_squeeze %dma_start3A_451 : memref<1x16000xf32, #tpu.memory_space<vmem>> -> memref<16000xf32, #tpu.memory_space<vmem>>
      %dma_start3A_453 = tpu.memref_slice %arg1[%add3A_448] : memref<5120000xf32, #tpu.memory_space<any>> -> memref<16000xf32, #tpu.memory_space<any>>
      tpu.enqueue_dma source(%dma_start3A_453 : memref<16000xf32, #tpu.memory_space<any>>) target(%dma_start3A_452 : memref<16000xf32, #tpu.memory_space<vmem>>) target_semaphore(%arg8 : memref<!tpu.dma_semaphore, #tpu.memory_space<semaphore_mem>>)
      %mul3A_454 = arith.constant 16000 : i32
      %mul3A_455 = arith.muli %add3A_435, %mul3A_454 : i32
      %add3A_456 = arith.constant 320000 : i32
      %add3A_457 = arith.addi %add3A_456, %mul3A_455 : i32
      %dma_start3A_458 = arith.constant 2 : i32
      %dma_start3A_459 = arith.constant 0 : i32
      %dma_start3A_460 = tpu.memref_slice %arg4[%dma_start3A_458, %dma_start3A_459] : memref<32x16000xf32, #tpu.memory_space<vmem>> -> memref<1x16000xf32, #tpu.memory_space<vmem>>
      %dma_start3A_461 = tpu.memref_squeeze %dma_start3A_460 : memref<1x16000xf32, #tpu.memory_space<vmem>> -> memref<16000xf32, #tpu.memory_space<vmem>>
      %dma_start3A_462 = tpu.memref_slice %arg1[%add3A_457] : memref<5120000xf32, #tpu.memory_space<any>> -> memref<16000xf32, #tpu.memory_space<any>>
      tpu.enqueue_dma source(%dma_start3A_462 : memref<16000xf32, #tpu.memory_space<any>>) target(%dma_start3A_461 : memref<16000xf32, #tpu.memory_space<vmem>>) target_semaphore(%arg8 : memref<!tpu.dma_semaphore, #tpu.memory_space<semaphore_mem>>)
      %mul3A_463 = arith.constant 16000 : i32
      %mul3A_464 = arith.muli %add3A_435, %mul3A_463 : i32
      %add3A_465 = arith.constant 480000 : i32
      %add3A_466 = arith.addi %add3A_465, %mul3A_464 : i32
      %dma_start3A_467 = arith.constant 3 : i32
      %dma_start3A_468 = arith.constant 0 : i32
      %dma_start3A_469 = tpu.memref_slice %arg4[%dma_start3A_467, %dma_start3A_468] : memref<32x16000xf32, #tpu.memory_space<vmem>> -> memref<1x16000xf32, #tpu.memory_space<vmem>>
      %dma_start3A_470 = tpu.memref_squeeze %dma_start3A_469 : memref<1x16000xf32, #tpu.memory_space<vmem>> -> memref<16000xf32, #tpu.memory_space<vmem>>
      %dma_start3A_471 = tpu.memref_slice %arg1[%add3A_466] : memref<5120000xf32, #tpu.memory_space<any>> -> memref<16000xf32, #tpu.memory_space<any>>
      tpu.enqueue_dma source(%dma_start3A_471 : memref<16000xf32, #tpu.memory_space<any>>) target(%dma_start3A_470 : memref<16000xf32, #tpu.memory_space<vmem>>) target_semaphore(%arg8 : memref<!tpu.dma_semaphore, #tpu.memory_space<semaphore_mem>>)
      %mul3A_472 = arith.constant 16000 : i32
      %mul3A_473 = arith.muli %add3A_435, %mul3A_472 : i32
      %add3A_474 = arith.constant 640000 : i32
      %add3A_475 = arith.addi %add3A_474, %mul3A_473 : i32
      %dma_start3A_476 = arith.constant 4 : i32
      %dma_start3A_477 = arith.constant 0 : i32
      %dma_start3A_478 = tpu.memref_slice %arg4[%dma_start3A_476, %dma_start3A_477] : memref<32x16000xf32, #tpu.memory_space<vmem>> -> memref<1x16000xf32, #tpu.memory_space<vmem>>
      %dma_start3A_479 = tpu.memref_squeeze %dma_start3A_478 : memref<1x16000xf32, #tpu.memory_space<vmem>> -> memref<16000xf32, #tpu.memory_space<vmem>>
      %dma_start3A_480 = tpu.memref_slice %arg1[%add3A_475] : memref<5120000xf32, #tpu.memory_space<any>> -> memref<16000xf32, #tpu.memory_space<any>>
      tpu.enqueue_dma source(%dma_start3A_480 : memref<16000xf32, #tpu.memory_space<any>>) target(%dma_start3A_479 : memref<16000xf32, #tpu.memory_space<vmem>>) target_semaphore(%arg8 : memref<!tpu.dma_semaphore, #tpu.memory_space<semaphore_mem>>)
      %mul3A_481 = arith.constant 16000 : i32
      %mul3A_482 = arith.muli %add3A_435, %mul3A_481 : i32
      %add3A_483 = arith.constant 800000 : i32
      %add3A_484 = arith.addi %add3A_483, %mul3A_482 : i32
      %dma_start3A_485 = arith.constant 5 : i32
      %dma_start3A_486 = arith.constant 0 : i32
      %dma_start3A_487 = tpu.memref_slice %arg4[%dma_start3A_485, %dma_start3A_486] : memref<32x16000xf32, #tpu.memory_space<vmem>> -> memref<1x16000xf32, #tpu.memory_space<vmem>>
      %dma_start3A_488 = tpu.memref_squeeze %dma_start3A_487 : memref<1x16000xf32, #tpu.memory_space<vmem>> -> memref<16000xf32, #tpu.memory_space<vmem>>
      %dma_start3A_489 = tpu.memref_slice %arg1[%add3A_484] : memref<5120000xf32, #tpu.memory_space<any>> -> memref<16000xf32, #tpu.memory_space<any>>
      tpu.enqueue_dma source(%dma_start3A_489 : memref<16000xf32, #tpu.memory_space<any>>) target(%dma_start3A_488 : memref<16000xf32, #tpu.memory_space<vmem>>) target_semaphore(%arg8 : memref<!tpu.dma_semaphore, #tpu.memory_space<semaphore_mem>>)
      %mul3A_490 = arith.constant 16000 : i32
      %mul3A_491 = arith.muli %add3A_435, %mul3A_490 : i32
      %add3A_492 = arith.constant 960000 : i32
      %add3A_493 = arith.addi %add3A_492, %mul3A_491 : i32
      %dma_start3A_494 = arith.constant 6 : i32
      %dma_start3A_495 = arith.constant 0 : i32
      %dma_start3A_496 = tpu.memref_slice %arg4[%dma_start3A_494, %dma_start3A_495] : memref<32x16000xf32, #tpu.memory_space<vmem>> -> memref<1x16000xf32, #tpu.memory_space<vmem>>
      %dma_start3A_497 = tpu.memref_squeeze %dma_start3A_496 : memref<1x16000xf32, #tpu.memory_space<vmem>> -> memref<16000xf32, #tpu.memory_space<vmem>>
      %dma_start3A_498 = tpu.memref_slice %arg1[%add3A_493] : memref<5120000xf32, #tpu.memory_space<any>> -> memref<16000xf32, #tpu.memory_space<any>>
      tpu.enqueue_dma source(%dma_start3A_498 : memref<16000xf32, #tpu.memory_space<any>>) target(%dma_start3A_497 : memref<16000xf32, #tpu.memory_space<vmem>>) target_semaphore(%arg8 : memref<!tpu.dma_semaphore, #tpu.memory_space<semaphore_mem>>)
      %mul3A_499 = arith.constant 16000 : i32
      %mul3A_500 = arith.muli %add3A_435, %mul3A_499 : i32
      %add3A_501 = arith.constant 1120000 : i32
      %add3A_502 = arith.addi %add3A_501, %mul3A_500 : i32
      %dma_start3A_503 = arith.constant 7 : i32
      %dma_start3A_504 = arith.constant 0 : i32
      %dma_start3A_505 = tpu.memref_slice %arg4[%dma_start3A_503, %dma_start3A_504] : memref<32x16000xf32, #tpu.memory_space<vmem>> -> memref<1x16000xf32, #tpu.memory_space<vmem>>
      %dma_start3A_506 = tpu.memref_squeeze %dma_start3A_505 : memref<1x16000xf32, #tpu.memory_space<vmem>> -> memref<16000xf32, #tpu.memory_space<vmem>>
      %dma_start3A_507 = tpu.memref_slice %arg1[%add3A_502] : memref<5120000xf32, #tpu.memory_space<any>> -> memref<16000xf32, #tpu.memory_space<any>>
      tpu.enqueue_dma source(%dma_start3A_507 : memref<16000xf32, #tpu.memory_space<any>>) target(%dma_start3A_506 : memref<16000xf32, #tpu.memory_space<vmem>>) target_semaphore(%arg8 : memref<!tpu.dma_semaphore, #tpu.memory_space<semaphore_mem>>)
      %mul3A_508 = arith.constant 16000 : i32
      %mul3A_509 = arith.muli %add3A_435, %mul3A_508 : i32
      %add3A_510 = arith.constant 1280000 : i32
      %add3A_511 = arith.addi %add3A_510, %mul3A_509 : i32
      %dma_start3A_512 = arith.constant 8 : i32
      %dma_start3A_513 = arith.constant 0 : i32
      %dma_start3A_514 = tpu.memref_slice %arg4[%dma_start3A_512, %dma_start3A_513] : memref<32x16000xf32, #tpu.memory_space<vmem>> -> memref<1x16000xf32, #tpu.memory_space<vmem>>
      %dma_start3A_515 = tpu.memref_squeeze %dma_start3A_514 : memref<1x16000xf32, #tpu.memory_space<vmem>> -> memref<16000xf32, #tpu.memory_space<vmem>>
      %dma_start3A_516 = tpu.memref_slice %arg1[%add3A_511] : memref<5120000xf32, #tpu.memory_space<any>> -> memref<16000xf32, #tpu.memory_space<any>>
      tpu.enqueue_dma source(%dma_start3A_516 : memref<16000xf32, #tpu.memory_space<any>>) target(%dma_start3A_515 : memref<16000xf32, #tpu.memory_space<vmem>>) target_semaphore(%arg8 : memref<!tpu.dma_semaphore, #tpu.memory_space<semaphore_mem>>)
      %mul3A_517 = arith.constant 16000 : i32
      %mul3A_518 = arith.muli %add3A_435, %mul3A_517 : i32
      %add3A_519 = arith.constant 1440000 : i32
      %add3A_520 = arith.addi %add3A_519, %mul3A_518 : i32
      %dma_start3A_521 = arith.constant 9 : i32
      %dma_start3A_522 = arith.constant 0 : i32
      %dma_start3A_523 = tpu.memref_slice %arg4[%dma_start3A_521, %dma_start3A_522] : memref<32x16000xf32, #tpu.memory_space<vmem>> -> memref<1x16000xf32, #tpu.memory_space<vmem>>
      %dma_start3A_524 = tpu.memref_squeeze %dma_start3A_523 : memref<1x16000xf32, #tpu.memory_space<vmem>> -> memref<16000xf32, #tpu.memory_space<vmem>>
      %dma_start3A_525 = tpu.memref_slice %arg1[%add3A_520] : memref<5120000xf32, #tpu.memory_space<any>> -> memref<16000xf32, #tpu.memory_space<any>>
      tpu.enqueue_dma source(%dma_start3A_525 : memref<16000xf32, #tpu.memory_space<any>>) target(%dma_start3A_524 : memref<16000xf32, #tpu.memory_space<vmem>>) target_semaphore(%arg8 : memref<!tpu.dma_semaphore, #tpu.memory_space<semaphore_mem>>)
      %mul3A_526 = arith.constant 16000 : i32
      %mul3A_527 = arith.muli %add3A_435, %mul3A_526 : i32
      %add3A_528 = arith.constant 1600000 : i32
      %add3A_529 = arith.addi %add3A_528, %mul3A_527 : i32
      %dma_start3A_530 = arith.constant 10 : i32
      %dma_start3A_531 = arith.constant 0 : i32
      %dma_start3A_532 = tpu.memref_slice %arg4[%dma_start3A_530, %dma_start3A_531] : memref<32x16000xf32, #tpu.memory_space<vmem>> -> memref<1x16000xf32, #tpu.memory_space<vmem>>
      %dma_start3A_533 = tpu.memref_squeeze %dma_start3A_532 : memref<1x16000xf32, #tpu.memory_space<vmem>> -> memref<16000xf32, #tpu.memory_space<vmem>>
      %dma_start3A_534 = tpu.memref_slice %arg1[%add3A_529] : memref<5120000xf32, #tpu.memory_space<any>> -> memref<16000xf32, #tpu.memory_space<any>>
      tpu.enqueue_dma source(%dma_start3A_534 : memref<16000xf32, #tpu.memory_space<any>>) target(%dma_start3A_533 : memref<16000xf32, #tpu.memory_space<vmem>>) target_semaphore(%arg8 : memref<!tpu.dma_semaphore, #tpu.memory_space<semaphore_mem>>)
      %mul3A_535 = arith.constant 16000 : i32
      %mul3A_536 = arith.muli %add3A_435, %mul3A_535 : i32
      %add3A_537 = arith.constant 1760000 : i32
      %add3A_538 = arith.addi %add3A_537, %mul3A_536 : i32
      %dma_start3A_539 = arith.constant 11 : i32
      %dma_start3A_540 = arith.constant 0 : i32
      %dma_start3A_541 = tpu.memref_slice %arg4[%dma_start3A_539, %dma_start3A_540] : memref<32x16000xf32, #tpu.memory_space<vmem>> -> memref<1x16000xf32, #tpu.memory_space<vmem>>
      %dma_start3A_542 = tpu.memref_squeeze %dma_start3A_541 : memref<1x16000xf32, #tpu.memory_space<vmem>> -> memref<16000xf32, #tpu.memory_space<vmem>>
      %dma_start3A_543 = tpu.memref_slice %arg1[%add3A_538] : memref<5120000xf32, #tpu.memory_space<any>> -> memref<16000xf32, #tpu.memory_space<any>>
      tpu.enqueue_dma source(%dma_start3A_543 : memref<16000xf32, #tpu.memory_space<any>>) target(%dma_start3A_542 : memref<16000xf32, #tpu.memory_space<vmem>>) target_semaphore(%arg8 : memref<!tpu.dma_semaphore, #tpu.memory_space<semaphore_mem>>)
      %mul3A_544 = arith.constant 16000 : i32
      %mul3A_545 = arith.muli %add3A_435, %mul3A_544 : i32
      %add3A_546 = arith.constant 1920000 : i32
      %add3A_547 = arith.addi %add3A_546, %mul3A_545 : i32
      %dma_start3A_548 = arith.constant 12 : i32
      %dma_start3A_549 = arith.constant 0 : i32
      %dma_start3A_550 = tpu.memref_slice %arg4[%dma_start3A_548, %dma_start3A_549] : memref<32x16000xf32, #tpu.memory_space<vmem>> -> memref<1x16000xf32, #tpu.memory_space<vmem>>
      %dma_start3A_551 = tpu.memref_squeeze %dma_start3A_550 : memref<1x16000xf32, #tpu.memory_space<vmem>> -> memref<16000xf32, #tpu.memory_space<vmem>>
      %dma_start3A_552 = tpu.memref_slice %arg1[%add3A_547] : memref<5120000xf32, #tpu.memory_space<any>> -> memref<16000xf32, #tpu.memory_space<any>>
      tpu.enqueue_dma source(%dma_start3A_552 : memref<16000xf32, #tpu.memory_space<any>>) target(%dma_start3A_551 : memref<16000xf32, #tpu.memory_space<vmem>>) target_semaphore(%arg8 : memref<!tpu.dma_semaphore, #tpu.memory_space<semaphore_mem>>)
      %mul3A_553 = arith.constant 16000 : i32
      %mul3A_554 = arith.muli %add3A_435, %mul3A_553 : i32
      %add3A_555 = arith.constant 2080000 : i32
      %add3A_556 = arith.addi %add3A_555, %mul3A_554 : i32
      %dma_start3A_557 = arith.constant 13 : i32
      %dma_start3A_558 = arith.constant 0 : i32
      %dma_start3A_559 = tpu.memref_slice %arg4[%dma_start3A_557, %dma_start3A_558] : memref<32x16000xf32, #tpu.memory_space<vmem>> -> memref<1x16000xf32, #tpu.memory_space<vmem>>
      %dma_start3A_560 = tpu.memref_squeeze %dma_start3A_559 : memref<1x16000xf32, #tpu.memory_space<vmem>> -> memref<16000xf32, #tpu.memory_space<vmem>>
      %dma_start3A_561 = tpu.memref_slice %arg1[%add3A_556] : memref<5120000xf32, #tpu.memory_space<any>> -> memref<16000xf32, #tpu.memory_space<any>>
      tpu.enqueue_dma source(%dma_start3A_561 : memref<16000xf32, #tpu.memory_space<any>>) target(%dma_start3A_560 : memref<16000xf32, #tpu.memory_space<vmem>>) target_semaphore(%arg8 : memref<!tpu.dma_semaphore, #tpu.memory_space<semaphore_mem>>)
      %mul3A_562 = arith.constant 16000 : i32
      %mul3A_563 = arith.muli %add3A_435, %mul3A_562 : i32
      %add3A_564 = arith.constant 2240000 : i32
      %add3A_565 = arith.addi %add3A_564, %mul3A_563 : i32
      %dma_start3A_566 = arith.constant 14 : i32
      %dma_start3A_567 = arith.constant 0 : i32
      %dma_start3A_568 = tpu.memref_slice %arg4[%dma_start3A_566, %dma_start3A_567] : memref<32x16000xf32, #tpu.memory_space<vmem>> -> memref<1x16000xf32, #tpu.memory_space<vmem>>
      %dma_start3A_569 = tpu.memref_squeeze %dma_start3A_568 : memref<1x16000xf32, #tpu.memory_space<vmem>> -> memref<16000xf32, #tpu.memory_space<vmem>>
      %dma_start3A_570 = tpu.memref_slice %arg1[%add3A_565] : memref<5120000xf32, #tpu.memory_space<any>> -> memref<16000xf32, #tpu.memory_space<any>>
      tpu.enqueue_dma source(%dma_start3A_570 : memref<16000xf32, #tpu.memory_space<any>>) target(%dma_start3A_569 : memref<16000xf32, #tpu.memory_space<vmem>>) target_semaphore(%arg8 : memref<!tpu.dma_semaphore, #tpu.memory_space<semaphore_mem>>)
      %mul3A_571 = arith.constant 16000 : i32
      %mul3A_572 = arith.muli %add3A_435, %mul3A_571 : i32
      %add3A_573 = arith.constant 2400000 : i32
      %add3A_574 = arith.addi %add3A_573, %mul3A_572 : i32
      %dma_start3A_575 = arith.constant 15 : i32
      %dma_start3A_576 = arith.constant 0 : i32
      %dma_start3A_577 = tpu.memref_slice %arg4[%dma_start3A_575, %dma_start3A_576] : memref<32x16000xf32, #tpu.memory_space<vmem>> -> memref<1x16000xf32, #tpu.memory_space<vmem>>
      %dma_start3A_578 = tpu.memref_squeeze %dma_start3A_577 : memref<1x16000xf32, #tpu.memory_space<vmem>> -> memref<16000xf32, #tpu.memory_space<vmem>>
      %dma_start3A_579 = tpu.memref_slice %arg1[%add3A_574] : memref<5120000xf32, #tpu.memory_space<any>> -> memref<16000xf32, #tpu.memory_space<any>>
      tpu.enqueue_dma source(%dma_start3A_579 : memref<16000xf32, #tpu.memory_space<any>>) target(%dma_start3A_578 : memref<16000xf32, #tpu.memory_space<vmem>>) target_semaphore(%arg8 : memref<!tpu.dma_semaphore, #tpu.memory_space<semaphore_mem>>)
      %mul3A_580 = arith.constant 16000 : i32
      %mul3A_581 = arith.muli %add3A_435, %mul3A_580 : i32
      %add3A_582 = arith.constant 2560000 : i32
      %add3A_583 = arith.addi %add3A_582, %mul3A_581 : i32
      %dma_start3A_584 = arith.constant 16 : i32
      %dma_start3A_585 = arith.constant 0 : i32
      %dma_start3A_586 = tpu.memref_slice %arg4[%dma_start3A_584, %dma_start3A_585] : memref<32x16000xf32, #tpu.memory_space<vmem>> -> memref<1x16000xf32, #tpu.memory_space<vmem>>
      %dma_start3A_587 = tpu.memref_squeeze %dma_start3A_586 : memref<1x16000xf32, #tpu.memory_space<vmem>> -> memref<16000xf32, #tpu.memory_space<vmem>>
      %dma_start3A_588 = tpu.memref_slice %arg1[%add3A_583] : memref<5120000xf32, #tpu.memory_space<any>> -> memref<16000xf32, #tpu.memory_space<any>>
      tpu.enqueue_dma source(%dma_start3A_588 : memref<16000xf32, #tpu.memory_space<any>>) target(%dma_start3A_587 : memref<16000xf32, #tpu.memory_space<vmem>>) target_semaphore(%arg8 : memref<!tpu.dma_semaphore, #tpu.memory_space<semaphore_mem>>)
      %mul3A_589 = arith.constant 16000 : i32
      %mul3A_590 = arith.muli %add3A_435, %mul3A_589 : i32
      %add3A_591 = arith.constant 2720000 : i32
      %add3A_592 = arith.addi %add3A_591, %mul3A_590 : i32
      %dma_start3A_593 = arith.constant 17 : i32
      %dma_start3A_594 = arith.constant 0 : i32
      %dma_start3A_595 = tpu.memref_slice %arg4[%dma_start3A_593, %dma_start3A_594] : memref<32x16000xf32, #tpu.memory_space<vmem>> -> memref<1x16000xf32, #tpu.memory_space<vmem>>
      %dma_start3A_596 = tpu.memref_squeeze %dma_start3A_595 : memref<1x16000xf32, #tpu.memory_space<vmem>> -> memref<16000xf32, #tpu.memory_space<vmem>>
      %dma_start3A_597 = tpu.memref_slice %arg1[%add3A_592] : memref<5120000xf32, #tpu.memory_space<any>> -> memref<16000xf32, #tpu.memory_space<any>>
      tpu.enqueue_dma source(%dma_start3A_597 : memref<16000xf32, #tpu.memory_space<any>>) target(%dma_start3A_596 : memref<16000xf32, #tpu.memory_space<vmem>>) target_semaphore(%arg8 : memref<!tpu.dma_semaphore, #tpu.memory_space<semaphore_mem>>)
      %mul3A_598 = arith.constant 16000 : i32
      %mul3A_599 = arith.muli %add3A_435, %mul3A_598 : i32
      %add3A_600 = arith.constant 2880000 : i32
      %add3A_601 = arith.addi %add3A_600, %mul3A_599 : i32
      %dma_start3A_602 = arith.constant 18 : i32
      %dma_start3A_603 = arith.constant 0 : i32
      %dma_start3A_604 = tpu.memref_slice %arg4[%dma_start3A_602, %dma_start3A_603] : memref<32x16000xf32, #tpu.memory_space<vmem>> -> memref<1x16000xf32, #tpu.memory_space<vmem>>
      %dma_start3A_605 = tpu.memref_squeeze %dma_start3A_604 : memref<1x16000xf32, #tpu.memory_space<vmem>> -> memref<16000xf32, #tpu.memory_space<vmem>>
      %dma_start3A_606 = tpu.memref_slice %arg1[%add3A_601] : memref<5120000xf32, #tpu.memory_space<any>> -> memref<16000xf32, #tpu.memory_space<any>>
      tpu.enqueue_dma source(%dma_start3A_606 : memref<16000xf32, #tpu.memory_space<any>>) target(%dma_start3A_605 : memref<16000xf32, #tpu.memory_space<vmem>>) target_semaphore(%arg8 : memref<!tpu.dma_semaphore, #tpu.memory_space<semaphore_mem>>)
      %mul3A_607 = arith.constant 16000 : i32
      %mul3A_608 = arith.muli %add3A_435, %mul3A_607 : i32
      %add3A_609 = arith.constant 3040000 : i32
      %add3A_610 = arith.addi %add3A_609, %mul3A_608 : i32
      %dma_start3A_611 = arith.constant 19 : i32
      %dma_start3A_612 = arith.constant 0 : i32
      %dma_start3A_613 = tpu.memref_slice %arg4[%dma_start3A_611, %dma_start3A_612] : memref<32x16000xf32, #tpu.memory_space<vmem>> -> memref<1x16000xf32, #tpu.memory_space<vmem>>
      %dma_start3A_614 = tpu.memref_squeeze %dma_start3A_613 : memref<1x16000xf32, #tpu.memory_space<vmem>> -> memref<16000xf32, #tpu.memory_space<vmem>>
      %dma_start3A_615 = tpu.memref_slice %arg1[%add3A_610] : memref<5120000xf32, #tpu.memory_space<any>> -> memref<16000xf32, #tpu.memory_space<any>>
      tpu.enqueue_dma source(%dma_start3A_615 : memref<16000xf32, #tpu.memory_space<any>>) target(%dma_start3A_614 : memref<16000xf32, #tpu.memory_space<vmem>>) target_semaphore(%arg8 : memref<!tpu.dma_semaphore, #tpu.memory_space<semaphore_mem>>)
      %mul3A_616 = arith.constant 16000 : i32
      %mul3A_617 = arith.muli %add3A_435, %mul3A_616 : i32
      %add3A_618 = arith.constant 3200000 : i32
      %add3A_619 = arith.addi %add3A_618, %mul3A_617 : i32
      %dma_start3A_620 = arith.constant 20 : i32
      %dma_start3A_621 = arith.constant 0 : i32
      %dma_start3A_622 = tpu.memref_slice %arg4[%dma_start3A_620, %dma_start3A_621] : memref<32x16000xf32, #tpu.memory_space<vmem>> -> memref<1x16000xf32, #tpu.memory_space<vmem>>
      %dma_start3A_623 = tpu.memref_squeeze %dma_start3A_622 : memref<1x16000xf32, #tpu.memory_space<vmem>> -> memref<16000xf32, #tpu.memory_space<vmem>>
      %dma_start3A_624 = tpu.memref_slice %arg1[%add3A_619] : memref<5120000xf32, #tpu.memory_space<any>> -> memref<16000xf32, #tpu.memory_space<any>>
      tpu.enqueue_dma source(%dma_start3A_624 : memref<16000xf32, #tpu.memory_space<any>>) target(%dma_start3A_623 : memref<16000xf32, #tpu.memory_space<vmem>>) target_semaphore(%arg8 : memref<!tpu.dma_semaphore, #tpu.memory_space<semaphore_mem>>)
      %mul3A_625 = arith.constant 16000 : i32
      %mul3A_626 = arith.muli %add3A_435, %mul3A_625 : i32
      %add3A_627 = arith.constant 3360000 : i32
      %add3A_628 = arith.addi %add3A_627, %mul3A_626 : i32
      %dma_start3A_629 = arith.constant 21 : i32
      %dma_start3A_630 = arith.constant 0 : i32
      %dma_start3A_631 = tpu.memref_slice %arg4[%dma_start3A_629, %dma_start3A_630] : memref<32x16000xf32, #tpu.memory_space<vmem>> -> memref<1x16000xf32, #tpu.memory_space<vmem>>
      %dma_start3A_632 = tpu.memref_squeeze %dma_start3A_631 : memref<1x16000xf32, #tpu.memory_space<vmem>> -> memref<16000xf32, #tpu.memory_space<vmem>>
      %dma_start3A_633 = tpu.memref_slice %arg1[%add3A_628] : memref<5120000xf32, #tpu.memory_space<any>> -> memref<16000xf32, #tpu.memory_space<any>>
      tpu.enqueue_dma source(%dma_start3A_633 : memref<16000xf32, #tpu.memory_space<any>>) target(%dma_start3A_632 : memref<16000xf32, #tpu.memory_space<vmem>>) target_semaphore(%arg8 : memref<!tpu.dma_semaphore, #tpu.memory_space<semaphore_mem>>)
      %mul3A_634 = arith.constant 16000 : i32
      %mul3A_635 = arith.muli %add3A_435, %mul3A_634 : i32
      %add3A_636 = arith.constant 3520000 : i32
      %add3A_637 = arith.addi %add3A_636, %mul3A_635 : i32
      %dma_start3A_638 = arith.constant 22 : i32
      %dma_start3A_639 = arith.constant 0 : i32
      %dma_start3A_640 = tpu.memref_slice %arg4[%dma_start3A_638, %dma_start3A_639] : memref<32x16000xf32, #tpu.memory_space<vmem>> -> memref<1x16000xf32, #tpu.memory_space<vmem>>
      %dma_start3A_641 = tpu.memref_squeeze %dma_start3A_640 : memref<1x16000xf32, #tpu.memory_space<vmem>> -> memref<16000xf32, #tpu.memory_space<vmem>>
      %dma_start3A_642 = tpu.memref_slice %arg1[%add3A_637] : memref<5120000xf32, #tpu.memory_space<any>> -> memref<16000xf32, #tpu.memory_space<any>>
      tpu.enqueue_dma source(%dma_start3A_642 : memref<16000xf32, #tpu.memory_space<any>>) target(%dma_start3A_641 : memref<16000xf32, #tpu.memory_space<vmem>>) target_semaphore(%arg8 : memref<!tpu.dma_semaphore, #tpu.memory_space<semaphore_mem>>)
      %mul3A_643 = arith.constant 16000 : i32
      %mul3A_644 = arith.muli %add3A_435, %mul3A_643 : i32
      %add3A_645 = arith.constant 3680000 : i32
      %add3A_646 = arith.addi %add3A_645, %mul3A_644 : i32
      %dma_start3A_647 = arith.constant 23 : i32
      %dma_start3A_648 = arith.constant 0 : i32
      %dma_start3A_649 = tpu.memref_slice %arg4[%dma_start3A_647, %dma_start3A_648] : memref<32x16000xf32, #tpu.memory_space<vmem>> -> memref<1x16000xf32, #tpu.memory_space<vmem>>
      %dma_start3A_650 = tpu.memref_squeeze %dma_start3A_649 : memref<1x16000xf32, #tpu.memory_space<vmem>> -> memref<16000xf32, #tpu.memory_space<vmem>>
      %dma_start3A_651 = tpu.memref_slice %arg1[%add3A_646] : memref<5120000xf32, #tpu.memory_space<any>> -> memref<16000xf32, #tpu.memory_space<any>>
      tpu.enqueue_dma source(%dma_start3A_651 : memref<16000xf32, #tpu.memory_space<any>>) target(%dma_start3A_650 : memref<16000xf32, #tpu.memory_space<vmem>>) target_semaphore(%arg8 : memref<!tpu.dma_semaphore, #tpu.memory_space<semaphore_mem>>)
      %mul3A_652 = arith.constant 16000 : i32
      %mul3A_653 = arith.muli %add3A_435, %mul3A_652 : i32
      %add3A_654 = arith.constant 3840000 : i32
      %add3A_655 = arith.addi %add3A_654, %mul3A_653 : i32
      %dma_start3A_656 = arith.constant 24 : i32
      %dma_start3A_657 = arith.constant 0 : i32
      %dma_start3A_658 = tpu.memref_slice %arg4[%dma_start3A_656, %dma_start3A_657] : memref<32x16000xf32, #tpu.memory_space<vmem>> -> memref<1x16000xf32, #tpu.memory_space<vmem>>
      %dma_start3A_659 = tpu.memref_squeeze %dma_start3A_658 : memref<1x16000xf32, #tpu.memory_space<vmem>> -> memref<16000xf32, #tpu.memory_space<vmem>>
      %dma_start3A_660 = tpu.memref_slice %arg1[%add3A_655] : memref<5120000xf32, #tpu.memory_space<any>> -> memref<16000xf32, #tpu.memory_space<any>>
      tpu.enqueue_dma source(%dma_start3A_660 : memref<16000xf32, #tpu.memory_space<any>>) target(%dma_start3A_659 : memref<16000xf32, #tpu.memory_space<vmem>>) target_semaphore(%arg8 : memref<!tpu.dma_semaphore, #tpu.memory_space<semaphore_mem>>)
      %mul3A_661 = arith.constant 16000 : i32
      %mul3A_662 = arith.muli %add3A_435, %mul3A_661 : i32
      %add3A_663 = arith.constant 4000000 : i32
      %add3A_664 = arith.addi %add3A_663, %mul3A_662 : i32
      %dma_start3A_665 = arith.constant 25 : i32
      %dma_start3A_666 = arith.constant 0 : i32
      %dma_start3A_667 = tpu.memref_slice %arg4[%dma_start3A_665, %dma_start3A_666] : memref<32x16000xf32, #tpu.memory_space<vmem>> -> memref<1x16000xf32, #tpu.memory_space<vmem>>
      %dma_start3A_668 = tpu.memref_squeeze %dma_start3A_667 : memref<1x16000xf32, #tpu.memory_space<vmem>> -> memref<16000xf32, #tpu.memory_space<vmem>>
      %dma_start3A_669 = tpu.memref_slice %arg1[%add3A_664] : memref<5120000xf32, #tpu.memory_space<any>> -> memref<16000xf32, #tpu.memory_space<any>>
      tpu.enqueue_dma source(%dma_start3A_669 : memref<16000xf32, #tpu.memory_space<any>>) target(%dma_start3A_668 : memref<16000xf32, #tpu.memory_space<vmem>>) target_semaphore(%arg8 : memref<!tpu.dma_semaphore, #tpu.memory_space<semaphore_mem>>)
      %mul3A_670 = arith.constant 16000 : i32
      %mul3A_671 = arith.muli %add3A_435, %mul3A_670 : i32
      %add3A_672 = arith.constant 4160000 : i32
      %add3A_673 = arith.addi %add3A_672, %mul3A_671 : i32
      %dma_start3A_674 = arith.constant 26 : i32
      %dma_start3A_675 = arith.constant 0 : i32
      %dma_start3A_676 = tpu.memref_slice %arg4[%dma_start3A_674, %dma_start3A_675] : memref<32x16000xf32, #tpu.memory_space<vmem>> -> memref<1x16000xf32, #tpu.memory_space<vmem>>
      %dma_start3A_677 = tpu.memref_squeeze %dma_start3A_676 : memref<1x16000xf32, #tpu.memory_space<vmem>> -> memref<16000xf32, #tpu.memory_space<vmem>>
      %dma_start3A_678 = tpu.memref_slice %arg1[%add3A_673] : memref<5120000xf32, #tpu.memory_space<any>> -> memref<16000xf32, #tpu.memory_space<any>>
      tpu.enqueue_dma source(%dma_start3A_678 : memref<16000xf32, #tpu.memory_space<any>>) target(%dma_start3A_677 : memref<16000xf32, #tpu.memory_space<vmem>>) target_semaphore(%arg8 : memref<!tpu.dma_semaphore, #tpu.memory_space<semaphore_mem>>)
      %mul3A_679 = arith.constant 16000 : i32
      %mul3A_680 = arith.muli %add3A_435, %mul3A_679 : i32
      %add3A_681 = arith.constant 4320000 : i32
      %add3A_682 = arith.addi %add3A_681, %mul3A_680 : i32
      %dma_start3A_683 = arith.constant 27 : i32
      %dma_start3A_684 = arith.constant 0 : i32
      %dma_start3A_685 = tpu.memref_slice %arg4[%dma_start3A_683, %dma_start3A_684] : memref<32x16000xf32, #tpu.memory_space<vmem>> -> memref<1x16000xf32, #tpu.memory_space<vmem>>
      %dma_start3A_686 = tpu.memref_squeeze %dma_start3A_685 : memref<1x16000xf32, #tpu.memory_space<vmem>> -> memref<16000xf32, #tpu.memory_space<vmem>>
      %dma_start3A_687 = tpu.memref_slice %arg1[%add3A_682] : memref<5120000xf32, #tpu.memory_space<any>> -> memref<16000xf32, #tpu.memory_space<any>>
      tpu.enqueue_dma source(%dma_start3A_687 : memref<16000xf32, #tpu.memory_space<any>>) target(%dma_start3A_686 : memref<16000xf32, #tpu.memory_space<vmem>>) target_semaphore(%arg8 : memref<!tpu.dma_semaphore, #tpu.memory_space<semaphore_mem>>)
      %mul3A_688 = arith.constant 16000 : i32
      %mul3A_689 = arith.muli %add3A_435, %mul3A_688 : i32
      %add3A_690 = arith.constant 4480000 : i32
      %add3A_691 = arith.addi %add3A_690, %mul3A_689 : i32
      %dma_start3A_692 = arith.constant 28 : i32
      %dma_start3A_693 = arith.constant 0 : i32
      %dma_start3A_694 = tpu.memref_slice %arg4[%dma_start3A_692, %dma_start3A_693] : memref<32x16000xf32, #tpu.memory_space<vmem>> -> memref<1x16000xf32, #tpu.memory_space<vmem>>
      %dma_start3A_695 = tpu.memref_squeeze %dma_start3A_694 : memref<1x16000xf32, #tpu.memory_space<vmem>> -> memref<16000xf32, #tpu.memory_space<vmem>>
      %dma_start3A_696 = tpu.memref_slice %arg1[%add3A_691] : memref<5120000xf32, #tpu.memory_space<any>> -> memref<16000xf32, #tpu.memory_space<any>>
      tpu.enqueue_dma source(%dma_start3A_696 : memref<16000xf32, #tpu.memory_space<any>>) target(%dma_start3A_695 : memref<16000xf32, #tpu.memory_space<vmem>>) target_semaphore(%arg8 : memref<!tpu.dma_semaphore, #tpu.memory_space<semaphore_mem>>)
      %mul3A_697 = arith.constant 16000 : i32
      %mul3A_698 = arith.muli %add3A_435, %mul3A_697 : i32
      %add3A_699 = arith.constant 4640000 : i32
      %add3A_700 = arith.addi %add3A_699, %mul3A_698 : i32
      %dma_start3A_701 = arith.constant 29 : i32
      %dma_start3A_702 = arith.constant 0 : i32
      %dma_start3A_703 = tpu.memref_slice %arg4[%dma_start3A_701, %dma_start3A_702] : memref<32x16000xf32, #tpu.memory_space<vmem>> -> memref<1x16000xf32, #tpu.memory_space<vmem>>
      %dma_start3A_704 = tpu.memref_squeeze %dma_start3A_703 : memref<1x16000xf32, #tpu.memory_space<vmem>> -> memref<16000xf32, #tpu.memory_space<vmem>>
      %dma_start3A_705 = tpu.memref_slice %arg1[%add3A_700] : memref<5120000xf32, #tpu.memory_space<any>> -> memref<16000xf32, #tpu.memory_space<any>>
      tpu.enqueue_dma source(%dma_start3A_705 : memref<16000xf32, #tpu.memory_space<any>>) target(%dma_start3A_704 : memref<16000xf32, #tpu.memory_space<vmem>>) target_semaphore(%arg8 : memref<!tpu.dma_semaphore, #tpu.memory_space<semaphore_mem>>)
      %mul3A_706 = arith.constant 16000 : i32
      %mul3A_707 = arith.muli %add3A_435, %mul3A_706 : i32
      %add3A_708 = arith.constant 4800000 : i32
      %add3A_709 = arith.addi %add3A_708, %mul3A_707 : i32
      %dma_start3A_710 = arith.constant 30 : i32
      %dma_start3A_711 = arith.constant 0 : i32
      %dma_start3A_712 = tpu.memref_slice %arg4[%dma_start3A_710, %dma_start3A_711] : memref<32x16000xf32, #tpu.memory_space<vmem>> -> memref<1x16000xf32, #tpu.memory_space<vmem>>
      %dma_start3A_713 = tpu.memref_squeeze %dma_start3A_712 : memref<1x16000xf32, #tpu.memory_space<vmem>> -> memref<16000xf32, #tpu.memory_space<vmem>>
      %dma_start3A_714 = tpu.memref_slice %arg1[%add3A_709] : memref<5120000xf32, #tpu.memory_space<any>> -> memref<16000xf32, #tpu.memory_space<any>>
      tpu.enqueue_dma source(%dma_start3A_714 : memref<16000xf32, #tpu.memory_space<any>>) target(%dma_start3A_713 : memref<16000xf32, #tpu.memory_space<vmem>>) target_semaphore(%arg8 : memref<!tpu.dma_semaphore, #tpu.memory_space<semaphore_mem>>)
      %mul3A_715 = arith.constant 16000 : i32
      %mul3A_716 = arith.muli %add3A_435, %mul3A_715 : i32
      %add3A_717 = arith.constant 4960000 : i32
      %add3A_718 = arith.addi %add3A_717, %mul3A_716 : i32
      %dma_start3A_719 = arith.constant 31 : i32
      %dma_start3A_720 = arith.constant 0 : i32
      %dma_start3A_721 = tpu.memref_slice %arg4[%dma_start3A_719, %dma_start3A_720] : memref<32x16000xf32, #tpu.memory_space<vmem>> -> memref<1x16000xf32, #tpu.memory_space<vmem>>
      %dma_start3A_722 = tpu.memref_squeeze %dma_start3A_721 : memref<1x16000xf32, #tpu.memory_space<vmem>> -> memref<16000xf32, #tpu.memory_space<vmem>>
      %dma_start3A_723 = tpu.memref_slice %arg1[%add3A_718] : memref<5120000xf32, #tpu.memory_space<any>> -> memref<16000xf32, #tpu.memory_space<any>>
      tpu.enqueue_dma source(%dma_start3A_723 : memref<16000xf32, #tpu.memory_space<any>>) target(%dma_start3A_722 : memref<16000xf32, #tpu.memory_space<vmem>>) target_semaphore(%arg8 : memref<!tpu.dma_semaphore, #tpu.memory_space<semaphore_mem>>)
    } else {
    }
    %dma_wait3A = arith.constant 0 : i32
    %dma_wait3A_10 = arith.constant 0 : i32
    %dma_wait3A_11 = tpu.memref_slice %arg3[%dma_wait3A, %dma_wait3A_10] : memref<32x16000xf32, #tpu.memory_space<vmem>> -> memref<1x16000xf32, #tpu.memory_space<vmem>>
    %dma_wait3A_12 = tpu.memref_squeeze %dma_wait3A_11 : memref<1x16000xf32, #tpu.memory_space<vmem>> -> memref<16000xf32, #tpu.memory_space<vmem>>
    %dma_wait3A_13 = arith.constant 0 : i32
    %dma_wait3A_14 = tpu.memref_slice %arg1[%dma_wait3A_13] : memref<5120000xf32, #tpu.memory_space<any>> -> memref<16000xf32, #tpu.memory_space<any>>
    tpu.wait_dma2 semaphore(%arg7 : memref<!tpu.dma_semaphore, #tpu.memory_space<semaphore_mem>>) src(%dma_wait3A_14 : memref<16000xf32, #tpu.memory_space<any>>) dst(%dma_wait3A_12 : memref<16000xf32, #tpu.memory_space<vmem>>)
    %dma_wait3A_15 = arith.constant 1 : i32
    %dma_wait3A_16 = arith.constant 0 : i32
    %dma_wait3A_17 = tpu.memref_slice %arg3[%dma_wait3A_15, %dma_wait3A_16] : memref<32x16000xf32, #tpu.memory_space<vmem>> -> memref<1x16000xf32, #tpu.memory_space<vmem>>
    %dma_wait3A_18 = tpu.memref_squeeze %dma_wait3A_17 : memref<1x16000xf32, #tpu.memory_space<vmem>> -> memref<16000xf32, #tpu.memory_space<vmem>>
    %dma_wait3A_19 = arith.constant 0 : i32
    %dma_wait3A_20 = tpu.memref_slice %arg1[%dma_wait3A_19] : memref<5120000xf32, #tpu.memory_space<any>> -> memref<16000xf32, #tpu.memory_space<any>>
    tpu.wait_dma2 semaphore(%arg7 : memref<!tpu.dma_semaphore, #tpu.memory_space<semaphore_mem>>) src(%dma_wait3A_20 : memref<16000xf32, #tpu.memory_space<any>>) dst(%dma_wait3A_18 : memref<16000xf32, #tpu.memory_space<vmem>>)
    %dma_wait3A_21 = arith.constant 2 : i32
    %dma_wait3A_22 = arith.constant 0 : i32
    %dma_wait3A_23 = tpu.memref_slice %arg3[%dma_wait3A_21, %dma_wait3A_22] : memref<32x16000xf32, #tpu.memory_space<vmem>> -> memref<1x16000xf32, #tpu.memory_space<vmem>>
    %dma_wait3A_24 = tpu.memref_squeeze %dma_wait3A_23 : memref<1x16000xf32, #tpu.memory_space<vmem>> -> memref<16000xf32, #tpu.memory_space<vmem>>
    %dma_wait3A_25 = arith.constant 0 : i32
    %dma_wait3A_26 = tpu.memref_slice %arg1[%dma_wait3A_25] : memref<5120000xf32, #tpu.memory_space<any>> -> memref<16000xf32, #tpu.memory_space<any>>
    tpu.wait_dma2 semaphore(%arg7 : memref<!tpu.dma_semaphore, #tpu.memory_space<semaphore_mem>>) src(%dma_wait3A_26 : memref<16000xf32, #tpu.memory_space<any>>) dst(%dma_wait3A_24 : memref<16000xf32, #tpu.memory_space<vmem>>)
    %dma_wait3A_27 = arith.constant 3 : i32
    %dma_wait3A_28 = arith.constant 0 : i32
    %dma_wait3A_29 = tpu.memref_slice %arg3[%dma_wait3A_27, %dma_wait3A_28] : memref<32x16000xf32, #tpu.memory_space<vmem>> -> memref<1x16000xf32, #tpu.memory_space<vmem>>
    %dma_wait3A_30 = tpu.memref_squeeze %dma_wait3A_29 : memref<1x16000xf32, #tpu.memory_space<vmem>> -> memref<16000xf32, #tpu.memory_space<vmem>>
    %dma_wait3A_31 = arith.constant 0 : i32
    %dma_wait3A_32 = tpu.memref_slice %arg1[%dma_wait3A_31] : memref<5120000xf32, #tpu.memory_space<any>> -> memref<16000xf32, #tpu.memory_space<any>>
    tpu.wait_dma2 semaphore(%arg7 : memref<!tpu.dma_semaphore, #tpu.memory_space<semaphore_mem>>) src(%dma_wait3A_32 : memref<16000xf32, #tpu.memory_space<any>>) dst(%dma_wait3A_30 : memref<16000xf32, #tpu.memory_space<vmem>>)
    %dma_wait3A_33 = arith.constant 4 : i32
    %dma_wait3A_34 = arith.constant 0 : i32
    %dma_wait3A_35 = tpu.memref_slice %arg3[%dma_wait3A_33, %dma_wait3A_34] : memref<32x16000xf32, #tpu.memory_space<vmem>> -> memref<1x16000xf32, #tpu.memory_space<vmem>>
    %dma_wait3A_36 = tpu.memref_squeeze %dma_wait3A_35 : memref<1x16000xf32, #tpu.memory_space<vmem>> -> memref<16000xf32, #tpu.memory_space<vmem>>
    %dma_wait3A_37 = arith.constant 0 : i32
    %dma_wait3A_38 = tpu.memref_slice %arg1[%dma_wait3A_37] : memref<5120000xf32, #tpu.memory_space<any>> -> memref<16000xf32, #tpu.memory_space<any>>
    tpu.wait_dma2 semaphore(%arg7 : memref<!tpu.dma_semaphore, #tpu.memory_space<semaphore_mem>>) src(%dma_wait3A_38 : memref<16000xf32, #tpu.memory_space<any>>) dst(%dma_wait3A_36 : memref<16000xf32, #tpu.memory_space<vmem>>)
    %dma_wait3A_39 = arith.constant 5 : i32
    %dma_wait3A_40 = arith.constant 0 : i32
    %dma_wait3A_41 = tpu.memref_slice %arg3[%dma_wait3A_39, %dma_wait3A_40] : memref<32x16000xf32, #tpu.memory_space<vmem>> -> memref<1x16000xf32, #tpu.memory_space<vmem>>
    %dma_wait3A_42 = tpu.memref_squeeze %dma_wait3A_41 : memref<1x16000xf32, #tpu.memory_space<vmem>> -> memref<16000xf32, #tpu.memory_space<vmem>>
    %dma_wait3A_43 = arith.constant 0 : i32
    %dma_wait3A_44 = tpu.memref_slice %arg1[%dma_wait3A_43] : memref<5120000xf32, #tpu.memory_space<any>> -> memref<16000xf32, #tpu.memory_space<any>>
    tpu.wait_dma2 semaphore(%arg7 : memref<!tpu.dma_semaphore, #tpu.memory_space<semaphore_mem>>) src(%dma_wait3A_44 : memref<16000xf32, #tpu.memory_space<any>>) dst(%dma_wait3A_42 : memref<16000xf32, #tpu.memory_space<vmem>>)
    %dma_wait3A_45 = arith.constant 6 : i32
    %dma_wait3A_46 = arith.constant 0 : i32
    %dma_wait3A_47 = tpu.memref_slice %arg3[%dma_wait3A_45, %dma_wait3A_46] : memref<32x16000xf32, #tpu.memory_space<vmem>> -> memref<1x16000xf32, #tpu.memory_space<vmem>>
    %dma_wait3A_48 = tpu.memref_squeeze %dma_wait3A_47 : memref<1x16000xf32, #tpu.memory_space<vmem>> -> memref<16000xf32, #tpu.memory_space<vmem>>
    %dma_wait3A_49 = arith.constant 0 : i32
    %dma_wait3A_50 = tpu.memref_slice %arg1[%dma_wait3A_49] : memref<5120000xf32, #tpu.memory_space<any>> -> memref<16000xf32, #tpu.memory_space<any>>
    tpu.wait_dma2 semaphore(%arg7 : memref<!tpu.dma_semaphore, #tpu.memory_space<semaphore_mem>>) src(%dma_wait3A_50 : memref<16000xf32, #tpu.memory_space<any>>) dst(%dma_wait3A_48 : memref<16000xf32, #tpu.memory_space<vmem>>)
    %dma_wait3A_51 = arith.constant 7 : i32
    %dma_wait3A_52 = arith.constant 0 : i32
    %dma_wait3A_53 = tpu.memref_slice %arg3[%dma_wait3A_51, %dma_wait3A_52] : memref<32x16000xf32, #tpu.memory_space<vmem>> -> memref<1x16000xf32, #tpu.memory_space<vmem>>
    %dma_wait3A_54 = tpu.memref_squeeze %dma_wait3A_53 : memref<1x16000xf32, #tpu.memory_space<vmem>> -> memref<16000xf32, #tpu.memory_space<vmem>>
    %dma_wait3A_55 = arith.constant 0 : i32
    %dma_wait3A_56 = tpu.memref_slice %arg1[%dma_wait3A_55] : memref<5120000xf32, #tpu.memory_space<any>> -> memref<16000xf32, #tpu.memory_space<any>>
    tpu.wait_dma2 semaphore(%arg7 : memref<!tpu.dma_semaphore, #tpu.memory_space<semaphore_mem>>) src(%dma_wait3A_56 : memref<16000xf32, #tpu.memory_space<any>>) dst(%dma_wait3A_54 : memref<16000xf32, #tpu.memory_space<vmem>>)
    %dma_wait3A_57 = arith.constant 8 : i32
    %dma_wait3A_58 = arith.constant 0 : i32
    %dma_wait3A_59 = tpu.memref_slice %arg3[%dma_wait3A_57, %dma_wait3A_58] : memref<32x16000xf32, #tpu.memory_space<vmem>> -> memref<1x16000xf32, #tpu.memory_space<vmem>>
    %dma_wait3A_60 = tpu.memref_squeeze %dma_wait3A_59 : memref<1x16000xf32, #tpu.memory_space<vmem>> -> memref<16000xf32, #tpu.memory_space<vmem>>
    %dma_wait3A_61 = arith.constant 0 : i32
    %dma_wait3A_62 = tpu.memref_slice %arg1[%dma_wait3A_61] : memref<5120000xf32, #tpu.memory_space<any>> -> memref<16000xf32, #tpu.memory_space<any>>
    tpu.wait_dma2 semaphore(%arg7 : memref<!tpu.dma_semaphore, #tpu.memory_space<semaphore_mem>>) src(%dma_wait3A_62 : memref<16000xf32, #tpu.memory_space<any>>) dst(%dma_wait3A_60 : memref<16000xf32, #tpu.memory_space<vmem>>)
    %dma_wait3A_63 = arith.constant 9 : i32
    %dma_wait3A_64 = arith.constant 0 : i32
    %dma_wait3A_65 = tpu.memref_slice %arg3[%dma_wait3A_63, %dma_wait3A_64] : memref<32x16000xf32, #tpu.memory_space<vmem>> -> memref<1x16000xf32, #tpu.memory_space<vmem>>
    %dma_wait3A_66 = tpu.memref_squeeze %dma_wait3A_65 : memref<1x16000xf32, #tpu.memory_space<vmem>> -> memref<16000xf32, #tpu.memory_space<vmem>>
    %dma_wait3A_67 = arith.constant 0 : i32
    %dma_wait3A_68 = tpu.memref_slice %arg1[%dma_wait3A_67] : memref<5120000xf32, #tpu.memory_space<any>> -> memref<16000xf32, #tpu.memory_space<any>>
    tpu.wait_dma2 semaphore(%arg7 : memref<!tpu.dma_semaphore, #tpu.memory_space<semaphore_mem>>) src(%dma_wait3A_68 : memref<16000xf32, #tpu.memory_space<any>>) dst(%dma_wait3A_66 : memref<16000xf32, #tpu.memory_space<vmem>>)
    %dma_wait3A_69 = arith.constant 10 : i32
    %dma_wait3A_70 = arith.constant 0 : i32
    %dma_wait3A_71 = tpu.memref_slice %arg3[%dma_wait3A_69, %dma_wait3A_70] : memref<32x16000xf32, #tpu.memory_space<vmem>> -> memref<1x16000xf32, #tpu.memory_space<vmem>>
    %dma_wait3A_72 = tpu.memref_squeeze %dma_wait3A_71 : memref<1x16000xf32, #tpu.memory_space<vmem>> -> memref<16000xf32, #tpu.memory_space<vmem>>
    %dma_wait3A_73 = arith.constant 0 : i32
    %dma_wait3A_74 = tpu.memref_slice %arg1[%dma_wait3A_73] : memref<5120000xf32, #tpu.memory_space<any>> -> memref<16000xf32, #tpu.memory_space<any>>
    tpu.wait_dma2 semaphore(%arg7 : memref<!tpu.dma_semaphore, #tpu.memory_space<semaphore_mem>>) src(%dma_wait3A_74 : memref<16000xf32, #tpu.memory_space<any>>) dst(%dma_wait3A_72 : memref<16000xf32, #tpu.memory_space<vmem>>)
    %dma_wait3A_75 = arith.constant 11 : i32
    %dma_wait3A_76 = arith.constant 0 : i32
    %dma_wait3A_77 = tpu.memref_slice %arg3[%dma_wait3A_75, %dma_wait3A_76] : memref<32x16000xf32, #tpu.memory_space<vmem>> -> memref<1x16000xf32, #tpu.memory_space<vmem>>
    %dma_wait3A_78 = tpu.memref_squeeze %dma_wait3A_77 : memref<1x16000xf32, #tpu.memory_space<vmem>> -> memref<16000xf32, #tpu.memory_space<vmem>>
    %dma_wait3A_79 = arith.constant 0 : i32
    %dma_wait3A_80 = tpu.memref_slice %arg1[%dma_wait3A_79] : memref<5120000xf32, #tpu.memory_space<any>> -> memref<16000xf32, #tpu.memory_space<any>>
    tpu.wait_dma2 semaphore(%arg7 : memref<!tpu.dma_semaphore, #tpu.memory_space<semaphore_mem>>) src(%dma_wait3A_80 : memref<16000xf32, #tpu.memory_space<any>>) dst(%dma_wait3A_78 : memref<16000xf32, #tpu.memory_space<vmem>>)
    %dma_wait3A_81 = arith.constant 12 : i32
    %dma_wait3A_82 = arith.constant 0 : i32
    %dma_wait3A_83 = tpu.memref_slice %arg3[%dma_wait3A_81, %dma_wait3A_82] : memref<32x16000xf32, #tpu.memory_space<vmem>> -> memref<1x16000xf32, #tpu.memory_space<vmem>>
    %dma_wait3A_84 = tpu.memref_squeeze %dma_wait3A_83 : memref<1x16000xf32, #tpu.memory_space<vmem>> -> memref<16000xf32, #tpu.memory_space<vmem>>
    %dma_wait3A_85 = arith.constant 0 : i32
    %dma_wait3A_86 = tpu.memref_slice %arg1[%dma_wait3A_85] : memref<5120000xf32, #tpu.memory_space<any>> -> memref<16000xf32, #tpu.memory_space<any>>
    tpu.wait_dma2 semaphore(%arg7 : memref<!tpu.dma_semaphore, #tpu.memory_space<semaphore_mem>>) src(%dma_wait3A_86 : memref<16000xf32, #tpu.memory_space<any>>) dst(%dma_wait3A_84 : memref<16000xf32, #tpu.memory_space<vmem>>)
    %dma_wait3A_87 = arith.constant 13 : i32
    %dma_wait3A_88 = arith.constant 0 : i32
    %dma_wait3A_89 = tpu.memref_slice %arg3[%dma_wait3A_87, %dma_wait3A_88] : memref<32x16000xf32, #tpu.memory_space<vmem>> -> memref<1x16000xf32, #tpu.memory_space<vmem>>
    %dma_wait3A_90 = tpu.memref_squeeze %dma_wait3A_89 : memref<1x16000xf32, #tpu.memory_space<vmem>> -> memref<16000xf32, #tpu.memory_space<vmem>>
    %dma_wait3A_91 = arith.constant 0 : i32
    %dma_wait3A_92 = tpu.memref_slice %arg1[%dma_wait3A_91] : memref<5120000xf32, #tpu.memory_space<any>> -> memref<16000xf32, #tpu.memory_space<any>>
    tpu.wait_dma2 semaphore(%arg7 : memref<!tpu.dma_semaphore, #tpu.memory_space<semaphore_mem>>) src(%dma_wait3A_92 : memref<16000xf32, #tpu.memory_space<any>>) dst(%dma_wait3A_90 : memref<16000xf32, #tpu.memory_space<vmem>>)
    %dma_wait3A_93 = arith.constant 14 : i32
    %dma_wait3A_94 = arith.constant 0 : i32
    %dma_wait3A_95 = tpu.memref_slice %arg3[%dma_wait3A_93, %dma_wait3A_94] : memref<32x16000xf32, #tpu.memory_space<vmem>> -> memref<1x16000xf32, #tpu.memory_space<vmem>>
    %dma_wait3A_96 = tpu.memref_squeeze %dma_wait3A_95 : memref<1x16000xf32, #tpu.memory_space<vmem>> -> memref<16000xf32, #tpu.memory_space<vmem>>
    %dma_wait3A_97 = arith.constant 0 : i32
    %dma_wait3A_98 = tpu.memref_slice %arg1[%dma_wait3A_97] : memref<5120000xf32, #tpu.memory_space<any>> -> memref<16000xf32, #tpu.memory_space<any>>
    tpu.wait_dma2 semaphore(%arg7 : memref<!tpu.dma_semaphore, #tpu.memory_space<semaphore_mem>>) src(%dma_wait3A_98 : memref<16000xf32, #tpu.memory_space<any>>) dst(%dma_wait3A_96 : memref<16000xf32, #tpu.memory_space<vmem>>)
    %dma_wait3A_99 = arith.constant 15 : i32
    %dma_wait3A_100 = arith.constant 0 : i32
    %dma_wait3A_101 = tpu.memref_slice %arg3[%dma_wait3A_99, %dma_wait3A_100] : memref<32x16000xf32, #tpu.memory_space<vmem>> -> memref<1x16000xf32, #tpu.memory_space<vmem>>
    %dma_wait3A_102 = tpu.memref_squeeze %dma_wait3A_101 : memref<1x16000xf32, #tpu.memory_space<vmem>> -> memref<16000xf32, #tpu.memory_space<vmem>>
    %dma_wait3A_103 = arith.constant 0 : i32
    %dma_wait3A_104 = tpu.memref_slice %arg1[%dma_wait3A_103] : memref<5120000xf32, #tpu.memory_space<any>> -> memref<16000xf32, #tpu.memory_space<any>>
    tpu.wait_dma2 semaphore(%arg7 : memref<!tpu.dma_semaphore, #tpu.memory_space<semaphore_mem>>) src(%dma_wait3A_104 : memref<16000xf32, #tpu.memory_space<any>>) dst(%dma_wait3A_102 : memref<16000xf32, #tpu.memory_space<vmem>>)
    %dma_wait3A_105 = arith.constant 16 : i32
    %dma_wait3A_106 = arith.constant 0 : i32
    %dma_wait3A_107 = tpu.memref_slice %arg3[%dma_wait3A_105, %dma_wait3A_106] : memref<32x16000xf32, #tpu.memory_space<vmem>> -> memref<1x16000xf32, #tpu.memory_space<vmem>>
    %dma_wait3A_108 = tpu.memref_squeeze %dma_wait3A_107 : memref<1x16000xf32, #tpu.memory_space<vmem>> -> memref<16000xf32, #tpu.memory_space<vmem>>
    %dma_wait3A_109 = arith.constant 0 : i32
    %dma_wait3A_110 = tpu.memref_slice %arg1[%dma_wait3A_109] : memref<5120000xf32, #tpu.memory_space<any>> -> memref<16000xf32, #tpu.memory_space<any>>
    tpu.wait_dma2 semaphore(%arg7 : memref<!tpu.dma_semaphore, #tpu.memory_space<semaphore_mem>>) src(%dma_wait3A_110 : memref<16000xf32, #tpu.memory_space<any>>) dst(%dma_wait3A_108 : memref<16000xf32, #tpu.memory_space<vmem>>)
    %dma_wait3A_111 = arith.constant 17 : i32
    %dma_wait3A_112 = arith.constant 0 : i32
    %dma_wait3A_113 = tpu.memref_slice %arg3[%dma_wait3A_111, %dma_wait3A_112] : memref<32x16000xf32, #tpu.memory_space<vmem>> -> memref<1x16000xf32, #tpu.memory_space<vmem>>
    %dma_wait3A_114 = tpu.memref_squeeze %dma_wait3A_113 : memref<1x16000xf32, #tpu.memory_space<vmem>> -> memref<16000xf32, #tpu.memory_space<vmem>>
    %dma_wait3A_115 = arith.constant 0 : i32
    %dma_wait3A_116 = tpu.memref_slice %arg1[%dma_wait3A_115] : memref<5120000xf32, #tpu.memory_space<any>> -> memref<16000xf32, #tpu.memory_space<any>>
    tpu.wait_dma2 semaphore(%arg7 : memref<!tpu.dma_semaphore, #tpu.memory_space<semaphore_mem>>) src(%dma_wait3A_116 : memref<16000xf32, #tpu.memory_space<any>>) dst(%dma_wait3A_114 : memref<16000xf32, #tpu.memory_space<vmem>>)
    %dma_wait3A_117 = arith.constant 18 : i32
    %dma_wait3A_118 = arith.constant 0 : i32
    %dma_wait3A_119 = tpu.memref_slice %arg3[%dma_wait3A_117, %dma_wait3A_118] : memref<32x16000xf32, #tpu.memory_space<vmem>> -> memref<1x16000xf32, #tpu.memory_space<vmem>>
    %dma_wait3A_120 = tpu.memref_squeeze %dma_wait3A_119 : memref<1x16000xf32, #tpu.memory_space<vmem>> -> memref<16000xf32, #tpu.memory_space<vmem>>
    %dma_wait3A_121 = arith.constant 0 : i32
    %dma_wait3A_122 = tpu.memref_slice %arg1[%dma_wait3A_121] : memref<5120000xf32, #tpu.memory_space<any>> -> memref<16000xf32, #tpu.memory_space<any>>
    tpu.wait_dma2 semaphore(%arg7 : memref<!tpu.dma_semaphore, #tpu.memory_space<semaphore_mem>>) src(%dma_wait3A_122 : memref<16000xf32, #tpu.memory_space<any>>) dst(%dma_wait3A_120 : memref<16000xf32, #tpu.memory_space<vmem>>)
    %dma_wait3A_123 = arith.constant 19 : i32
    %dma_wait3A_124 = arith.constant 0 : i32
    %dma_wait3A_125 = tpu.memref_slice %arg3[%dma_wait3A_123, %dma_wait3A_124] : memref<32x16000xf32, #tpu.memory_space<vmem>> -> memref<1x16000xf32, #tpu.memory_space<vmem>>
    %dma_wait3A_126 = tpu.memref_squeeze %dma_wait3A_125 : memref<1x16000xf32, #tpu.memory_space<vmem>> -> memref<16000xf32, #tpu.memory_space<vmem>>
    %dma_wait3A_127 = arith.constant 0 : i32
    %dma_wait3A_128 = tpu.memref_slice %arg1[%dma_wait3A_127] : memref<5120000xf32, #tpu.memory_space<any>> -> memref<16000xf32, #tpu.memory_space<any>>
    tpu.wait_dma2 semaphore(%arg7 : memref<!tpu.dma_semaphore, #tpu.memory_space<semaphore_mem>>) src(%dma_wait3A_128 : memref<16000xf32, #tpu.memory_space<any>>) dst(%dma_wait3A_126 : memref<16000xf32, #tpu.memory_space<vmem>>)
    %dma_wait3A_129 = arith.constant 20 : i32
    %dma_wait3A_130 = arith.constant 0 : i32
    %dma_wait3A_131 = tpu.memref_slice %arg3[%dma_wait3A_129, %dma_wait3A_130] : memref<32x16000xf32, #tpu.memory_space<vmem>> -> memref<1x16000xf32, #tpu.memory_space<vmem>>
    %dma_wait3A_132 = tpu.memref_squeeze %dma_wait3A_131 : memref<1x16000xf32, #tpu.memory_space<vmem>> -> memref<16000xf32, #tpu.memory_space<vmem>>
    %dma_wait3A_133 = arith.constant 0 : i32
    %dma_wait3A_134 = tpu.memref_slice %arg1[%dma_wait3A_133] : memref<5120000xf32, #tpu.memory_space<any>> -> memref<16000xf32, #tpu.memory_space<any>>
    tpu.wait_dma2 semaphore(%arg7 : memref<!tpu.dma_semaphore, #tpu.memory_space<semaphore_mem>>) src(%dma_wait3A_134 : memref<16000xf32, #tpu.memory_space<any>>) dst(%dma_wait3A_132 : memref<16000xf32, #tpu.memory_space<vmem>>)
    %dma_wait3A_135 = arith.constant 21 : i32
    %dma_wait3A_136 = arith.constant 0 : i32
    %dma_wait3A_137 = tpu.memref_slice %arg3[%dma_wait3A_135, %dma_wait3A_136] : memref<32x16000xf32, #tpu.memory_space<vmem>> -> memref<1x16000xf32, #tpu.memory_space<vmem>>
    %dma_wait3A_138 = tpu.memref_squeeze %dma_wait3A_137 : memref<1x16000xf32, #tpu.memory_space<vmem>> -> memref<16000xf32, #tpu.memory_space<vmem>>
    %dma_wait3A_139 = arith.constant 0 : i32
    %dma_wait3A_140 = tpu.memref_slice %arg1[%dma_wait3A_139] : memref<5120000xf32, #tpu.memory_space<any>> -> memref<16000xf32, #tpu.memory_space<any>>
    tpu.wait_dma2 semaphore(%arg7 : memref<!tpu.dma_semaphore, #tpu.memory_space<semaphore_mem>>) src(%dma_wait3A_140 : memref<16000xf32, #tpu.memory_space<any>>) dst(%dma_wait3A_138 : memref<16000xf32, #tpu.memory_space<vmem>>)
    %dma_wait3A_141 = arith.constant 22 : i32
    %dma_wait3A_142 = arith.constant 0 : i32
    %dma_wait3A_143 = tpu.memref_slice %arg3[%dma_wait3A_141, %dma_wait3A_142] : memref<32x16000xf32, #tpu.memory_space<vmem>> -> memref<1x16000xf32, #tpu.memory_space<vmem>>
    %dma_wait3A_144 = tpu.memref_squeeze %dma_wait3A_143 : memref<1x16000xf32, #tpu.memory_space<vmem>> -> memref<16000xf32, #tpu.memory_space<vmem>>
    %dma_wait3A_145 = arith.constant 0 : i32
    %dma_wait3A_146 = tpu.memref_slice %arg1[%dma_wait3A_145] : memref<5120000xf32, #tpu.memory_space<any>> -> memref<16000xf32, #tpu.memory_space<any>>
    tpu.wait_dma2 semaphore(%arg7 : memref<!tpu.dma_semaphore, #tpu.memory_space<semaphore_mem>>) src(%dma_wait3A_146 : memref<16000xf32, #tpu.memory_space<any>>) dst(%dma_wait3A_144 : memref<16000xf32, #tpu.memory_space<vmem>>)
    %dma_wait3A_147 = arith.constant 23 : i32
    %dma_wait3A_148 = arith.constant 0 : i32
    %dma_wait3A_149 = tpu.memref_slice %arg3[%dma_wait3A_147, %dma_wait3A_148] : memref<32x16000xf32, #tpu.memory_space<vmem>> -> memref<1x16000xf32, #tpu.memory_space<vmem>>
    %dma_wait3A_150 = tpu.memref_squeeze %dma_wait3A_149 : memref<1x16000xf32, #tpu.memory_space<vmem>> -> memref<16000xf32, #tpu.memory_space<vmem>>
    %dma_wait3A_151 = arith.constant 0 : i32
    %dma_wait3A_152 = tpu.memref_slice %arg1[%dma_wait3A_151] : memref<5120000xf32, #tpu.memory_space<any>> -> memref<16000xf32, #tpu.memory_space<any>>
    tpu.wait_dma2 semaphore(%arg7 : memref<!tpu.dma_semaphore, #tpu.memory_space<semaphore_mem>>) src(%dma_wait3A_152 : memref<16000xf32, #tpu.memory_space<any>>) dst(%dma_wait3A_150 : memref<16000xf32, #tpu.memory_space<vmem>>)
    %dma_wait3A_153 = arith.constant 24 : i32
    %dma_wait3A_154 = arith.constant 0 : i32
    %dma_wait3A_155 = tpu.memref_slice %arg3[%dma_wait3A_153, %dma_wait3A_154] : memref<32x16000xf32, #tpu.memory_space<vmem>> -> memref<1x16000xf32, #tpu.memory_space<vmem>>
    %dma_wait3A_156 = tpu.memref_squeeze %dma_wait3A_155 : memref<1x16000xf32, #tpu.memory_space<vmem>> -> memref<16000xf32, #tpu.memory_space<vmem>>
    %dma_wait3A_157 = arith.constant 0 : i32
    %dma_wait3A_158 = tpu.memref_slice %arg1[%dma_wait3A_157] : memref<5120000xf32, #tpu.memory_space<any>> -> memref<16000xf32, #tpu.memory_space<any>>
    tpu.wait_dma2 semaphore(%arg7 : memref<!tpu.dma_semaphore, #tpu.memory_space<semaphore_mem>>) src(%dma_wait3A_158 : memref<16000xf32, #tpu.memory_space<any>>) dst(%dma_wait3A_156 : memref<16000xf32, #tpu.memory_space<vmem>>)
    %dma_wait3A_159 = arith.constant 25 : i32
    %dma_wait3A_160 = arith.constant 0 : i32
    %dma_wait3A_161 = tpu.memref_slice %arg3[%dma_wait3A_159, %dma_wait3A_160] : memref<32x16000xf32, #tpu.memory_space<vmem>> -> memref<1x16000xf32, #tpu.memory_space<vmem>>
    %dma_wait3A_162 = tpu.memref_squeeze %dma_wait3A_161 : memref<1x16000xf32, #tpu.memory_space<vmem>> -> memref<16000xf32, #tpu.memory_space<vmem>>
    %dma_wait3A_163 = arith.constant 0 : i32
    %dma_wait3A_164 = tpu.memref_slice %arg1[%dma_wait3A_163] : memref<5120000xf32, #tpu.memory_space<any>> -> memref<16000xf32, #tpu.memory_space<any>>
    tpu.wait_dma2 semaphore(%arg7 : memref<!tpu.dma_semaphore, #tpu.memory_space<semaphore_mem>>) src(%dma_wait3A_164 : memref<16000xf32, #tpu.memory_space<any>>) dst(%dma_wait3A_162 : memref<16000xf32, #tpu.memory_space<vmem>>)
    %dma_wait3A_165 = arith.constant 26 : i32
    %dma_wait3A_166 = arith.constant 0 : i32
    %dma_wait3A_167 = tpu.memref_slice %arg3[%dma_wait3A_165, %dma_wait3A_166] : memref<32x16000xf32, #tpu.memory_space<vmem>> -> memref<1x16000xf32, #tpu.memory_space<vmem>>
    %dma_wait3A_168 = tpu.memref_squeeze %dma_wait3A_167 : memref<1x16000xf32, #tpu.memory_space<vmem>> -> memref<16000xf32, #tpu.memory_space<vmem>>
    %dma_wait3A_169 = arith.constant 0 : i32
    %dma_wait3A_170 = tpu.memref_slice %arg1[%dma_wait3A_169] : memref<5120000xf32, #tpu.memory_space<any>> -> memref<16000xf32, #tpu.memory_space<any>>
    tpu.wait_dma2 semaphore(%arg7 : memref<!tpu.dma_semaphore, #tpu.memory_space<semaphore_mem>>) src(%dma_wait3A_170 : memref<16000xf32, #tpu.memory_space<any>>) dst(%dma_wait3A_168 : memref<16000xf32, #tpu.memory_space<vmem>>)
    %dma_wait3A_171 = arith.constant 27 : i32
    %dma_wait3A_172 = arith.constant 0 : i32
    %dma_wait3A_173 = tpu.memref_slice %arg3[%dma_wait3A_171, %dma_wait3A_172] : memref<32x16000xf32, #tpu.memory_space<vmem>> -> memref<1x16000xf32, #tpu.memory_space<vmem>>
    %dma_wait3A_174 = tpu.memref_squeeze %dma_wait3A_173 : memref<1x16000xf32, #tpu.memory_space<vmem>> -> memref<16000xf32, #tpu.memory_space<vmem>>
    %dma_wait3A_175 = arith.constant 0 : i32
    %dma_wait3A_176 = tpu.memref_slice %arg1[%dma_wait3A_175] : memref<5120000xf32, #tpu.memory_space<any>> -> memref<16000xf32, #tpu.memory_space<any>>
    tpu.wait_dma2 semaphore(%arg7 : memref<!tpu.dma_semaphore, #tpu.memory_space<semaphore_mem>>) src(%dma_wait3A_176 : memref<16000xf32, #tpu.memory_space<any>>) dst(%dma_wait3A_174 : memref<16000xf32, #tpu.memory_space<vmem>>)
    %dma_wait3A_177 = arith.constant 28 : i32
    %dma_wait3A_178 = arith.constant 0 : i32
    %dma_wait3A_179 = tpu.memref_slice %arg3[%dma_wait3A_177, %dma_wait3A_178] : memref<32x16000xf32, #tpu.memory_space<vmem>> -> memref<1x16000xf32, #tpu.memory_space<vmem>>
    %dma_wait3A_180 = tpu.memref_squeeze %dma_wait3A_179 : memref<1x16000xf32, #tpu.memory_space<vmem>> -> memref<16000xf32, #tpu.memory_space<vmem>>
    %dma_wait3A_181 = arith.constant 0 : i32
    %dma_wait3A_182 = tpu.memref_slice %arg1[%dma_wait3A_181] : memref<5120000xf32, #tpu.memory_space<any>> -> memref<16000xf32, #tpu.memory_space<any>>
    tpu.wait_dma2 semaphore(%arg7 : memref<!tpu.dma_semaphore, #tpu.memory_space<semaphore_mem>>) src(%dma_wait3A_182 : memref<16000xf32, #tpu.memory_space<any>>) dst(%dma_wait3A_180 : memref<16000xf32, #tpu.memory_space<vmem>>)
    %dma_wait3A_183 = arith.constant 29 : i32
    %dma_wait3A_184 = arith.constant 0 : i32
    %dma_wait3A_185 = tpu.memref_slice %arg3[%dma_wait3A_183, %dma_wait3A_184] : memref<32x16000xf32, #tpu.memory_space<vmem>> -> memref<1x16000xf32, #tpu.memory_space<vmem>>
    %dma_wait3A_186 = tpu.memref_squeeze %dma_wait3A_185 : memref<1x16000xf32, #tpu.memory_space<vmem>> -> memref<16000xf32, #tpu.memory_space<vmem>>
    %dma_wait3A_187 = arith.constant 0 : i32
    %dma_wait3A_188 = tpu.memref_slice %arg1[%dma_wait3A_187] : memref<5120000xf32, #tpu.memory_space<any>> -> memref<16000xf32, #tpu.memory_space<any>>
    tpu.wait_dma2 semaphore(%arg7 : memref<!tpu.dma_semaphore, #tpu.memory_space<semaphore_mem>>) src(%dma_wait3A_188 : memref<16000xf32, #tpu.memory_space<any>>) dst(%dma_wait3A_186 : memref<16000xf32, #tpu.memory_space<vmem>>)
    %dma_wait3A_189 = arith.constant 30 : i32
    %dma_wait3A_190 = arith.constant 0 : i32
    %dma_wait3A_191 = tpu.memref_slice %arg3[%dma_wait3A_189, %dma_wait3A_190] : memref<32x16000xf32, #tpu.memory_space<vmem>> -> memref<1x16000xf32, #tpu.memory_space<vmem>>
    %dma_wait3A_192 = tpu.memref_squeeze %dma_wait3A_191 : memref<1x16000xf32, #tpu.memory_space<vmem>> -> memref<16000xf32, #tpu.memory_space<vmem>>
    %dma_wait3A_193 = arith.constant 0 : i32
    %dma_wait3A_194 = tpu.memref_slice %arg1[%dma_wait3A_193] : memref<5120000xf32, #tpu.memory_space<any>> -> memref<16000xf32, #tpu.memory_space<any>>
    tpu.wait_dma2 semaphore(%arg7 : memref<!tpu.dma_semaphore, #tpu.memory_space<semaphore_mem>>) src(%dma_wait3A_194 : memref<16000xf32, #tpu.memory_space<any>>) dst(%dma_wait3A_192 : memref<16000xf32, #tpu.memory_space<vmem>>)
    %dma_wait3A_195 = arith.constant 31 : i32
    %dma_wait3A_196 = arith.constant 0 : i32
    %dma_wait3A_197 = tpu.memref_slice %arg3[%dma_wait3A_195, %dma_wait3A_196] : memref<32x16000xf32, #tpu.memory_space<vmem>> -> memref<1x16000xf32, #tpu.memory_space<vmem>>
    %dma_wait3A_198 = tpu.memref_squeeze %dma_wait3A_197 : memref<1x16000xf32, #tpu.memory_space<vmem>> -> memref<16000xf32, #tpu.memory_space<vmem>>
    %dma_wait3A_199 = arith.constant 0 : i32
    %dma_wait3A_200 = tpu.memref_slice %arg1[%dma_wait3A_199] : memref<5120000xf32, #tpu.memory_space<any>> -> memref<16000xf32, #tpu.memory_space<any>>
    tpu.wait_dma2 semaphore(%arg7 : memref<!tpu.dma_semaphore, #tpu.memory_space<semaphore_mem>>) src(%dma_wait3A_200 : memref<16000xf32, #tpu.memory_space<any>>) dst(%dma_wait3A_198 : memref<16000xf32, #tpu.memory_space<vmem>>)
    %ge3A = arith.constant 2 : i32
    %ge3A_201 = arith.cmpi sge, %add3A_3, %ge3A : i32
    %convert_element_type3A_202 = arith.extui %ge3A_201 : i1 to i32
    %cond3A_203 = arith.constant 0 : i32
    %cond3A_204 = arith.cmpi ne, %convert_element_type3A_202, %cond3A_203 : i32
    scf.if %cond3A_204 {
      %dma_wait3A_434 = arith.constant 0 : i32
      %dma_wait3A_435 = tpu.memref_slice %arg2[%dma_wait3A_434] : memref<160000xf32, #tpu.memory_space<any>> -> memref<16000xf32, #tpu.memory_space<any>>
      tpu.wait_dma2 semaphore(%arg9 : memref<!tpu.dma_semaphore, #tpu.memory_space<semaphore_mem>>) src(%arg5 : memref<16000xf32, #tpu.memory_space<vmem>>) dst(%dma_wait3A_435 : memref<16000xf32, #tpu.memory_space<any>>)
    } else {
    }
    %get3A = arith.constant 0 : index
    %get3A_205 = arith.constant 0 : index
    %get3A_206 = vector.load %arg3[%get3A, %get3A_205] : memref<32x16000xf32, #tpu.memory_space<vmem>>, vector<32x16000xf32>
    %reduce_sum3A = arith.constant dense<0.000000e+00> : vector<16000xf32>
    %reduce_sum3A_207 = vector.multi_reduction <add>, %get3A_206, %reduce_sum3A [0] : vector<32x16000xf32> to vector<16000xf32>
    %swap3A = arith.constant 0 : index
    %swap3A_208 = vector.load %arg5[%swap3A] : memref<16000xf32, #tpu.memory_space<vmem>>, vector<16000xf32>
    tpu.vector_store %arg5[%swap3A], %reduce_sum3A_207 {strides = array<i32>} : memref<16000xf32, #tpu.memory_space<vmem>>, vector<16000xf32>,
    %mul3A_209 = arith.constant 16000 : i32
    %mul3A_210 = arith.muli %add3A_3, %mul3A_209 : i32
    %dma_start3A = tpu.memref_slice %arg2[%mul3A_210] : memref<160000xf32, #tpu.memory_space<any>> -> memref<16000xf32, #tpu.memory_space<any>>
    tpu.enqueue_dma source(%arg5 : memref<16000xf32, #tpu.memory_space<vmem>>) target(%dma_start3A : memref<16000xf32, #tpu.memory_space<any>>) target_semaphore(%arg9 : memref<!tpu.dma_semaphore, #tpu.memory_space<semaphore_mem>>)
    %mul3A_211 = arith.constant 2 : i32
    %mul3A_212 = arith.muli %mul3A_211, %arg0 : i32
    %add3A_213 = arith.constant 1 : i32
    %add3A_214 = arith.addi %mul3A_212, %add3A_213 : i32
    %add3A_215 = arith.constant 1 : i32
    %add3A_216 = arith.addi %add3A_214, %add3A_215 : i32
    %lt3A_217 = arith.constant 10 : i32
    %lt3A_218 = arith.cmpi slt, %add3A_216, %lt3A_217 : i32
    %convert_element_type3A_219 = arith.extui %lt3A_218 : i1 to i32
    %cond3A_220 = arith.constant 0 : i32
    %cond3A_221 = arith.cmpi ne, %convert_element_type3A_219, %cond3A_220 : i32
    scf.if %cond3A_221 {
      %add3A_434 = arith.constant 1 : i32
      %add3A_435 = arith.addi %add3A_214, %add3A_434 : i32
      %mul3A_436 = arith.constant 16000 : i32
      %mul3A_437 = arith.muli %add3A_435, %mul3A_436 : i32
      %add3A_438 = arith.constant 0 : i32
      %add3A_439 = arith.addi %add3A_438, %mul3A_437 : i32
      %dma_start3A_440 = arith.constant 0 : i32
      %dma_start3A_441 = arith.constant 0 : i32
      %dma_start3A_442 = tpu.memref_slice %arg3[%dma_start3A_440, %dma_start3A_441] : memref<32x16000xf32, #tpu.memory_space<vmem>> -> memref<1x16000xf32, #tpu.memory_space<vmem>>
      %dma_start3A_443 = tpu.memref_squeeze %dma_start3A_442 : memref<1x16000xf32, #tpu.memory_space<vmem>> -> memref<16000xf32, #tpu.memory_space<vmem>>
      %dma_start3A_444 = tpu.memref_slice %arg1[%add3A_439] : memref<5120000xf32, #tpu.memory_space<any>> -> memref<16000xf32, #tpu.memory_space<any>>
      tpu.enqueue_dma source(%dma_start3A_444 : memref<16000xf32, #tpu.memory_space<any>>) target(%dma_start3A_443 : memref<16000xf32, #tpu.memory_space<vmem>>) target_semaphore(%arg7 : memref<!tpu.dma_semaphore, #tpu.memory_space<semaphore_mem>>)
      %mul3A_445 = arith.constant 16000 : i32
      %mul3A_446 = arith.muli %add3A_435, %mul3A_445 : i32
      %add3A_447 = arith.constant 160000 : i32
      %add3A_448 = arith.addi %add3A_447, %mul3A_446 : i32
      %dma_start3A_449 = arith.constant 1 : i32
      %dma_start3A_450 = arith.constant 0 : i32
      %dma_start3A_451 = tpu.memref_slice %arg3[%dma_start3A_449, %dma_start3A_450] : memref<32x16000xf32, #tpu.memory_space<vmem>> -> memref<1x16000xf32, #tpu.memory_space<vmem>>
      %dma_start3A_452 = tpu.memref_squeeze %dma_start3A_451 : memref<1x16000xf32, #tpu.memory_space<vmem>> -> memref<16000xf32, #tpu.memory_space<vmem>>
      %dma_start3A_453 = tpu.memref_slice %arg1[%add3A_448] : memref<5120000xf32, #tpu.memory_space<any>> -> memref<16000xf32, #tpu.memory_space<any>>
      tpu.enqueue_dma source(%dma_start3A_453 : memref<16000xf32, #tpu.memory_space<any>>) target(%dma_start3A_452 : memref<16000xf32, #tpu.memory_space<vmem>>) target_semaphore(%arg7 : memref<!tpu.dma_semaphore, #tpu.memory_space<semaphore_mem>>)
      %mul3A_454 = arith.constant 16000 : i32
      %mul3A_455 = arith.muli %add3A_435, %mul3A_454 : i32
      %add3A_456 = arith.constant 320000 : i32
      %add3A_457 = arith.addi %add3A_456, %mul3A_455 : i32
      %dma_start3A_458 = arith.constant 2 : i32
      %dma_start3A_459 = arith.constant 0 : i32
      %dma_start3A_460 = tpu.memref_slice %arg3[%dma_start3A_458, %dma_start3A_459] : memref<32x16000xf32, #tpu.memory_space<vmem>> -> memref<1x16000xf32, #tpu.memory_space<vmem>>
      %dma_start3A_461 = tpu.memref_squeeze %dma_start3A_460 : memref<1x16000xf32, #tpu.memory_space<vmem>> -> memref<16000xf32, #tpu.memory_space<vmem>>
      %dma_start3A_462 = tpu.memref_slice %arg1[%add3A_457] : memref<5120000xf32, #tpu.memory_space<any>> -> memref<16000xf32, #tpu.memory_space<any>>
      tpu.enqueue_dma source(%dma_start3A_462 : memref<16000xf32, #tpu.memory_space<any>>) target(%dma_start3A_461 : memref<16000xf32, #tpu.memory_space<vmem>>) target_semaphore(%arg7 : memref<!tpu.dma_semaphore, #tpu.memory_space<semaphore_mem>>)
      %mul3A_463 = arith.constant 16000 : i32
      %mul3A_464 = arith.muli %add3A_435, %mul3A_463 : i32
      %add3A_465 = arith.constant 480000 : i32
      %add3A_466 = arith.addi %add3A_465, %mul3A_464 : i32
      %dma_start3A_467 = arith.constant 3 : i32
      %dma_start3A_468 = arith.constant 0 : i32
      %dma_start3A_469 = tpu.memref_slice %arg3[%dma_start3A_467, %dma_start3A_468] : memref<32x16000xf32, #tpu.memory_space<vmem>> -> memref<1x16000xf32, #tpu.memory_space<vmem>>
      %dma_start3A_470 = tpu.memref_squeeze %dma_start3A_469 : memref<1x16000xf32, #tpu.memory_space<vmem>> -> memref<16000xf32, #tpu.memory_space<vmem>>
      %dma_start3A_471 = tpu.memref_slice %arg1[%add3A_466] : memref<5120000xf32, #tpu.memory_space<any>> -> memref<16000xf32, #tpu.memory_space<any>>
      tpu.enqueue_dma source(%dma_start3A_471 : memref<16000xf32, #tpu.memory_space<any>>) target(%dma_start3A_470 : memref<16000xf32, #tpu.memory_space<vmem>>) target_semaphore(%arg7 : memref<!tpu.dma_semaphore, #tpu.memory_space<semaphore_mem>>)
      %mul3A_472 = arith.constant 16000 : i32
      %mul3A_473 = arith.muli %add3A_435, %mul3A_472 : i32
      %add3A_474 = arith.constant 640000 : i32
      %add3A_475 = arith.addi %add3A_474, %mul3A_473 : i32
      %dma_start3A_476 = arith.constant 4 : i32
      %dma_start3A_477 = arith.constant 0 : i32
      %dma_start3A_478 = tpu.memref_slice %arg3[%dma_start3A_476, %dma_start3A_477] : memref<32x16000xf32, #tpu.memory_space<vmem>> -> memref<1x16000xf32, #tpu.memory_space<vmem>>
      %dma_start3A_479 = tpu.memref_squeeze %dma_start3A_478 : memref<1x16000xf32, #tpu.memory_space<vmem>> -> memref<16000xf32, #tpu.memory_space<vmem>>
      %dma_start3A_480 = tpu.memref_slice %arg1[%add3A_475] : memref<5120000xf32, #tpu.memory_space<any>> -> memref<16000xf32, #tpu.memory_space<any>>
      tpu.enqueue_dma source(%dma_start3A_480 : memref<16000xf32, #tpu.memory_space<any>>) target(%dma_start3A_479 : memref<16000xf32, #tpu.memory_space<vmem>>) target_semaphore(%arg7 : memref<!tpu.dma_semaphore, #tpu.memory_space<semaphore_mem>>)
      %mul3A_481 = arith.constant 16000 : i32
      %mul3A_482 = arith.muli %add3A_435, %mul3A_481 : i32
      %add3A_483 = arith.constant 800000 : i32
      %add3A_484 = arith.addi %add3A_483, %mul3A_482 : i32
      %dma_start3A_485 = arith.constant 5 : i32
      %dma_start3A_486 = arith.constant 0 : i32
      %dma_start3A_487 = tpu.memref_slice %arg3[%dma_start3A_485, %dma_start3A_486] : memref<32x16000xf32, #tpu.memory_space<vmem>> -> memref<1x16000xf32, #tpu.memory_space<vmem>>
      %dma_start3A_488 = tpu.memref_squeeze %dma_start3A_487 : memref<1x16000xf32, #tpu.memory_space<vmem>> -> memref<16000xf32, #tpu.memory_space<vmem>>
      %dma_start3A_489 = tpu.memref_slice %arg1[%add3A_484] : memref<5120000xf32, #tpu.memory_space<any>> -> memref<16000xf32, #tpu.memory_space<any>>
      tpu.enqueue_dma source(%dma_start3A_489 : memref<16000xf32, #tpu.memory_space<any>>) target(%dma_start3A_488 : memref<16000xf32, #tpu.memory_space<vmem>>) target_semaphore(%arg7 : memref<!tpu.dma_semaphore, #tpu.memory_space<semaphore_mem>>)
      %mul3A_490 = arith.constant 16000 : i32
      %mul3A_491 = arith.muli %add3A_435, %mul3A_490 : i32
      %add3A_492 = arith.constant 960000 : i32
      %add3A_493 = arith.addi %add3A_492, %mul3A_491 : i32
      %dma_start3A_494 = arith.constant 6 : i32
      %dma_start3A_495 = arith.constant 0 : i32
      %dma_start3A_496 = tpu.memref_slice %arg3[%dma_start3A_494, %dma_start3A_495] : memref<32x16000xf32, #tpu.memory_space<vmem>> -> memref<1x16000xf32, #tpu.memory_space<vmem>>
      %dma_start3A_497 = tpu.memref_squeeze %dma_start3A_496 : memref<1x16000xf32, #tpu.memory_space<vmem>> -> memref<16000xf32, #tpu.memory_space<vmem>>
      %dma_start3A_498 = tpu.memref_slice %arg1[%add3A_493] : memref<5120000xf32, #tpu.memory_space<any>> -> memref<16000xf32, #tpu.memory_space<any>>
      tpu.enqueue_dma source(%dma_start3A_498 : memref<16000xf32, #tpu.memory_space<any>>) target(%dma_start3A_497 : memref<16000xf32, #tpu.memory_space<vmem>>) target_semaphore(%arg7 : memref<!tpu.dma_semaphore, #tpu.memory_space<semaphore_mem>>)
      %mul3A_499 = arith.constant 16000 : i32
      %mul3A_500 = arith.muli %add3A_435, %mul3A_499 : i32
      %add3A_501 = arith.constant 1120000 : i32
      %add3A_502 = arith.addi %add3A_501, %mul3A_500 : i32
      %dma_start3A_503 = arith.constant 7 : i32
      %dma_start3A_504 = arith.constant 0 : i32
      %dma_start3A_505 = tpu.memref_slice %arg3[%dma_start3A_503, %dma_start3A_504] : memref<32x16000xf32, #tpu.memory_space<vmem>> -> memref<1x16000xf32, #tpu.memory_space<vmem>>
      %dma_start3A_506 = tpu.memref_squeeze %dma_start3A_505 : memref<1x16000xf32, #tpu.memory_space<vmem>> -> memref<16000xf32, #tpu.memory_space<vmem>>
      %dma_start3A_507 = tpu.memref_slice %arg1[%add3A_502] : memref<5120000xf32, #tpu.memory_space<any>> -> memref<16000xf32, #tpu.memory_space<any>>
      tpu.enqueue_dma source(%dma_start3A_507 : memref<16000xf32, #tpu.memory_space<any>>) target(%dma_start3A_506 : memref<16000xf32, #tpu.memory_space<vmem>>) target_semaphore(%arg7 : memref<!tpu.dma_semaphore, #tpu.memory_space<semaphore_mem>>)
      %mul3A_508 = arith.constant 16000 : i32
      %mul3A_509 = arith.muli %add3A_435, %mul3A_508 : i32
      %add3A_510 = arith.constant 1280000 : i32
      %add3A_511 = arith.addi %add3A_510, %mul3A_509 : i32
      %dma_start3A_512 = arith.constant 8 : i32
      %dma_start3A_513 = arith.constant 0 : i32
      %dma_start3A_514 = tpu.memref_slice %arg3[%dma_start3A_512, %dma_start3A_513] : memref<32x16000xf32, #tpu.memory_space<vmem>> -> memref<1x16000xf32, #tpu.memory_space<vmem>>
      %dma_start3A_515 = tpu.memref_squeeze %dma_start3A_514 : memref<1x16000xf32, #tpu.memory_space<vmem>> -> memref<16000xf32, #tpu.memory_space<vmem>>
      %dma_start3A_516 = tpu.memref_slice %arg1[%add3A_511] : memref<5120000xf32, #tpu.memory_space<any>> -> memref<16000xf32, #tpu.memory_space<any>>
      tpu.enqueue_dma source(%dma_start3A_516 : memref<16000xf32, #tpu.memory_space<any>>) target(%dma_start3A_515 : memref<16000xf32, #tpu.memory_space<vmem>>) target_semaphore(%arg7 : memref<!tpu.dma_semaphore, #tpu.memory_space<semaphore_mem>>)
      %mul3A_517 = arith.constant 16000 : i32
      %mul3A_518 = arith.muli %add3A_435, %mul3A_517 : i32
      %add3A_519 = arith.constant 1440000 : i32
      %add3A_520 = arith.addi %add3A_519, %mul3A_518 : i32
      %dma_start3A_521 = arith.constant 9 : i32
      %dma_start3A_522 = arith.constant 0 : i32
      %dma_start3A_523 = tpu.memref_slice %arg3[%dma_start3A_521, %dma_start3A_522] : memref<32x16000xf32, #tpu.memory_space<vmem>> -> memref<1x16000xf32, #tpu.memory_space<vmem>>
      %dma_start3A_524 = tpu.memref_squeeze %dma_start3A_523 : memref<1x16000xf32, #tpu.memory_space<vmem>> -> memref<16000xf32, #tpu.memory_space<vmem>>
      %dma_start3A_525 = tpu.memref_slice %arg1[%add3A_520] : memref<5120000xf32, #tpu.memory_space<any>> -> memref<16000xf32, #tpu.memory_space<any>>
      tpu.enqueue_dma source(%dma_start3A_525 : memref<16000xf32, #tpu.memory_space<any>>) target(%dma_start3A_524 : memref<16000xf32, #tpu.memory_space<vmem>>) target_semaphore(%arg7 : memref<!tpu.dma_semaphore, #tpu.memory_space<semaphore_mem>>)
      %mul3A_526 = arith.constant 16000 : i32
      %mul3A_527 = arith.muli %add3A_435, %mul3A_526 : i32
      %add3A_528 = arith.constant 1600000 : i32
      %add3A_529 = arith.addi %add3A_528, %mul3A_527 : i32
      %dma_start3A_530 = arith.constant 10 : i32
      %dma_start3A_531 = arith.constant 0 : i32
      %dma_start3A_532 = tpu.memref_slice %arg3[%dma_start3A_530, %dma_start3A_531] : memref<32x16000xf32, #tpu.memory_space<vmem>> -> memref<1x16000xf32, #tpu.memory_space<vmem>>
      %dma_start3A_533 = tpu.memref_squeeze %dma_start3A_532 : memref<1x16000xf32, #tpu.memory_space<vmem>> -> memref<16000xf32, #tpu.memory_space<vmem>>
      %dma_start3A_534 = tpu.memref_slice %arg1[%add3A_529] : memref<5120000xf32, #tpu.memory_space<any>> -> memref<16000xf32, #tpu.memory_space<any>>
      tpu.enqueue_dma source(%dma_start3A_534 : memref<16000xf32, #tpu.memory_space<any>>) target(%dma_start3A_533 : memref<16000xf32, #tpu.memory_space<vmem>>) target_semaphore(%arg7 : memref<!tpu.dma_semaphore, #tpu.memory_space<semaphore_mem>>)
      %mul3A_535 = arith.constant 16000 : i32
      %mul3A_536 = arith.muli %add3A_435, %mul3A_535 : i32
      %add3A_537 = arith.constant 1760000 : i32
      %add3A_538 = arith.addi %add3A_537, %mul3A_536 : i32
      %dma_start3A_539 = arith.constant 11 : i32
      %dma_start3A_540 = arith.constant 0 : i32
      %dma_start3A_541 = tpu.memref_slice %arg3[%dma_start3A_539, %dma_start3A_540] : memref<32x16000xf32, #tpu.memory_space<vmem>> -> memref<1x16000xf32, #tpu.memory_space<vmem>>
      %dma_start3A_542 = tpu.memref_squeeze %dma_start3A_541 : memref<1x16000xf32, #tpu.memory_space<vmem>> -> memref<16000xf32, #tpu.memory_space<vmem>>
      %dma_start3A_543 = tpu.memref_slice %arg1[%add3A_538] : memref<5120000xf32, #tpu.memory_space<any>> -> memref<16000xf32, #tpu.memory_space<any>>
      tpu.enqueue_dma source(%dma_start3A_543 : memref<16000xf32, #tpu.memory_space<any>>) target(%dma_start3A_542 : memref<16000xf32, #tpu.memory_space<vmem>>) target_semaphore(%arg7 : memref<!tpu.dma_semaphore, #tpu.memory_space<semaphore_mem>>)
      %mul3A_544 = arith.constant 16000 : i32
      %mul3A_545 = arith.muli %add3A_435, %mul3A_544 : i32
      %add3A_546 = arith.constant 1920000 : i32
      %add3A_547 = arith.addi %add3A_546, %mul3A_545 : i32
      %dma_start3A_548 = arith.constant 12 : i32
      %dma_start3A_549 = arith.constant 0 : i32
      %dma_start3A_550 = tpu.memref_slice %arg3[%dma_start3A_548, %dma_start3A_549] : memref<32x16000xf32, #tpu.memory_space<vmem>> -> memref<1x16000xf32, #tpu.memory_space<vmem>>
      %dma_start3A_551 = tpu.memref_squeeze %dma_start3A_550 : memref<1x16000xf32, #tpu.memory_space<vmem>> -> memref<16000xf32, #tpu.memory_space<vmem>>
      %dma_start3A_552 = tpu.memref_slice %arg1[%add3A_547] : memref<5120000xf32, #tpu.memory_space<any>> -> memref<16000xf32, #tpu.memory_space<any>>
      tpu.enqueue_dma source(%dma_start3A_552 : memref<16000xf32, #tpu.memory_space<any>>) target(%dma_start3A_551 : memref<16000xf32, #tpu.memory_space<vmem>>) target_semaphore(%arg7 : memref<!tpu.dma_semaphore, #tpu.memory_space<semaphore_mem>>)
      %mul3A_553 = arith.constant 16000 : i32
      %mul3A_554 = arith.muli %add3A_435, %mul3A_553 : i32
      %add3A_555 = arith.constant 2080000 : i32
      %add3A_556 = arith.addi %add3A_555, %mul3A_554 : i32
      %dma_start3A_557 = arith.constant 13 : i32
      %dma_start3A_558 = arith.constant 0 : i32
      %dma_start3A_559 = tpu.memref_slice %arg3[%dma_start3A_557, %dma_start3A_558] : memref<32x16000xf32, #tpu.memory_space<vmem>> -> memref<1x16000xf32, #tpu.memory_space<vmem>>
      %dma_start3A_560 = tpu.memref_squeeze %dma_start3A_559 : memref<1x16000xf32, #tpu.memory_space<vmem>> -> memref<16000xf32, #tpu.memory_space<vmem>>
      %dma_start3A_561 = tpu.memref_slice %arg1[%add3A_556] : memref<5120000xf32, #tpu.memory_space<any>> -> memref<16000xf32, #tpu.memory_space<any>>
      tpu.enqueue_dma source(%dma_start3A_561 : memref<16000xf32, #tpu.memory_space<any>>) target(%dma_start3A_560 : memref<16000xf32, #tpu.memory_space<vmem>>) target_semaphore(%arg7 : memref<!tpu.dma_semaphore, #tpu.memory_space<semaphore_mem>>)
      %mul3A_562 = arith.constant 16000 : i32
      %mul3A_563 = arith.muli %add3A_435, %mul3A_562 : i32
      %add3A_564 = arith.constant 2240000 : i32
      %add3A_565 = arith.addi %add3A_564, %mul3A_563 : i32
      %dma_start3A_566 = arith.constant 14 : i32
      %dma_start3A_567 = arith.constant 0 : i32
      %dma_start3A_568 = tpu.memref_slice %arg3[%dma_start3A_566, %dma_start3A_567] : memref<32x16000xf32, #tpu.memory_space<vmem>> -> memref<1x16000xf32, #tpu.memory_space<vmem>>
      %dma_start3A_569 = tpu.memref_squeeze %dma_start3A_568 : memref<1x16000xf32, #tpu.memory_space<vmem>> -> memref<16000xf32, #tpu.memory_space<vmem>>
      %dma_start3A_570 = tpu.memref_slice %arg1[%add3A_565] : memref<5120000xf32, #tpu.memory_space<any>> -> memref<16000xf32, #tpu.memory_space<any>>
      tpu.enqueue_dma source(%dma_start3A_570 : memref<16000xf32, #tpu.memory_space<any>>) target(%dma_start3A_569 : memref<16000xf32, #tpu.memory_space<vmem>>) target_semaphore(%arg7 : memref<!tpu.dma_semaphore, #tpu.memory_space<semaphore_mem>>)
      %mul3A_571 = arith.constant 16000 : i32
      %mul3A_572 = arith.muli %add3A_435, %mul3A_571 : i32
      %add3A_573 = arith.constant 2400000 : i32
      %add3A_574 = arith.addi %add3A_573, %mul3A_572 : i32
      %dma_start3A_575 = arith.constant 15 : i32
      %dma_start3A_576 = arith.constant 0 : i32
      %dma_start3A_577 = tpu.memref_slice %arg3[%dma_start3A_575, %dma_start3A_576] : memref<32x16000xf32, #tpu.memory_space<vmem>> -> memref<1x16000xf32, #tpu.memory_space<vmem>>
      %dma_start3A_578 = tpu.memref_squeeze %dma_start3A_577 : memref<1x16000xf32, #tpu.memory_space<vmem>> -> memref<16000xf32, #tpu.memory_space<vmem>>
      %dma_start3A_579 = tpu.memref_slice %arg1[%add3A_574] : memref<5120000xf32, #tpu.memory_space<any>> -> memref<16000xf32, #tpu.memory_space<any>>
      tpu.enqueue_dma source(%dma_start3A_579 : memref<16000xf32, #tpu.memory_space<any>>) target(%dma_start3A_578 : memref<16000xf32, #tpu.memory_space<vmem>>) target_semaphore(%arg7 : memref<!tpu.dma_semaphore, #tpu.memory_space<semaphore_mem>>)
      %mul3A_580 = arith.constant 16000 : i32
      %mul3A_581 = arith.muli %add3A_435, %mul3A_580 : i32
      %add3A_582 = arith.constant 2560000 : i32
      %add3A_583 = arith.addi %add3A_582, %mul3A_581 : i32
      %dma_start3A_584 = arith.constant 16 : i32
      %dma_start3A_585 = arith.constant 0 : i32
      %dma_start3A_586 = tpu.memref_slice %arg3[%dma_start3A_584, %dma_start3A_585] : memref<32x16000xf32, #tpu.memory_space<vmem>> -> memref<1x16000xf32, #tpu.memory_space<vmem>>
      %dma_start3A_587 = tpu.memref_squeeze %dma_start3A_586 : memref<1x16000xf32, #tpu.memory_space<vmem>> -> memref<16000xf32, #tpu.memory_space<vmem>>
      %dma_start3A_588 = tpu.memref_slice %arg1[%add3A_583] : memref<5120000xf32, #tpu.memory_space<any>> -> memref<16000xf32, #tpu.memory_space<any>>
      tpu.enqueue_dma source(%dma_start3A_588 : memref<16000xf32, #tpu.memory_space<any>>) target(%dma_start3A_587 : memref<16000xf32, #tpu.memory_space<vmem>>) target_semaphore(%arg7 : memref<!tpu.dma_semaphore, #tpu.memory_space<semaphore_mem>>)
      %mul3A_589 = arith.constant 16000 : i32
      %mul3A_590 = arith.muli %add3A_435, %mul3A_589 : i32
      %add3A_591 = arith.constant 2720000 : i32
      %add3A_592 = arith.addi %add3A_591, %mul3A_590 : i32
      %dma_start3A_593 = arith.constant 17 : i32
      %dma_start3A_594 = arith.constant 0 : i32
      %dma_start3A_595 = tpu.memref_slice %arg3[%dma_start3A_593, %dma_start3A_594] : memref<32x16000xf32, #tpu.memory_space<vmem>> -> memref<1x16000xf32, #tpu.memory_space<vmem>>
      %dma_start3A_596 = tpu.memref_squeeze %dma_start3A_595 : memref<1x16000xf32, #tpu.memory_space<vmem>> -> memref<16000xf32, #tpu.memory_space<vmem>>
      %dma_start3A_597 = tpu.memref_slice %arg1[%add3A_592] : memref<5120000xf32, #tpu.memory_space<any>> -> memref<16000xf32, #tpu.memory_space<any>>
      tpu.enqueue_dma source(%dma_start3A_597 : memref<16000xf32, #tpu.memory_space<any>>) target(%dma_start3A_596 : memref<16000xf32, #tpu.memory_space<vmem>>) target_semaphore(%arg7 : memref<!tpu.dma_semaphore, #tpu.memory_space<semaphore_mem>>)
      %mul3A_598 = arith.constant 16000 : i32
      %mul3A_599 = arith.muli %add3A_435, %mul3A_598 : i32
      %add3A_600 = arith.constant 2880000 : i32
      %add3A_601 = arith.addi %add3A_600, %mul3A_599 : i32
      %dma_start3A_602 = arith.constant 18 : i32
      %dma_start3A_603 = arith.constant 0 : i32
      %dma_start3A_604 = tpu.memref_slice %arg3[%dma_start3A_602, %dma_start3A_603] : memref<32x16000xf32, #tpu.memory_space<vmem>> -> memref<1x16000xf32, #tpu.memory_space<vmem>>
      %dma_start3A_605 = tpu.memref_squeeze %dma_start3A_604 : memref<1x16000xf32, #tpu.memory_space<vmem>> -> memref<16000xf32, #tpu.memory_space<vmem>>
      %dma_start3A_606 = tpu.memref_slice %arg1[%add3A_601] : memref<5120000xf32, #tpu.memory_space<any>> -> memref<16000xf32, #tpu.memory_space<any>>
      tpu.enqueue_dma source(%dma_start3A_606 : memref<16000xf32, #tpu.memory_space<any>>) target(%dma_start3A_605 : memref<16000xf32, #tpu.memory_space<vmem>>) target_semaphore(%arg7 : memref<!tpu.dma_semaphore, #tpu.memory_space<semaphore_mem>>)
      %mul3A_607 = arith.constant 16000 : i32
      %mul3A_608 = arith.muli %add3A_435, %mul3A_607 : i32
      %add3A_609 = arith.constant 3040000 : i32
      %add3A_610 = arith.addi %add3A_609, %mul3A_608 : i32
      %dma_start3A_611 = arith.constant 19 : i32
      %dma_start3A_612 = arith.constant 0 : i32
      %dma_start3A_613 = tpu.memref_slice %arg3[%dma_start3A_611, %dma_start3A_612] : memref<32x16000xf32, #tpu.memory_space<vmem>> -> memref<1x16000xf32, #tpu.memory_space<vmem>>
      %dma_start3A_614 = tpu.memref_squeeze %dma_start3A_613 : memref<1x16000xf32, #tpu.memory_space<vmem>> -> memref<16000xf32, #tpu.memory_space<vmem>>
      %dma_start3A_615 = tpu.memref_slice %arg1[%add3A_610] : memref<5120000xf32, #tpu.memory_space<any>> -> memref<16000xf32, #tpu.memory_space<any>>
      tpu.enqueue_dma source(%dma_start3A_615 : memref<16000xf32, #tpu.memory_space<any>>) target(%dma_start3A_614 : memref<16000xf32, #tpu.memory_space<vmem>>) target_semaphore(%arg7 : memref<!tpu.dma_semaphore, #tpu.memory_space<semaphore_mem>>)
      %mul3A_616 = arith.constant 16000 : i32
      %mul3A_617 = arith.muli %add3A_435, %mul3A_616 : i32
      %add3A_618 = arith.constant 3200000 : i32
      %add3A_619 = arith.addi %add3A_618, %mul3A_617 : i32
      %dma_start3A_620 = arith.constant 20 : i32
      %dma_start3A_621 = arith.constant 0 : i32
      %dma_start3A_622 = tpu.memref_slice %arg3[%dma_start3A_620, %dma_start3A_621] : memref<32x16000xf32, #tpu.memory_space<vmem>> -> memref<1x16000xf32, #tpu.memory_space<vmem>>
      %dma_start3A_623 = tpu.memref_squeeze %dma_start3A_622 : memref<1x16000xf32, #tpu.memory_space<vmem>> -> memref<16000xf32, #tpu.memory_space<vmem>>
      %dma_start3A_624 = tpu.memref_slice %arg1[%add3A_619] : memref<5120000xf32, #tpu.memory_space<any>> -> memref<16000xf32, #tpu.memory_space<any>>
      tpu.enqueue_dma source(%dma_start3A_624 : memref<16000xf32, #tpu.memory_space<any>>) target(%dma_start3A_623 : memref<16000xf32, #tpu.memory_space<vmem>>) target_semaphore(%arg7 : memref<!tpu.dma_semaphore, #tpu.memory_space<semaphore_mem>>)
      %mul3A_625 = arith.constant 16000 : i32
      %mul3A_626 = arith.muli %add3A_435, %mul3A_625 : i32
      %add3A_627 = arith.constant 3360000 : i32
      %add3A_628 = arith.addi %add3A_627, %mul3A_626 : i32
      %dma_start3A_629 = arith.constant 21 : i32
      %dma_start3A_630 = arith.constant 0 : i32
      %dma_start3A_631 = tpu.memref_slice %arg3[%dma_start3A_629, %dma_start3A_630] : memref<32x16000xf32, #tpu.memory_space<vmem>> -> memref<1x16000xf32, #tpu.memory_space<vmem>>
      %dma_start3A_632 = tpu.memref_squeeze %dma_start3A_631 : memref<1x16000xf32, #tpu.memory_space<vmem>> -> memref<16000xf32, #tpu.memory_space<vmem>>
      %dma_start3A_633 = tpu.memref_slice %arg1[%add3A_628] : memref<5120000xf32, #tpu.memory_space<any>> -> memref<16000xf32, #tpu.memory_space<any>>
      tpu.enqueue_dma source(%dma_start3A_633 : memref<16000xf32, #tpu.memory_space<any>>) target(%dma_start3A_632 : memref<16000xf32, #tpu.memory_space<vmem>>) target_semaphore(%arg7 : memref<!tpu.dma_semaphore, #tpu.memory_space<semaphore_mem>>)
      %mul3A_634 = arith.constant 16000 : i32
      %mul3A_635 = arith.muli %add3A_435, %mul3A_634 : i32
      %add3A_636 = arith.constant 3520000 : i32
      %add3A_637 = arith.addi %add3A_636, %mul3A_635 : i32
      %dma_start3A_638 = arith.constant 22 : i32
      %dma_start3A_639 = arith.constant 0 : i32
      %dma_start3A_640 = tpu.memref_slice %arg3[%dma_start3A_638, %dma_start3A_639] : memref<32x16000xf32, #tpu.memory_space<vmem>> -> memref<1x16000xf32, #tpu.memory_space<vmem>>
      %dma_start3A_641 = tpu.memref_squeeze %dma_start3A_640 : memref<1x16000xf32, #tpu.memory_space<vmem>> -> memref<16000xf32, #tpu.memory_space<vmem>>
      %dma_start3A_642 = tpu.memref_slice %arg1[%add3A_637] : memref<5120000xf32, #tpu.memory_space<any>> -> memref<16000xf32, #tpu.memory_space<any>>
      tpu.enqueue_dma source(%dma_start3A_642 : memref<16000xf32, #tpu.memory_space<any>>) target(%dma_start3A_641 : memref<16000xf32, #tpu.memory_space<vmem>>) target_semaphore(%arg7 : memref<!tpu.dma_semaphore, #tpu.memory_space<semaphore_mem>>)
      %mul3A_643 = arith.constant 16000 : i32
      %mul3A_644 = arith.muli %add3A_435, %mul3A_643 : i32
      %add3A_645 = arith.constant 3680000 : i32
      %add3A_646 = arith.addi %add3A_645, %mul3A_644 : i32
      %dma_start3A_647 = arith.constant 23 : i32
      %dma_start3A_648 = arith.constant 0 : i32
      %dma_start3A_649 = tpu.memref_slice %arg3[%dma_start3A_647, %dma_start3A_648] : memref<32x16000xf32, #tpu.memory_space<vmem>> -> memref<1x16000xf32, #tpu.memory_space<vmem>>
      %dma_start3A_650 = tpu.memref_squeeze %dma_start3A_649 : memref<1x16000xf32, #tpu.memory_space<vmem>> -> memref<16000xf32, #tpu.memory_space<vmem>>
      %dma_start3A_651 = tpu.memref_slice %arg1[%add3A_646] : memref<5120000xf32, #tpu.memory_space<any>> -> memref<16000xf32, #tpu.memory_space<any>>
      tpu.enqueue_dma source(%dma_start3A_651 : memref<16000xf32, #tpu.memory_space<any>>) target(%dma_start3A_650 : memref<16000xf32, #tpu.memory_space<vmem>>) target_semaphore(%arg7 : memref<!tpu.dma_semaphore, #tpu.memory_space<semaphore_mem>>)
      %mul3A_652 = arith.constant 16000 : i32
      %mul3A_653 = arith.muli %add3A_435, %mul3A_652 : i32
      %add3A_654 = arith.constant 3840000 : i32
      %add3A_655 = arith.addi %add3A_654, %mul3A_653 : i32
      %dma_start3A_656 = arith.constant 24 : i32
      %dma_start3A_657 = arith.constant 0 : i32
      %dma_start3A_658 = tpu.memref_slice %arg3[%dma_start3A_656, %dma_start3A_657] : memref<32x16000xf32, #tpu.memory_space<vmem>> -> memref<1x16000xf32, #tpu.memory_space<vmem>>
      %dma_start3A_659 = tpu.memref_squeeze %dma_start3A_658 : memref<1x16000xf32, #tpu.memory_space<vmem>> -> memref<16000xf32, #tpu.memory_space<vmem>>
      %dma_start3A_660 = tpu.memref_slice %arg1[%add3A_655] : memref<5120000xf32, #tpu.memory_space<any>> -> memref<16000xf32, #tpu.memory_space<any>>
      tpu.enqueue_dma source(%dma_start3A_660 : memref<16000xf32, #tpu.memory_space<any>>) target(%dma_start3A_659 : memref<16000xf32, #tpu.memory_space<vmem>>) target_semaphore(%arg7 : memref<!tpu.dma_semaphore, #tpu.memory_space<semaphore_mem>>)
      %mul3A_661 = arith.constant 16000 : i32
      %mul3A_662 = arith.muli %add3A_435, %mul3A_661 : i32
      %add3A_663 = arith.constant 4000000 : i32
      %add3A_664 = arith.addi %add3A_663, %mul3A_662 : i32
      %dma_start3A_665 = arith.constant 25 : i32
      %dma_start3A_666 = arith.constant 0 : i32
      %dma_start3A_667 = tpu.memref_slice %arg3[%dma_start3A_665, %dma_start3A_666] : memref<32x16000xf32, #tpu.memory_space<vmem>> -> memref<1x16000xf32, #tpu.memory_space<vmem>>
      %dma_start3A_668 = tpu.memref_squeeze %dma_start3A_667 : memref<1x16000xf32, #tpu.memory_space<vmem>> -> memref<16000xf32, #tpu.memory_space<vmem>>
      %dma_start3A_669 = tpu.memref_slice %arg1[%add3A_664] : memref<5120000xf32, #tpu.memory_space<any>> -> memref<16000xf32, #tpu.memory_space<any>>
      tpu.enqueue_dma source(%dma_start3A_669 : memref<16000xf32, #tpu.memory_space<any>>) target(%dma_start3A_668 : memref<16000xf32, #tpu.memory_space<vmem>>) target_semaphore(%arg7 : memref<!tpu.dma_semaphore, #tpu.memory_space<semaphore_mem>>)
      %mul3A_670 = arith.constant 16000 : i32
      %mul3A_671 = arith.muli %add3A_435, %mul3A_670 : i32
      %add3A_672 = arith.constant 4160000 : i32
      %add3A_673 = arith.addi %add3A_672, %mul3A_671 : i32
      %dma_start3A_674 = arith.constant 26 : i32
      %dma_start3A_675 = arith.constant 0 : i32
      %dma_start3A_676 = tpu.memref_slice %arg3[%dma_start3A_674, %dma_start3A_675] : memref<32x16000xf32, #tpu.memory_space<vmem>> -> memref<1x16000xf32, #tpu.memory_space<vmem>>
      %dma_start3A_677 = tpu.memref_squeeze %dma_start3A_676 : memref<1x16000xf32, #tpu.memory_space<vmem>> -> memref<16000xf32, #tpu.memory_space<vmem>>
      %dma_start3A_678 = tpu.memref_slice %arg1[%add3A_673] : memref<5120000xf32, #tpu.memory_space<any>> -> memref<16000xf32, #tpu.memory_space<any>>
      tpu.enqueue_dma source(%dma_start3A_678 : memref<16000xf32, #tpu.memory_space<any>>) target(%dma_start3A_677 : memref<16000xf32, #tpu.memory_space<vmem>>) target_semaphore(%arg7 : memref<!tpu.dma_semaphore, #tpu.memory_space<semaphore_mem>>)
      %mul3A_679 = arith.constant 16000 : i32
      %mul3A_680 = arith.muli %add3A_435, %mul3A_679 : i32
      %add3A_681 = arith.constant 4320000 : i32
      %add3A_682 = arith.addi %add3A_681, %mul3A_680 : i32
      %dma_start3A_683 = arith.constant 27 : i32
      %dma_start3A_684 = arith.constant 0 : i32
      %dma_start3A_685 = tpu.memref_slice %arg3[%dma_start3A_683, %dma_start3A_684] : memref<32x16000xf32, #tpu.memory_space<vmem>> -> memref<1x16000xf32, #tpu.memory_space<vmem>>
      %dma_start3A_686 = tpu.memref_squeeze %dma_start3A_685 : memref<1x16000xf32, #tpu.memory_space<vmem>> -> memref<16000xf32, #tpu.memory_space<vmem>>
      %dma_start3A_687 = tpu.memref_slice %arg1[%add3A_682] : memref<5120000xf32, #tpu.memory_space<any>> -> memref<16000xf32, #tpu.memory_space<any>>
      tpu.enqueue_dma source(%dma_start3A_687 : memref<16000xf32, #tpu.memory_space<any>>) target(%dma_start3A_686 : memref<16000xf32, #tpu.memory_space<vmem>>) target_semaphore(%arg7 : memref<!tpu.dma_semaphore, #tpu.memory_space<semaphore_mem>>)
      %mul3A_688 = arith.constant 16000 : i32
      %mul3A_689 = arith.muli %add3A_435, %mul3A_688 : i32
      %add3A_690 = arith.constant 4480000 : i32
      %add3A_691 = arith.addi %add3A_690, %mul3A_689 : i32
      %dma_start3A_692 = arith.constant 28 : i32
      %dma_start3A_693 = arith.constant 0 : i32
      %dma_start3A_694 = tpu.memref_slice %arg3[%dma_start3A_692, %dma_start3A_693] : memref<32x16000xf32, #tpu.memory_space<vmem>> -> memref<1x16000xf32, #tpu.memory_space<vmem>>
      %dma_start3A_695 = tpu.memref_squeeze %dma_start3A_694 : memref<1x16000xf32, #tpu.memory_space<vmem>> -> memref<16000xf32, #tpu.memory_space<vmem>>
      %dma_start3A_696 = tpu.memref_slice %arg1[%add3A_691] : memref<5120000xf32, #tpu.memory_space<any>> -> memref<16000xf32, #tpu.memory_space<any>>
      tpu.enqueue_dma source(%dma_start3A_696 : memref<16000xf32, #tpu.memory_space<any>>) target(%dma_start3A_695 : memref<16000xf32, #tpu.memory_space<vmem>>) target_semaphore(%arg7 : memref<!tpu.dma_semaphore, #tpu.memory_space<semaphore_mem>>)
      %mul3A_697 = arith.constant 16000 : i32
      %mul3A_698 = arith.muli %add3A_435, %mul3A_697 : i32
      %add3A_699 = arith.constant 4640000 : i32
      %add3A_700 = arith.addi %add3A_699, %mul3A_698 : i32
      %dma_start3A_701 = arith.constant 29 : i32
      %dma_start3A_702 = arith.constant 0 : i32
      %dma_start3A_703 = tpu.memref_slice %arg3[%dma_start3A_701, %dma_start3A_702] : memref<32x16000xf32, #tpu.memory_space<vmem>> -> memref<1x16000xf32, #tpu.memory_space<vmem>>
      %dma_start3A_704 = tpu.memref_squeeze %dma_start3A_703 : memref<1x16000xf32, #tpu.memory_space<vmem>> -> memref<16000xf32, #tpu.memory_space<vmem>>
      %dma_start3A_705 = tpu.memref_slice %arg1[%add3A_700] : memref<5120000xf32, #tpu.memory_space<any>> -> memref<16000xf32, #tpu.memory_space<any>>
      tpu.enqueue_dma source(%dma_start3A_705 : memref<16000xf32, #tpu.memory_space<any>>) target(%dma_start3A_704 : memref<16000xf32, #tpu.memory_space<vmem>>) target_semaphore(%arg7 : memref<!tpu.dma_semaphore, #tpu.memory_space<semaphore_mem>>)
      %mul3A_706 = arith.constant 16000 : i32
      %mul3A_707 = arith.muli %add3A_435, %mul3A_706 : i32
      %add3A_708 = arith.constant 4800000 : i32
      %add3A_709 = arith.addi %add3A_708, %mul3A_707 : i32
      %dma_start3A_710 = arith.constant 30 : i32
      %dma_start3A_711 = arith.constant 0 : i32
      %dma_start3A_712 = tpu.memref_slice %arg3[%dma_start3A_710, %dma_start3A_711] : memref<32x16000xf32, #tpu.memory_space<vmem>> -> memref<1x16000xf32, #tpu.memory_space<vmem>>
      %dma_start3A_713 = tpu.memref_squeeze %dma_start3A_712 : memref<1x16000xf32, #tpu.memory_space<vmem>> -> memref<16000xf32, #tpu.memory_space<vmem>>
      %dma_start3A_714 = tpu.memref_slice %arg1[%add3A_709] : memref<5120000xf32, #tpu.memory_space<any>> -> memref<16000xf32, #tpu.memory_space<any>>
      tpu.enqueue_dma source(%dma_start3A_714 : memref<16000xf32, #tpu.memory_space<any>>) target(%dma_start3A_713 : memref<16000xf32, #tpu.memory_space<vmem>>) target_semaphore(%arg7 : memref<!tpu.dma_semaphore, #tpu.memory_space<semaphore_mem>>)
      %mul3A_715 = arith.constant 16000 : i32
      %mul3A_716 = arith.muli %add3A_435, %mul3A_715 : i32
      %add3A_717 = arith.constant 4960000 : i32
      %add3A_718 = arith.addi %add3A_717, %mul3A_716 : i32
      %dma_start3A_719 = arith.constant 31 : i32
      %dma_start3A_720 = arith.constant 0 : i32
      %dma_start3A_721 = tpu.memref_slice %arg3[%dma_start3A_719, %dma_start3A_720] : memref<32x16000xf32, #tpu.memory_space<vmem>> -> memref<1x16000xf32, #tpu.memory_space<vmem>>
      %dma_start3A_722 = tpu.memref_squeeze %dma_start3A_721 : memref<1x16000xf32, #tpu.memory_space<vmem>> -> memref<16000xf32, #tpu.memory_space<vmem>>
      %dma_start3A_723 = tpu.memref_slice %arg1[%add3A_718] : memref<5120000xf32, #tpu.memory_space<any>> -> memref<16000xf32, #tpu.memory_space<any>>
      tpu.enqueue_dma source(%dma_start3A_723 : memref<16000xf32, #tpu.memory_space<any>>) target(%dma_start3A_722 : memref<16000xf32, #tpu.memory_space<vmem>>) target_semaphore(%arg7 : memref<!tpu.dma_semaphore, #tpu.memory_space<semaphore_mem>>)
    } else {
    }
    %dma_wait3A_222 = arith.constant 0 : i32
    %dma_wait3A_223 = arith.constant 0 : i32
    %dma_wait3A_224 = tpu.memref_slice %arg4[%dma_wait3A_222, %dma_wait3A_223] : memref<32x16000xf32, #tpu.memory_space<vmem>> -> memref<1x16000xf32, #tpu.memory_space<vmem>>
    %dma_wait3A_225 = tpu.memref_squeeze %dma_wait3A_224 : memref<1x16000xf32, #tpu.memory_space<vmem>> -> memref<16000xf32, #tpu.memory_space<vmem>>
    %dma_wait3A_226 = arith.constant 0 : i32
    %dma_wait3A_227 = tpu.memref_slice %arg1[%dma_wait3A_226] : memref<5120000xf32, #tpu.memory_space<any>> -> memref<16000xf32, #tpu.memory_space<any>>
    tpu.wait_dma2 semaphore(%arg8 : memref<!tpu.dma_semaphore, #tpu.memory_space<semaphore_mem>>) src(%dma_wait3A_227 : memref<16000xf32, #tpu.memory_space<any>>) dst(%dma_wait3A_225 : memref<16000xf32, #tpu.memory_space<vmem>>)
    %dma_wait3A_228 = arith.constant 1 : i32
    %dma_wait3A_229 = arith.constant 0 : i32
    %dma_wait3A_230 = tpu.memref_slice %arg4[%dma_wait3A_228, %dma_wait3A_229] : memref<32x16000xf32, #tpu.memory_space<vmem>> -> memref<1x16000xf32, #tpu.memory_space<vmem>>
    %dma_wait3A_231 = tpu.memref_squeeze %dma_wait3A_230 : memref<1x16000xf32, #tpu.memory_space<vmem>> -> memref<16000xf32, #tpu.memory_space<vmem>>
    %dma_wait3A_232 = arith.constant 0 : i32
    %dma_wait3A_233 = tpu.memref_slice %arg1[%dma_wait3A_232] : memref<5120000xf32, #tpu.memory_space<any>> -> memref<16000xf32, #tpu.memory_space<any>>
    tpu.wait_dma2 semaphore(%arg8 : memref<!tpu.dma_semaphore, #tpu.memory_space<semaphore_mem>>) src(%dma_wait3A_233 : memref<16000xf32, #tpu.memory_space<any>>) dst(%dma_wait3A_231 : memref<16000xf32, #tpu.memory_space<vmem>>)
    %dma_wait3A_234 = arith.constant 2 : i32
    %dma_wait3A_235 = arith.constant 0 : i32
    %dma_wait3A_236 = tpu.memref_slice %arg4[%dma_wait3A_234, %dma_wait3A_235] : memref<32x16000xf32, #tpu.memory_space<vmem>> -> memref<1x16000xf32, #tpu.memory_space<vmem>>
    %dma_wait3A_237 = tpu.memref_squeeze %dma_wait3A_236 : memref<1x16000xf32, #tpu.memory_space<vmem>> -> memref<16000xf32, #tpu.memory_space<vmem>>
    %dma_wait3A_238 = arith.constant 0 : i32
    %dma_wait3A_239 = tpu.memref_slice %arg1[%dma_wait3A_238] : memref<5120000xf32, #tpu.memory_space<any>> -> memref<16000xf32, #tpu.memory_space<any>>
    tpu.wait_dma2 semaphore(%arg8 : memref<!tpu.dma_semaphore, #tpu.memory_space<semaphore_mem>>) src(%dma_wait3A_239 : memref<16000xf32, #tpu.memory_space<any>>) dst(%dma_wait3A_237 : memref<16000xf32, #tpu.memory_space<vmem>>)
    %dma_wait3A_240 = arith.constant 3 : i32
    %dma_wait3A_241 = arith.constant 0 : i32
    %dma_wait3A_242 = tpu.memref_slice %arg4[%dma_wait3A_240, %dma_wait3A_241] : memref<32x16000xf32, #tpu.memory_space<vmem>> -> memref<1x16000xf32, #tpu.memory_space<vmem>>
    %dma_wait3A_243 = tpu.memref_squeeze %dma_wait3A_242 : memref<1x16000xf32, #tpu.memory_space<vmem>> -> memref<16000xf32, #tpu.memory_space<vmem>>
    %dma_wait3A_244 = arith.constant 0 : i32
    %dma_wait3A_245 = tpu.memref_slice %arg1[%dma_wait3A_244] : memref<5120000xf32, #tpu.memory_space<any>> -> memref<16000xf32, #tpu.memory_space<any>>
    tpu.wait_dma2 semaphore(%arg8 : memref<!tpu.dma_semaphore, #tpu.memory_space<semaphore_mem>>) src(%dma_wait3A_245 : memref<16000xf32, #tpu.memory_space<any>>) dst(%dma_wait3A_243 : memref<16000xf32, #tpu.memory_space<vmem>>)
    %dma_wait3A_246 = arith.constant 4 : i32
    %dma_wait3A_247 = arith.constant 0 : i32
    %dma_wait3A_248 = tpu.memref_slice %arg4[%dma_wait3A_246, %dma_wait3A_247] : memref<32x16000xf32, #tpu.memory_space<vmem>> -> memref<1x16000xf32, #tpu.memory_space<vmem>>
    %dma_wait3A_249 = tpu.memref_squeeze %dma_wait3A_248 : memref<1x16000xf32, #tpu.memory_space<vmem>> -> memref<16000xf32, #tpu.memory_space<vmem>>
    %dma_wait3A_250 = arith.constant 0 : i32
    %dma_wait3A_251 = tpu.memref_slice %arg1[%dma_wait3A_250] : memref<5120000xf32, #tpu.memory_space<any>> -> memref<16000xf32, #tpu.memory_space<any>>
    tpu.wait_dma2 semaphore(%arg8 : memref<!tpu.dma_semaphore, #tpu.memory_space<semaphore_mem>>) src(%dma_wait3A_251 : memref<16000xf32, #tpu.memory_space<any>>) dst(%dma_wait3A_249 : memref<16000xf32, #tpu.memory_space<vmem>>)
    %dma_wait3A_252 = arith.constant 5 : i32
    %dma_wait3A_253 = arith.constant 0 : i32
    %dma_wait3A_254 = tpu.memref_slice %arg4[%dma_wait3A_252, %dma_wait3A_253] : memref<32x16000xf32, #tpu.memory_space<vmem>> -> memref<1x16000xf32, #tpu.memory_space<vmem>>
    %dma_wait3A_255 = tpu.memref_squeeze %dma_wait3A_254 : memref<1x16000xf32, #tpu.memory_space<vmem>> -> memref<16000xf32, #tpu.memory_space<vmem>>
    %dma_wait3A_256 = arith.constant 0 : i32
    %dma_wait3A_257 = tpu.memref_slice %arg1[%dma_wait3A_256] : memref<5120000xf32, #tpu.memory_space<any>> -> memref<16000xf32, #tpu.memory_space<any>>
    tpu.wait_dma2 semaphore(%arg8 : memref<!tpu.dma_semaphore, #tpu.memory_space<semaphore_mem>>) src(%dma_wait3A_257 : memref<16000xf32, #tpu.memory_space<any>>) dst(%dma_wait3A_255 : memref<16000xf32, #tpu.memory_space<vmem>>)
    %dma_wait3A_258 = arith.constant 6 : i32
    %dma_wait3A_259 = arith.constant 0 : i32
    %dma_wait3A_260 = tpu.memref_slice %arg4[%dma_wait3A_258, %dma_wait3A_259] : memref<32x16000xf32, #tpu.memory_space<vmem>> -> memref<1x16000xf32, #tpu.memory_space<vmem>>
    %dma_wait3A_261 = tpu.memref_squeeze %dma_wait3A_260 : memref<1x16000xf32, #tpu.memory_space<vmem>> -> memref<16000xf32, #tpu.memory_space<vmem>>
    %dma_wait3A_262 = arith.constant 0 : i32
    %dma_wait3A_263 = tpu.memref_slice %arg1[%dma_wait3A_262] : memref<5120000xf32, #tpu.memory_space<any>> -> memref<16000xf32, #tpu.memory_space<any>>
    tpu.wait_dma2 semaphore(%arg8 : memref<!tpu.dma_semaphore, #tpu.memory_space<semaphore_mem>>) src(%dma_wait3A_263 : memref<16000xf32, #tpu.memory_space<any>>) dst(%dma_wait3A_261 : memref<16000xf32, #tpu.memory_space<vmem>>)
    %dma_wait3A_264 = arith.constant 7 : i32
    %dma_wait3A_265 = arith.constant 0 : i32
    %dma_wait3A_266 = tpu.memref_slice %arg4[%dma_wait3A_264, %dma_wait3A_265] : memref<32x16000xf32, #tpu.memory_space<vmem>> -> memref<1x16000xf32, #tpu.memory_space<vmem>>
    %dma_wait3A_267 = tpu.memref_squeeze %dma_wait3A_266 : memref<1x16000xf32, #tpu.memory_space<vmem>> -> memref<16000xf32, #tpu.memory_space<vmem>>
    %dma_wait3A_268 = arith.constant 0 : i32
    %dma_wait3A_269 = tpu.memref_slice %arg1[%dma_wait3A_268] : memref<5120000xf32, #tpu.memory_space<any>> -> memref<16000xf32, #tpu.memory_space<any>>
    tpu.wait_dma2 semaphore(%arg8 : memref<!tpu.dma_semaphore, #tpu.memory_space<semaphore_mem>>) src(%dma_wait3A_269 : memref<16000xf32, #tpu.memory_space<any>>) dst(%dma_wait3A_267 : memref<16000xf32, #tpu.memory_space<vmem>>)
    %dma_wait3A_270 = arith.constant 8 : i32
    %dma_wait3A_271 = arith.constant 0 : i32
    %dma_wait3A_272 = tpu.memref_slice %arg4[%dma_wait3A_270, %dma_wait3A_271] : memref<32x16000xf32, #tpu.memory_space<vmem>> -> memref<1x16000xf32, #tpu.memory_space<vmem>>
    %dma_wait3A_273 = tpu.memref_squeeze %dma_wait3A_272 : memref<1x16000xf32, #tpu.memory_space<vmem>> -> memref<16000xf32, #tpu.memory_space<vmem>>
    %dma_wait3A_274 = arith.constant 0 : i32
    %dma_wait3A_275 = tpu.memref_slice %arg1[%dma_wait3A_274] : memref<5120000xf32, #tpu.memory_space<any>> -> memref<16000xf32, #tpu.memory_space<any>>
    tpu.wait_dma2 semaphore(%arg8 : memref<!tpu.dma_semaphore, #tpu.memory_space<semaphore_mem>>) src(%dma_wait3A_275 : memref<16000xf32, #tpu.memory_space<any>>) dst(%dma_wait3A_273 : memref<16000xf32, #tpu.memory_space<vmem>>)
    %dma_wait3A_276 = arith.constant 9 : i32
    %dma_wait3A_277 = arith.constant 0 : i32
    %dma_wait3A_278 = tpu.memref_slice %arg4[%dma_wait3A_276, %dma_wait3A_277] : memref<32x16000xf32, #tpu.memory_space<vmem>> -> memref<1x16000xf32, #tpu.memory_space<vmem>>
    %dma_wait3A_279 = tpu.memref_squeeze %dma_wait3A_278 : memref<1x16000xf32, #tpu.memory_space<vmem>> -> memref<16000xf32, #tpu.memory_space<vmem>>
    %dma_wait3A_280 = arith.constant 0 : i32
    %dma_wait3A_281 = tpu.memref_slice %arg1[%dma_wait3A_280] : memref<5120000xf32, #tpu.memory_space<any>> -> memref<16000xf32, #tpu.memory_space<any>>
    tpu.wait_dma2 semaphore(%arg8 : memref<!tpu.dma_semaphore, #tpu.memory_space<semaphore_mem>>) src(%dma_wait3A_281 : memref<16000xf32, #tpu.memory_space<any>>) dst(%dma_wait3A_279 : memref<16000xf32, #tpu.memory_space<vmem>>)
    %dma_wait3A_282 = arith.constant 10 : i32
    %dma_wait3A_283 = arith.constant 0 : i32
    %dma_wait3A_284 = tpu.memref_slice %arg4[%dma_wait3A_282, %dma_wait3A_283] : memref<32x16000xf32, #tpu.memory_space<vmem>> -> memref<1x16000xf32, #tpu.memory_space<vmem>>
    %dma_wait3A_285 = tpu.memref_squeeze %dma_wait3A_284 : memref<1x16000xf32, #tpu.memory_space<vmem>> -> memref<16000xf32, #tpu.memory_space<vmem>>
    %dma_wait3A_286 = arith.constant 0 : i32
    %dma_wait3A_287 = tpu.memref_slice %arg1[%dma_wait3A_286] : memref<5120000xf32, #tpu.memory_space<any>> -> memref<16000xf32, #tpu.memory_space<any>>
    tpu.wait_dma2 semaphore(%arg8 : memref<!tpu.dma_semaphore, #tpu.memory_space<semaphore_mem>>) src(%dma_wait3A_287 : memref<16000xf32, #tpu.memory_space<any>>) dst(%dma_wait3A_285 : memref<16000xf32, #tpu.memory_space<vmem>>)
    %dma_wait3A_288 = arith.constant 11 : i32
    %dma_wait3A_289 = arith.constant 0 : i32
    %dma_wait3A_290 = tpu.memref_slice %arg4[%dma_wait3A_288, %dma_wait3A_289] : memref<32x16000xf32, #tpu.memory_space<vmem>> -> memref<1x16000xf32, #tpu.memory_space<vmem>>
    %dma_wait3A_291 = tpu.memref_squeeze %dma_wait3A_290 : memref<1x16000xf32, #tpu.memory_space<vmem>> -> memref<16000xf32, #tpu.memory_space<vmem>>
    %dma_wait3A_292 = arith.constant 0 : i32
    %dma_wait3A_293 = tpu.memref_slice %arg1[%dma_wait3A_292] : memref<5120000xf32, #tpu.memory_space<any>> -> memref<16000xf32, #tpu.memory_space<any>>
    tpu.wait_dma2 semaphore(%arg8 : memref<!tpu.dma_semaphore, #tpu.memory_space<semaphore_mem>>) src(%dma_wait3A_293 : memref<16000xf32, #tpu.memory_space<any>>) dst(%dma_wait3A_291 : memref<16000xf32, #tpu.memory_space<vmem>>)
    %dma_wait3A_294 = arith.constant 12 : i32
    %dma_wait3A_295 = arith.constant 0 : i32
    %dma_wait3A_296 = tpu.memref_slice %arg4[%dma_wait3A_294, %dma_wait3A_295] : memref<32x16000xf32, #tpu.memory_space<vmem>> -> memref<1x16000xf32, #tpu.memory_space<vmem>>
    %dma_wait3A_297 = tpu.memref_squeeze %dma_wait3A_296 : memref<1x16000xf32, #tpu.memory_space<vmem>> -> memref<16000xf32, #tpu.memory_space<vmem>>
    %dma_wait3A_298 = arith.constant 0 : i32
    %dma_wait3A_299 = tpu.memref_slice %arg1[%dma_wait3A_298] : memref<5120000xf32, #tpu.memory_space<any>> -> memref<16000xf32, #tpu.memory_space<any>>
    tpu.wait_dma2 semaphore(%arg8 : memref<!tpu.dma_semaphore, #tpu.memory_space<semaphore_mem>>) src(%dma_wait3A_299 : memref<16000xf32, #tpu.memory_space<any>>) dst(%dma_wait3A_297 : memref<16000xf32, #tpu.memory_space<vmem>>)
    %dma_wait3A_300 = arith.constant 13 : i32
    %dma_wait3A_301 = arith.constant 0 : i32
    %dma_wait3A_302 = tpu.memref_slice %arg4[%dma_wait3A_300, %dma_wait3A_301] : memref<32x16000xf32, #tpu.memory_space<vmem>> -> memref<1x16000xf32, #tpu.memory_space<vmem>>
    %dma_wait3A_303 = tpu.memref_squeeze %dma_wait3A_302 : memref<1x16000xf32, #tpu.memory_space<vmem>> -> memref<16000xf32, #tpu.memory_space<vmem>>
    %dma_wait3A_304 = arith.constant 0 : i32
    %dma_wait3A_305 = tpu.memref_slice %arg1[%dma_wait3A_304] : memref<5120000xf32, #tpu.memory_space<any>> -> memref<16000xf32, #tpu.memory_space<any>>
    tpu.wait_dma2 semaphore(%arg8 : memref<!tpu.dma_semaphore, #tpu.memory_space<semaphore_mem>>) src(%dma_wait3A_305 : memref<16000xf32, #tpu.memory_space<any>>) dst(%dma_wait3A_303 : memref<16000xf32, #tpu.memory_space<vmem>>)
    %dma_wait3A_306 = arith.constant 14 : i32
    %dma_wait3A_307 = arith.constant 0 : i32
    %dma_wait3A_308 = tpu.memref_slice %arg4[%dma_wait3A_306, %dma_wait3A_307] : memref<32x16000xf32, #tpu.memory_space<vmem>> -> memref<1x16000xf32, #tpu.memory_space<vmem>>
    %dma_wait3A_309 = tpu.memref_squeeze %dma_wait3A_308 : memref<1x16000xf32, #tpu.memory_space<vmem>> -> memref<16000xf32, #tpu.memory_space<vmem>>
    %dma_wait3A_310 = arith.constant 0 : i32
    %dma_wait3A_311 = tpu.memref_slice %arg1[%dma_wait3A_310] : memref<5120000xf32, #tpu.memory_space<any>> -> memref<16000xf32, #tpu.memory_space<any>>
    tpu.wait_dma2 semaphore(%arg8 : memref<!tpu.dma_semaphore, #tpu.memory_space<semaphore_mem>>) src(%dma_wait3A_311 : memref<16000xf32, #tpu.memory_space<any>>) dst(%dma_wait3A_309 : memref<16000xf32, #tpu.memory_space<vmem>>)
    %dma_wait3A_312 = arith.constant 15 : i32
    %dma_wait3A_313 = arith.constant 0 : i32
    %dma_wait3A_314 = tpu.memref_slice %arg4[%dma_wait3A_312, %dma_wait3A_313] : memref<32x16000xf32, #tpu.memory_space<vmem>> -> memref<1x16000xf32, #tpu.memory_space<vmem>>
    %dma_wait3A_315 = tpu.memref_squeeze %dma_wait3A_314 : memref<1x16000xf32, #tpu.memory_space<vmem>> -> memref<16000xf32, #tpu.memory_space<vmem>>
    %dma_wait3A_316 = arith.constant 0 : i32
    %dma_wait3A_317 = tpu.memref_slice %arg1[%dma_wait3A_316] : memref<5120000xf32, #tpu.memory_space<any>> -> memref<16000xf32, #tpu.memory_space<any>>
    tpu.wait_dma2 semaphore(%arg8 : memref<!tpu.dma_semaphore, #tpu.memory_space<semaphore_mem>>) src(%dma_wait3A_317 : memref<16000xf32, #tpu.memory_space<any>>) dst(%dma_wait3A_315 : memref<16000xf32, #tpu.memory_space<vmem>>)
    %dma_wait3A_318 = arith.constant 16 : i32
    %dma_wait3A_319 = arith.constant 0 : i32
    %dma_wait3A_320 = tpu.memref_slice %arg4[%dma_wait3A_318, %dma_wait3A_319] : memref<32x16000xf32, #tpu.memory_space<vmem>> -> memref<1x16000xf32, #tpu.memory_space<vmem>>
    %dma_wait3A_321 = tpu.memref_squeeze %dma_wait3A_320 : memref<1x16000xf32, #tpu.memory_space<vmem>> -> memref<16000xf32, #tpu.memory_space<vmem>>
    %dma_wait3A_322 = arith.constant 0 : i32
    %dma_wait3A_323 = tpu.memref_slice %arg1[%dma_wait3A_322] : memref<5120000xf32, #tpu.memory_space<any>> -> memref<16000xf32, #tpu.memory_space<any>>
    tpu.wait_dma2 semaphore(%arg8 : memref<!tpu.dma_semaphore, #tpu.memory_space<semaphore_mem>>) src(%dma_wait3A_323 : memref<16000xf32, #tpu.memory_space<any>>) dst(%dma_wait3A_321 : memref<16000xf32, #tpu.memory_space<vmem>>)
    %dma_wait3A_324 = arith.constant 17 : i32
    %dma_wait3A_325 = arith.constant 0 : i32
    %dma_wait3A_326 = tpu.memref_slice %arg4[%dma_wait3A_324, %dma_wait3A_325] : memref<32x16000xf32, #tpu.memory_space<vmem>> -> memref<1x16000xf32, #tpu.memory_space<vmem>>
    %dma_wait3A_327 = tpu.memref_squeeze %dma_wait3A_326 : memref<1x16000xf32, #tpu.memory_space<vmem>> -> memref<16000xf32, #tpu.memory_space<vmem>>
    %dma_wait3A_328 = arith.constant 0 : i32
    %dma_wait3A_329 = tpu.memref_slice %arg1[%dma_wait3A_328] : memref<5120000xf32, #tpu.memory_space<any>> -> memref<16000xf32, #tpu.memory_space<any>>
    tpu.wait_dma2 semaphore(%arg8 : memref<!tpu.dma_semaphore, #tpu.memory_space<semaphore_mem>>) src(%dma_wait3A_329 : memref<16000xf32, #tpu.memory_space<any>>) dst(%dma_wait3A_327 : memref<16000xf32, #tpu.memory_space<vmem>>)
    %dma_wait3A_330 = arith.constant 18 : i32
    %dma_wait3A_331 = arith.constant 0 : i32
    %dma_wait3A_332 = tpu.memref_slice %arg4[%dma_wait3A_330, %dma_wait3A_331] : memref<32x16000xf32, #tpu.memory_space<vmem>> -> memref<1x16000xf32, #tpu.memory_space<vmem>>
    %dma_wait3A_333 = tpu.memref_squeeze %dma_wait3A_332 : memref<1x16000xf32, #tpu.memory_space<vmem>> -> memref<16000xf32, #tpu.memory_space<vmem>>
    %dma_wait3A_334 = arith.constant 0 : i32
    %dma_wait3A_335 = tpu.memref_slice %arg1[%dma_wait3A_334] : memref<5120000xf32, #tpu.memory_space<any>> -> memref<16000xf32, #tpu.memory_space<any>>
    tpu.wait_dma2 semaphore(%arg8 : memref<!tpu.dma_semaphore, #tpu.memory_space<semaphore_mem>>) src(%dma_wait3A_335 : memref<16000xf32, #tpu.memory_space<any>>) dst(%dma_wait3A_333 : memref<16000xf32, #tpu.memory_space<vmem>>)
    %dma_wait3A_336 = arith.constant 19 : i32
    %dma_wait3A_337 = arith.constant 0 : i32
    %dma_wait3A_338 = tpu.memref_slice %arg4[%dma_wait3A_336, %dma_wait3A_337] : memref<32x16000xf32, #tpu.memory_space<vmem>> -> memref<1x16000xf32, #tpu.memory_space<vmem>>
    %dma_wait3A_339 = tpu.memref_squeeze %dma_wait3A_338 : memref<1x16000xf32, #tpu.memory_space<vmem>> -> memref<16000xf32, #tpu.memory_space<vmem>>
    %dma_wait3A_340 = arith.constant 0 : i32
    %dma_wait3A_341 = tpu.memref_slice %arg1[%dma_wait3A_340] : memref<5120000xf32, #tpu.memory_space<any>> -> memref<16000xf32, #tpu.memory_space<any>>
    tpu.wait_dma2 semaphore(%arg8 : memref<!tpu.dma_semaphore, #tpu.memory_space<semaphore_mem>>) src(%dma_wait3A_341 : memref<16000xf32, #tpu.memory_space<any>>) dst(%dma_wait3A_339 : memref<16000xf32, #tpu.memory_space<vmem>>)
    %dma_wait3A_342 = arith.constant 20 : i32
    %dma_wait3A_343 = arith.constant 0 : i32
    %dma_wait3A_344 = tpu.memref_slice %arg4[%dma_wait3A_342, %dma_wait3A_343] : memref<32x16000xf32, #tpu.memory_space<vmem>> -> memref<1x16000xf32, #tpu.memory_space<vmem>>
    %dma_wait3A_345 = tpu.memref_squeeze %dma_wait3A_344 : memref<1x16000xf32, #tpu.memory_space<vmem>> -> memref<16000xf32, #tpu.memory_space<vmem>>
    %dma_wait3A_346 = arith.constant 0 : i32
    %dma_wait3A_347 = tpu.memref_slice %arg1[%dma_wait3A_346] : memref<5120000xf32, #tpu.memory_space<any>> -> memref<16000xf32, #tpu.memory_space<any>>
    tpu.wait_dma2 semaphore(%arg8 : memref<!tpu.dma_semaphore, #tpu.memory_space<semaphore_mem>>) src(%dma_wait3A_347 : memref<16000xf32, #tpu.memory_space<any>>) dst(%dma_wait3A_345 : memref<16000xf32, #tpu.memory_space<vmem>>)
    %dma_wait3A_348 = arith.constant 21 : i32
    %dma_wait3A_349 = arith.constant 0 : i32
    %dma_wait3A_350 = tpu.memref_slice %arg4[%dma_wait3A_348, %dma_wait3A_349] : memref<32x16000xf32, #tpu.memory_space<vmem>> -> memref<1x16000xf32, #tpu.memory_space<vmem>>
    %dma_wait3A_351 = tpu.memref_squeeze %dma_wait3A_350 : memref<1x16000xf32, #tpu.memory_space<vmem>> -> memref<16000xf32, #tpu.memory_space<vmem>>
    %dma_wait3A_352 = arith.constant 0 : i32
    %dma_wait3A_353 = tpu.memref_slice %arg1[%dma_wait3A_352] : memref<5120000xf32, #tpu.memory_space<any>> -> memref<16000xf32, #tpu.memory_space<any>>
    tpu.wait_dma2 semaphore(%arg8 : memref<!tpu.dma_semaphore, #tpu.memory_space<semaphore_mem>>) src(%dma_wait3A_353 : memref<16000xf32, #tpu.memory_space<any>>) dst(%dma_wait3A_351 : memref<16000xf32, #tpu.memory_space<vmem>>)
    %dma_wait3A_354 = arith.constant 22 : i32
    %dma_wait3A_355 = arith.constant 0 : i32
    %dma_wait3A_356 = tpu.memref_slice %arg4[%dma_wait3A_354, %dma_wait3A_355] : memref<32x16000xf32, #tpu.memory_space<vmem>> -> memref<1x16000xf32, #tpu.memory_space<vmem>>
    %dma_wait3A_357 = tpu.memref_squeeze %dma_wait3A_356 : memref<1x16000xf32, #tpu.memory_space<vmem>> -> memref<16000xf32, #tpu.memory_space<vmem>>
    %dma_wait3A_358 = arith.constant 0 : i32
    %dma_wait3A_359 = tpu.memref_slice %arg1[%dma_wait3A_358] : memref<5120000xf32, #tpu.memory_space<any>> -> memref<16000xf32, #tpu.memory_space<any>>
    tpu.wait_dma2 semaphore(%arg8 : memref<!tpu.dma_semaphore, #tpu.memory_space<semaphore_mem>>) src(%dma_wait3A_359 : memref<16000xf32, #tpu.memory_space<any>>) dst(%dma_wait3A_357 : memref<16000xf32, #tpu.memory_space<vmem>>)
    %dma_wait3A_360 = arith.constant 23 : i32
    %dma_wait3A_361 = arith.constant 0 : i32
    %dma_wait3A_362 = tpu.memref_slice %arg4[%dma_wait3A_360, %dma_wait3A_361] : memref<32x16000xf32, #tpu.memory_space<vmem>> -> memref<1x16000xf32, #tpu.memory_space<vmem>>
    %dma_wait3A_363 = tpu.memref_squeeze %dma_wait3A_362 : memref<1x16000xf32, #tpu.memory_space<vmem>> -> memref<16000xf32, #tpu.memory_space<vmem>>
    %dma_wait3A_364 = arith.constant 0 : i32
    %dma_wait3A_365 = tpu.memref_slice %arg1[%dma_wait3A_364] : memref<5120000xf32, #tpu.memory_space<any>> -> memref<16000xf32, #tpu.memory_space<any>>
    tpu.wait_dma2 semaphore(%arg8 : memref<!tpu.dma_semaphore, #tpu.memory_space<semaphore_mem>>) src(%dma_wait3A_365 : memref<16000xf32, #tpu.memory_space<any>>) dst(%dma_wait3A_363 : memref<16000xf32, #tpu.memory_space<vmem>>)
    %dma_wait3A_366 = arith.constant 24 : i32
    %dma_wait3A_367 = arith.constant 0 : i32
    %dma_wait3A_368 = tpu.memref_slice %arg4[%dma_wait3A_366, %dma_wait3A_367] : memref<32x16000xf32, #tpu.memory_space<vmem>> -> memref<1x16000xf32, #tpu.memory_space<vmem>>
    %dma_wait3A_369 = tpu.memref_squeeze %dma_wait3A_368 : memref<1x16000xf32, #tpu.memory_space<vmem>> -> memref<16000xf32, #tpu.memory_space<vmem>>
    %dma_wait3A_370 = arith.constant 0 : i32
    %dma_wait3A_371 = tpu.memref_slice %arg1[%dma_wait3A_370] : memref<5120000xf32, #tpu.memory_space<any>> -> memref<16000xf32, #tpu.memory_space<any>>
    tpu.wait_dma2 semaphore(%arg8 : memref<!tpu.dma_semaphore, #tpu.memory_space<semaphore_mem>>) src(%dma_wait3A_371 : memref<16000xf32, #tpu.memory_space<any>>) dst(%dma_wait3A_369 : memref<16000xf32, #tpu.memory_space<vmem>>)
    %dma_wait3A_372 = arith.constant 25 : i32
    %dma_wait3A_373 = arith.constant 0 : i32
    %dma_wait3A_374 = tpu.memref_slice %arg4[%dma_wait3A_372, %dma_wait3A_373] : memref<32x16000xf32, #tpu.memory_space<vmem>> -> memref<1x16000xf32, #tpu.memory_space<vmem>>
    %dma_wait3A_375 = tpu.memref_squeeze %dma_wait3A_374 : memref<1x16000xf32, #tpu.memory_space<vmem>> -> memref<16000xf32, #tpu.memory_space<vmem>>
    %dma_wait3A_376 = arith.constant 0 : i32
    %dma_wait3A_377 = tpu.memref_slice %arg1[%dma_wait3A_376] : memref<5120000xf32, #tpu.memory_space<any>> -> memref<16000xf32, #tpu.memory_space<any>>
    tpu.wait_dma2 semaphore(%arg8 : memref<!tpu.dma_semaphore, #tpu.memory_space<semaphore_mem>>) src(%dma_wait3A_377 : memref<16000xf32, #tpu.memory_space<any>>) dst(%dma_wait3A_375 : memref<16000xf32, #tpu.memory_space<vmem>>)
    %dma_wait3A_378 = arith.constant 26 : i32
    %dma_wait3A_379 = arith.constant 0 : i32
    %dma_wait3A_380 = tpu.memref_slice %arg4[%dma_wait3A_378, %dma_wait3A_379] : memref<32x16000xf32, #tpu.memory_space<vmem>> -> memref<1x16000xf32, #tpu.memory_space<vmem>>
    %dma_wait3A_381 = tpu.memref_squeeze %dma_wait3A_380 : memref<1x16000xf32, #tpu.memory_space<vmem>> -> memref<16000xf32, #tpu.memory_space<vmem>>
    %dma_wait3A_382 = arith.constant 0 : i32
    %dma_wait3A_383 = tpu.memref_slice %arg1[%dma_wait3A_382] : memref<5120000xf32, #tpu.memory_space<any>> -> memref<16000xf32, #tpu.memory_space<any>>
    tpu.wait_dma2 semaphore(%arg8 : memref<!tpu.dma_semaphore, #tpu.memory_space<semaphore_mem>>) src(%dma_wait3A_383 : memref<16000xf32, #tpu.memory_space<any>>) dst(%dma_wait3A_381 : memref<16000xf32, #tpu.memory_space<vmem>>)
    %dma_wait3A_384 = arith.constant 27 : i32
    %dma_wait3A_385 = arith.constant 0 : i32
    %dma_wait3A_386 = tpu.memref_slice %arg4[%dma_wait3A_384, %dma_wait3A_385] : memref<32x16000xf32, #tpu.memory_space<vmem>> -> memref<1x16000xf32, #tpu.memory_space<vmem>>
    %dma_wait3A_387 = tpu.memref_squeeze %dma_wait3A_386 : memref<1x16000xf32, #tpu.memory_space<vmem>> -> memref<16000xf32, #tpu.memory_space<vmem>>
    %dma_wait3A_388 = arith.constant 0 : i32
    %dma_wait3A_389 = tpu.memref_slice %arg1[%dma_wait3A_388] : memref<5120000xf32, #tpu.memory_space<any>> -> memref<16000xf32, #tpu.memory_space<any>>
    tpu.wait_dma2 semaphore(%arg8 : memref<!tpu.dma_semaphore, #tpu.memory_space<semaphore_mem>>) src(%dma_wait3A_389 : memref<16000xf32, #tpu.memory_space<any>>) dst(%dma_wait3A_387 : memref<16000xf32, #tpu.memory_space<vmem>>)
    %dma_wait3A_390 = arith.constant 28 : i32
    %dma_wait3A_391 = arith.constant 0 : i32
    %dma_wait3A_392 = tpu.memref_slice %arg4[%dma_wait3A_390, %dma_wait3A_391] : memref<32x16000xf32, #tpu.memory_space<vmem>> -> memref<1x16000xf32, #tpu.memory_space<vmem>>
    %dma_wait3A_393 = tpu.memref_squeeze %dma_wait3A_392 : memref<1x16000xf32, #tpu.memory_space<vmem>> -> memref<16000xf32, #tpu.memory_space<vmem>>
    %dma_wait3A_394 = arith.constant 0 : i32
    %dma_wait3A_395 = tpu.memref_slice %arg1[%dma_wait3A_394] : memref<5120000xf32, #tpu.memory_space<any>> -> memref<16000xf32, #tpu.memory_space<any>>
    tpu.wait_dma2 semaphore(%arg8 : memref<!tpu.dma_semaphore, #tpu.memory_space<semaphore_mem>>) src(%dma_wait3A_395 : memref<16000xf32, #tpu.memory_space<any>>) dst(%dma_wait3A_393 : memref<16000xf32, #tpu.memory_space<vmem>>)
    %dma_wait3A_396 = arith.constant 29 : i32
    %dma_wait3A_397 = arith.constant 0 : i32
    %dma_wait3A_398 = tpu.memref_slice %arg4[%dma_wait3A_396, %dma_wait3A_397] : memref<32x16000xf32, #tpu.memory_space<vmem>> -> memref<1x16000xf32, #tpu.memory_space<vmem>>
    %dma_wait3A_399 = tpu.memref_squeeze %dma_wait3A_398 : memref<1x16000xf32, #tpu.memory_space<vmem>> -> memref<16000xf32, #tpu.memory_space<vmem>>
    %dma_wait3A_400 = arith.constant 0 : i32
    %dma_wait3A_401 = tpu.memref_slice %arg1[%dma_wait3A_400] : memref<5120000xf32, #tpu.memory_space<any>> -> memref<16000xf32, #tpu.memory_space<any>>
    tpu.wait_dma2 semaphore(%arg8 : memref<!tpu.dma_semaphore, #tpu.memory_space<semaphore_mem>>) src(%dma_wait3A_401 : memref<16000xf32, #tpu.memory_space<any>>) dst(%dma_wait3A_399 : memref<16000xf32, #tpu.memory_space<vmem>>)
    %dma_wait3A_402 = arith.constant 30 : i32
    %dma_wait3A_403 = arith.constant 0 : i32
    %dma_wait3A_404 = tpu.memref_slice %arg4[%dma_wait3A_402, %dma_wait3A_403] : memref<32x16000xf32, #tpu.memory_space<vmem>> -> memref<1x16000xf32, #tpu.memory_space<vmem>>
    %dma_wait3A_405 = tpu.memref_squeeze %dma_wait3A_404 : memref<1x16000xf32, #tpu.memory_space<vmem>> -> memref<16000xf32, #tpu.memory_space<vmem>>
    %dma_wait3A_406 = arith.constant 0 : i32
    %dma_wait3A_407 = tpu.memref_slice %arg1[%dma_wait3A_406] : memref<5120000xf32, #tpu.memory_space<any>> -> memref<16000xf32, #tpu.memory_space<any>>
    tpu.wait_dma2 semaphore(%arg8 : memref<!tpu.dma_semaphore, #tpu.memory_space<semaphore_mem>>) src(%dma_wait3A_407 : memref<16000xf32, #tpu.memory_space<any>>) dst(%dma_wait3A_405 : memref<16000xf32, #tpu.memory_space<vmem>>)
    %dma_wait3A_408 = arith.constant 31 : i32
    %dma_wait3A_409 = arith.constant 0 : i32
    %dma_wait3A_410 = tpu.memref_slice %arg4[%dma_wait3A_408, %dma_wait3A_409] : memref<32x16000xf32, #tpu.memory_space<vmem>> -> memref<1x16000xf32, #tpu.memory_space<vmem>>
    %dma_wait3A_411 = tpu.memref_squeeze %dma_wait3A_410 : memref<1x16000xf32, #tpu.memory_space<vmem>> -> memref<16000xf32, #tpu.memory_space<vmem>>
    %dma_wait3A_412 = arith.constant 0 : i32
    %dma_wait3A_413 = tpu.memref_slice %arg1[%dma_wait3A_412] : memref<5120000xf32, #tpu.memory_space<any>> -> memref<16000xf32, #tpu.memory_space<any>>
    tpu.wait_dma2 semaphore(%arg8 : memref<!tpu.dma_semaphore, #tpu.memory_space<semaphore_mem>>) src(%dma_wait3A_413 : memref<16000xf32, #tpu.memory_space<any>>) dst(%dma_wait3A_411 : memref<16000xf32, #tpu.memory_space<vmem>>)
    %ge3A_414 = arith.constant 2 : i32
    %ge3A_415 = arith.cmpi sge, %add3A_214, %ge3A_414 : i32
    %convert_element_type3A_416 = arith.extui %ge3A_415 : i1 to i32
    %cond3A_417 = arith.constant 0 : i32
    %cond3A_418 = arith.cmpi ne, %convert_element_type3A_416, %cond3A_417 : i32
    scf.if %cond3A_418 {
      %dma_wait3A_434 = arith.constant 0 : i32
      %dma_wait3A_435 = tpu.memref_slice %arg2[%dma_wait3A_434] : memref<160000xf32, #tpu.memory_space<any>> -> memref<16000xf32, #tpu.memory_space<any>>
      tpu.wait_dma2 semaphore(%arg10 : memref<!tpu.dma_semaphore, #tpu.memory_space<semaphore_mem>>) src(%arg6 : memref<16000xf32, #tpu.memory_space<vmem>>) dst(%dma_wait3A_435 : memref<16000xf32, #tpu.memory_space<any>>)
    } else {
    }
    %get3A_419 = arith.constant 0 : index
    %get3A_420 = arith.constant 0 : index
    %get3A_421 = vector.load %arg4[%get3A_419, %get3A_420] : memref<32x16000xf32, #tpu.memory_space<vmem>>, vector<32x16000xf32>
    %reduce_sum3A_422 = arith.constant dense<0.000000e+00> : vector<16000xf32>
    %reduce_sum3A_423 = vector.multi_reduction <add>, %get3A_421, %reduce_sum3A_422 [0] : vector<32x16000xf32> to vector<16000xf32>
    %swap3A_424 = arith.constant 0 : index
    %swap3A_425 = vector.load %arg6[%swap3A_424] : memref<16000xf32, #tpu.memory_space<vmem>>, vector<16000xf32>
    tpu.vector_store %arg6[%swap3A_424], %reduce_sum3A_423 {strides = array<i32>} : memref<16000xf32, #tpu.memory_space<vmem>>, vector<16000xf32>,
    %mul3A_426 = arith.constant 16000 : i32
    %mul3A_427 = arith.muli %add3A_214, %mul3A_426 : i32
    %dma_start3A_428 = tpu.memref_slice %arg2[%mul3A_427] : memref<160000xf32, #tpu.memory_space<any>> -> memref<16000xf32, #tpu.memory_space<any>>
    tpu.enqueue_dma source(%arg6 : memref<16000xf32, #tpu.memory_space<vmem>>) target(%dma_start3A_428 : memref<16000xf32, #tpu.memory_space<any>>) target_semaphore(%arg10 : memref<!tpu.dma_semaphore, #tpu.memory_space<semaphore_mem>>)
    %eq3A_429 = arith.constant 4 : i32
    %eq3A_430 = arith.cmpi eq, %arg0, %eq3A_429 : i32
    %convert_element_type3A_431 = arith.extui %eq3A_430 : i1 to i32
    %cond3A_432 = arith.constant 0 : i32
    %cond3A_433 = arith.cmpi ne, %convert_element_type3A_431, %cond3A_432 : i32
    scf.if %cond3A_433 {
      %dma_wait3A_434 = arith.constant 0 : i32
      %dma_wait3A_435 = tpu.memref_slice %arg2[%dma_wait3A_434] : memref<160000xf32, #tpu.memory_space<any>> -> memref<16000xf32, #tpu.memory_space<any>>
      tpu.wait_dma2 semaphore(%arg9 : memref<!tpu.dma_semaphore, #tpu.memory_space<semaphore_mem>>) src(%arg5 : memref<16000xf32, #tpu.memory_space<vmem>>) dst(%dma_wait3A_435 : memref<16000xf32, #tpu.memory_space<any>>)
      %dma_wait3A_436 = arith.constant 0 : i32
      %dma_wait3A_437 = tpu.memref_slice %arg2[%dma_wait3A_436] : memref<160000xf32, #tpu.memory_space<any>> -> memref<16000xf32, #tpu.memory_space<any>>
      tpu.wait_dma2 semaphore(%arg10 : memref<!tpu.dma_semaphore, #tpu.memory_space<semaphore_mem>>) src(%arg6 : memref<16000xf32, #tpu.memory_space<vmem>>) dst(%dma_wait3A_437 : memref<16000xf32, #tpu.memory_space<any>>)
    } else {
    }
    return
  }
}

</mosaic_0001>

<sc_bundles>
// kernel: kernel.5.cloned.1.call-start
scs
__scs_entry_jumppad:
0x0: {  	(pc) =	sbr.rel $0x88, $3  }
0x1: {  	(tag) =	ssettag $0x0;
	lr =	simm.s32 $0x1  }
0x2: {  	[smem:$0x3F9F] =	sst lr;
	_ =	strace $0xD0000000  }
0x3: {  	_ = 	snop  }
0x4: {  	_ = 	snop  }
0x5: {  	_ = 	snop  }
0x6: {  	_ = 	snop  }
0x7: {  	_ = 	snop  }
__scs_overlays_trampoline_lowered:
0x8: {  	[smem:$0x3FAE] =	sst s0  }
0x9: {  	[smem:$0x3FAF] =	sst s1  }
0xa: {  	[smem:$0x3FB0] =	sst s2  }
0xb: {  	[smem:$0x3FB1] =	sst s3  }
0xc: {  	[smem:$0x3FB2] =	sst s4  }
0xd: {  	[smem:$0x3FB3] =	sst s5  }
0xe: {  	[smem:$0x3FB4] =	sst s6  }
0xf: {  	[smem:$0x3FB5] =	sst s7  }
0x10: {  	[smem:$0x3FB6] =	sst s8  }
0x11: {  	[smem:$0x3FB7] =	sst s9;
	s0 =	simm.s32 @!p0 $0x0  }
0x12: {  	s1 =	sld [smem:$0x3F9D];
	s0 =	simm.s32 @p0 $0x1  }
0x13: {  	[smem:$0x3FB8] =	sst s0;
	s0 =	simm.s32 @!p1 $0x0  }
0x14: {  	s2 =	sld [smem:$0x3F9C];
	s0 =	simm.s32 @p1 $0x1  }
0x15: {  	[smem:$0x3FB9] =	sst s0;
	s0 =	simm.s32 @!p2 $0x0  }
0x16: {  	s3 =	sld [smem:$0x3FDB];
	s0 =	simm.s32 @p2 $0x1  }
0x17: {  	s4 =	simm.s32 $0x1BF5;
	[smem:$0x3FBB] =	sst s0  }
0x18: {  	s0 =	sld [smem:$0x3F9E];
	_ =	swait.ge [sflag:s4], $0x0  }
0x19: {  	s7 =	sld [smem:$0x3F9F]  }
0x1a: {  	s8 =	sadd.s32 $0xFFFFE003, lr  }
0x1b: {  	s9 =	sadd.s32 $0xFFFFFEF7, lr;
	s5 =	simm.s32 $0xFFFFFFFF;
	p2 =	slt.u32 s8, $0xFFFFF086  }
0x1c: {  	p1 =	slt.u32 s9, $0xF7A;
	s5 =	simm.s32 @!p2 $0x0  }
0x1d: {  	s5 =	simm.s32 @p1 $0x1;
	p0 =	seq.s32 s7, s2  }
0x1e: {  	s7 =	smul.u32 @!p0 $0xF7A, s2;
	p2 =	seq.s32 @!p0 s5, $0x0  }
0x1f: {  	s9 =	smul.u32 $0xF7A, s1;
	s8 =	simm.s32 @!p0 $0x1BF5;
	p2 =	por !p2, p0  }
0x20: {  	[sflag:s8] =	ssyncset.s32 @!p0 $0xFFFFF086;
	s6 =	sadd.s32 @!p0 s3, s7;
	s7 =	simm.s32 @!p0 $0x108  }
0x21: {  	s3 =	sadd.s32 s3, s9;
	s6 =	sadd.s32 @!p0 $0x88, s6;
	s7 =	simm.s32 @p2 $0x1082  }
0x22: {  	[simem:s7], [sflag:s8] =	dma.local @!p0 [hbm:s6], $0xF7A  }
0x23: {  	s9 =	sor.u32 $0xD0000000, s2;
	s6 =	simm.s32 $0x108;
	_ =	swait.ge @!p0 [sflag:s8], $0x0  }
0x24: {  	s3 =	sadd.s32 $0x88, s3;
	s6 =	simm.s32 @!p1 $0x1082;
	[sflag:s4] =	ssyncset.s32 $0xFFFFF086  }
0x25: {  	[simem:s6], [sflag:s4] =	dma.local [hbm:s3], $0xF7A  }
0x26: {  	[smem:$0x3F9F] =	sst s1;
	(tag) =	ssettag s2;
	_ =	strace s9  }
0x27: {  	s1 =	sld [smem:$0x3FAF]  }
0x28: {  	s2 =	sld [smem:$0x3FB0]  }
0x29: {  	s4 =	sld [smem:$0x3FB2]  }
0x2a: {  	p0 =	seq.s32 s5, $0x0;
	s5 =	sld [smem:$0x3FB3]  }
0x2b: {  	s6 =	sld [smem:$0x3FB4]  }
0x2c: {  	s7 =	sld [smem:$0x3FB5]  }
0x2d: {  	s3 =	simm.s32 $0x108;
	s8 =	sld [smem:$0x3FB6]  }
0x2e: {  	s3 =	simm.s32 @!p0 $0x1082;
	s9 =	sld [smem:$0x3FB7]  }
0x2f: {  	lr =	sadd.s32 s0, s3;
	s0 =	sld [smem:$0x3FAE]  }
0x30: {  	s3 =	sld [smem:$0x3FB1]  }
0x31: {  	[smem:$0x3FBA] =	sst s10  }
0x32: {  	s10 =	sld [smem:$0x3FB8];
	_ =	sdelay $0x3  }
0x33: {  	p0 =	seq.s32 s10, $0x1;
	s10 =	sld [smem:$0x3FBA];
	_ =	sdelay $0x3  }
0x34: {  	[smem:$0x3FBA] =	sst s10  }
0x35: {  	s10 =	sld [smem:$0x3FB9];
	_ =	sdelay $0x3  }
0x36: {  	p1 =	seq.s32 s10, $0x1;
	s10 =	sld [smem:$0x3FBA];
	_ =	sdelay $0x3  }
0x37: {  	[smem:$0x3FBA] =	sst s10  }
0x38: {  	s10 =	sld [smem:$0x3FBB]  }
0x39: {  	_ = 	snop;
	(pc) =	sbr.ind lr, $3  }
0x3a: {  	_ = 	snop  }
0x3b: {  	_ = 	snop  }
0x3c: {  	p2 =	seq.s32 s10, $0x1;
	s10 =	sld [smem:$0x3FBA]  }
0x3d: {  	_ =	shalt  }
0x3e: {  	_ =	shalt  }
0x3f: {  	_ =	shalt  }
0x40: {  	_ =	shalt  }
0x41: {  	_ =	shalt  }
0x42: {  	_ =	shalt  }
0x43: {  	_ =	shalt  }
0x44: {  	_ =	shalt  }
0x45: {  	_ =	shalt  }
0x46: {  	_ =	shalt  }
0x47: {  	_ =	shalt  }
0x48: {  	_ =	shalt  }
0x49: {  	_ =	shalt  }
0x4a: {  	_ =	shalt  }
0x4b: {  	_ =	shalt  }
0x4c: {  	_ =	shalt  }
0x4d: {  	_ =	shalt  }
0x4e: {  	_ =	shalt  }
0x4f: {  	_ =	shalt  }
0x50: {  	_ =	shalt  }
0x51: {  	_ =	shalt  }
0x52: {  	_ =	shalt  }
0x53: {  	_ =	shalt  }
0x54: {  	_ =	shalt  }
0x55: {  	_ =	shalt  }
0x56: {  	_ =	shalt  }
0x57: {  	_ =	shalt  }
0x58: {  	_ =	shalt  }
0x59: {  	_ =	shalt  }
0x5a: {  	_ =	shalt  }
0x5b: {  	_ =	shalt  }
0x5c: {  	_ =	shalt  }
0x5d: {  	_ =	shalt  }
0x5e: {  	_ =	shalt  }
0x5f: {  	_ =	shalt  }
0x60: {  	_ =	shalt  }
0x61: {  	_ =	shalt  }
0x62: {  	_ =	shalt  }
0x63: {  	_ =	shalt  }
0x64: {  	_ =	shalt  }
0x65: {  	_ =	shalt  }
0x66: {  	_ =	shalt  }
0x67: {  	_ =	shalt  }
0x68: {  	_ =	shalt  }
0x69: {  	_ =	shalt  }
0x6a: {  	_ =	shalt  }
0x6b: {  	_ =	shalt  }
0x6c: {  	_ =	shalt  }
0x6d: {  	_ =	shalt  }
0x6e: {  	_ =	shalt  }
0x6f: {  	_ =	shalt  }
0x70: {  	_ =	shalt  }
0x71: {  	_ =	shalt  }
0x72: {  	_ =	shalt  }
0x73: {  	_ =	shalt  }
0x74: {  	_ =	shalt  }
0x75: {  	_ =	shalt  }
0x76: {  	_ =	shalt  }
0x77: {  	_ =	shalt  }
0x78: {  	_ =	shalt  }
0x79: {  	_ =	shalt  }
0x7a: {  	_ =	shalt  }
0x7b: {  	_ =	shalt  }
0x7c: {  	_ =	shalt  }
0x7d: {  	_ =	shalt  }
0x7e: {  	_ =	shalt  }
0x7f: {  	_ =	shalt  }
0x80: {  	_ =	shalt  }
0x81: {  	_ =	shalt  }
0x82: {  	_ =	shalt  }
0x83: {  	_ =	shalt  }
0x84: {  	_ =	shalt  }
0x85: {  	_ =	shalt  }
0x86: {  	_ =	shalt  }
0x87: {  	_ =	shalt  }
.Lfunc_end0:
.L_simem_size_0:
called_computation_lowered:
.L_overlay_start_0:
0x88: {  	s2 =	sld [smem:$0x3FD9]  }
0x89: {  	s3 =	sld [smem:$0x3FFE];
	_ =	sdelay $0x1  }
0x8a: {  	s1 =	srdreg.scid  }
0x8b: {  	s0 =	sand.u32 $0x1, s1  }
0x8c: {  	s17 =	sshll.u32 s0, $0xA;
	s2 =	sadd.s32 s3, s2  }
0x8d: {  	s2 =	sadd.s32 s2, s17  }
0x8e: {  	[smem:$0x3FC6] =	sst s2  }
0x8f: {  	_ = 	snop  }
0x90: {  	s2 =	sld [smem:$0x3FD0];
	(tm) =	ssettm $0x1  }
0x91: {  	s18 =	sld [smem:$0x3FFB];
	_ =	sdelay $0x3  }
0x92: {  	_ =	strace s18  }
0x93: {  	s3 =	sld [smem:$0x3FFC];
	_ =	sdelay $0x3  }
0x94: {  	_ =	strace s3  }
0x95: {  	s3 =	sld [smem:$0x3FFD];
	_ =	sdelay $0x3  }
0x96: {  	_ =	strace s3  }
0x97: {  	_ =	strace $0x8FFFFFFF  }
0x98: {  	s19 =	sld [smem:$0x3FDB];
	_ =	sdelay $0x1  }
0x99: {  	s4 =	simm.s32 $_scs_section_size  }
0x9a: {  	s5 =	simm.s32 $_size__tile_overlayer_lowered;
	s6 =	simm.s32 $_tile_overlayer_lowered  }
0x9b: {  	s22 =	simm.s32 $0x1BFF;
	s21 =	sshll.u32 s6, $0x1;
	s3 =	sadd.s32 s4, s19  }
0x9c: {  	s7 =	simm.s32 $0x0;
	s20 =	sshll.u32 s5, $0x1;
	s5 =	sadd.s32 s21, s3  }
0x9d: {  	[timem:s7], [sflag:s22] =	dma.local [hbm:s5], s20  }
0x9e: {  	_ =	swait.ge [sflag:s22], s20  }
0x9f: {  	s4 =	ssub.s32 $0x0, s20;
	[sflag:s22] =	ssyncset.done $0x0  }
0xa0: {  	[sflag:s22] =	ssyncadd.s32 s4;
	_ =	sdelay $0x1  }
0xa1: {  	s23 =	simm.s32 $0x1B8B  }
0xa2: {  	_ =	swait.ge [sflag:s23], $0x1  }
0xa3: {  	[sflag:s23] =	ssyncset.done $0x0  }
0xa4: {  	s25 =	simm.s32 $0x1B8E;
	s24 =	sld [smem:$0x3FFE];
	[sflag:s23] =	ssyncadd.s32 $0xFFFFFFFF  }
0xa5: {  	s26 =	simm.s32 $execute0_lowered;
	[smem:$0x3FD2] =	sst s25  }
0xa6: {  	s5 =	sshll.u32 s26, $0x1;
	_ =	strace $0x80000046;
	[dreg:$0x1] =	wrdreg $0xFFFFFFFF  }
0xa7: {  	s28 =	simm.s32 $_size_execute0_lowered;
	s3 =	sadd.s32 s3, s5;
	[dreg:$0x0] =	wrdreg $0x0  }
0xa8: {  	s5 =	sshll.u32 s28, $0x1;
	[dreg:$0x2] =	wrdreg s3  }
0xa9: {  	[dreg:$0x3] =	wrdreg s5  }
0xaa: {  	[dreg:$0x4] =	wrdreg $0xC0  }
0xab: {  	_ =	task [dreg:s7], $0x5FFFF  }
0xac: {  	[dreg:$0x1] =	wrdreg $0xFFFFFFFF  }
0xad: {  	[dreg:$0x0] =	wrdreg $0x60  }
0xae: {  	[dreg:$0x2] =	wrdreg s24  }
0xaf: {  	[dreg:$0x3] =	wrdreg s2  }
0xb0: {  	[dreg:$0x4] =	wrdreg $0x9  }
0xb1: {  	_ =	task.clear_ibuf [dreg:s7], $0x5FFFF;
	_ =	strace $0x90000046  }
0xb2: {  	s29 =	simm.s32 $0x9;
	_ =	strace $0x80000048  }
0xb3: {  	_ =	swait.ge [sflag:s29], $0x1  }
0xb4: {  	[sflag:s29] =	ssyncadd.s32 $0xFFFFFFFF  }
0xb5: {  	_ =	strace $0x90000048  }
0xb6: {  	_ =	sfence  }
0xb7: {  	s30 =	sld [smem:$0x0];
	_ =	sdelay $0x2  }
0xb8: {  	s31 =	sshll.u32 s1, $0xD;
	s1 =	sshrl.u32 s1, $0x2  }
0xb9: {  	s3 =	sand.u32 $0x4000, s31;
	s1 =	sadd.s32 s1, s30  }
0xba: {  	s0 =	sor.u32 s3, s0;
	s1 =	sshll.u32 s1, $0x11  }
0xbb: {  	s0 =	sor.u32 s1, s0  }
0xbc: {  	s0 =	sadd.s32 $0x8F2B, s0  }
0xbd: {  	[sflag:s0] =	ssyncadd.remote.s32 $0x1  }
0xbe: {  	_ =	sfence.sel $0xFFFF  }
0xbf: {  	[dreg:$0x0] =	wrdreg $0xFFFFFFFF;
	(pc) =	sbr.abs _section_cstart, $3  }
0xc0: {  	[dreg:$0x1] =	wrdreg $0xFFFFFFFF  }
0xc1: {  	_ =	task.clear_ibuf [dreg:s7], $0x2FFFF;
	_ =	strace $0x9FFFFFFF  }
0xc2: {  	(tm) =	ssettm $0x7FFFFFFF  }
0xc3: {  	_ =	shalt  }
tec
execute0_lowered:
.L_overlay_start_1:
0x0: {  	(tag) =	ssettag $0x1  }
0x1: {  	s1 =	srdreg.scid  }
0x2: {  	s0 =	stileid.u32;
	s4 =	rddreg [dreg:$0x0]  }
0x3: {  	s2 =	rddreg [dreg:$0x1];
	s3 =	simm.s32 $0x0;
	s9 =	simm.s32 $0xA000  }
0x4: {  	s10 =	simm.s32 $0xBF40;
	s11 =	simm.s32 $0x1;
	s12 =	simm.s32 $0xDE80  }
0x5: {  	s13 =	simm.s32 $0x2;
	s14 =	simm.s32 $0x4;
	s15 =	simm.s32 $0xFDC0  }
0x6: {  	s16 =	simm.s32 $0x3;
	s5 =	sand.u32 $0x1, s1;
	s31 =	sshll.u32 s0, $0x1  }
0x7: {  	s17 =	simm.s32 $0x0;
	s1 =	rddreg [dreg:$0x2];
	s6 =	sor.u32 s5, s31  }
0x8: {  	[smem:$0x7FF] =	sst s3;
	s5 =	ssub.s32 $0x2, s5;
	s7 =	smul.u32 $0x1400, s6  }
0x9: {  	_ =	strace $0x80000047;
	s8 =	sshrl.u32 s5, $0x1;
	s6 =	smul.u32 $0x27100, s6  }
0xa: {  	s8 =	ssub.s32 s5, s8;
	s7 =	sadd.s32 s7, s4;
	s4 =	sadd.s32 $0x28800, s4  }
0xb: {  	s5 =	sadd.s32 $0x800, s7;
	s7 =	smax.u32 s8, $0x1;
	s8 =	simm.s32 $0x5  }
.LBB2_1:
0xc: {  	[tilespmem:s3], [sflag:$0x5] =	stream.linear.gather [hbm4b:s5+s3], $0xA000, $0x38;
	[tilespmem:$0x11D00] =	vst v63  }
0xd: {  	_ =	swait.ge [sflag:s8], $0xA000  }
0xe: {  	[sflag:s8] =	ssyncset.done $0x0  }
0xf: {  	s18 =	simm.s32 $0x0;
	[sflag:s8] =	ssyncadd.s32 $0xFFFF6000  }
0x10: {  	[tilespmem:s9], [sflag:$0x1] =	stream.linear.gather [hbm4b:s2+s3], $0x1F40, $0x38;
	[tilespmem:$0x11D00] =	vst v63  }
.LBB2_2:
0x11: {  	s19 =	sshllo.u32 s18, $0x1  }
0x12: {  	s20 =	smul.u32 $0x3E8, s19;
	_ =	sdelay $0x1  }
0x13: {  	s20 =	sadd.s32 s2, s20  }
0x14: {  	[tilespmem:s10], [sflag:$0x2] =	stream.linear.gather [hbm4b:s20+s3], $0x1F40, $0x38;
	[tilespmem:$0x11D00] =	vst v63  }
0x15: {  	_ =	swait.ge [sflag:s11], $0x1F40  }
0x16: {  	p0 =	seq.s32 s18, $0x0;
	[sflag:s11] =	ssyncset.done $0x0  }
0x17: {  	s20 =	simm.s32 @!p0 $0x3;
	[sflag:s11] =	ssyncadd.s32 $0xFFFFE0C0  }
0x18: {  	_ =	swait.ge @!p0 [sflag:s20], $0x1F40  }
0x19: {  	[sflag:s20] =	ssyncset.done @!p0 $0x0  }
0x1a: {  	s29 =	simm.s32 $0xA010;
	[sflag:s20] =	ssyncadd.s32 @!p0 $0xFFFFE0C0  }
0x1b: {  	v0 =	vld [tilespmem:s29+$0xFFFFFFF0];
	_ =	sdelay $0x1  }
0x1c: {  	v1 =	vld [tilespmem:s29+$0x0];
	_ =	sdelay $0x2  }
0x1d: {  	s30 =	simm.s32 $0xA030;
	v2 =	vand.u32 $0xFFFF, v0  }
0x1e: {  	v5 =	vld [tilespmem:s30+$0xFFFFFFF0];
	v0 =	vshra.s32 v0, $0x10  }
0x1f: {  	s31 =	simm.s32 $0xA050;
	v11 =	vld [tilespmem:s30+$0x0];
	v4 =	vshra.s32 v1, $0x10  }
0x20: {  	v21 =	vld [tilespmem:s31+$0xFFFFFFF0];
	v1 =	vand.u32 $0xFFFF, v1  }
0x21: {  	v31 =	vld [tilespmem:s31+$0x0];
	v3 =	vadd.s32 $0x5000, v2  }
0x22: {  	v7 =	vadd.s32 $0x5000, v0;
	v6 =	vld.idx.msk [tilespmem:v2+s3+$0x0], $0xffff  }
0x23: {  	v8 =	vadd.s32 $0x2800, v2;
	v9 =	vld.idx.msk [tilespmem:v0+s3+$0x0], $0xffff  }
0x24: {  	v10 =	vadd.s32 $0x2800, v4;
	v12 =	vadd.s32 $0x7800, v0;
	v13 =	vld.idx.msk [tilespmem:v4+s3+$0x0], $0xffff  }
0x25: {  	v14 =	vadd.s32 $0x2800, v1;
	v15 =	vadd.s32 $0x7800, v1;
	v16 =	vadd.s32 $0x5000, v1;
	v1 =	vld.idx.msk [tilespmem:v1+s3+$0x0], $0xffff  }
0x26: {  	v3 =	vld.idx.msk [tilespmem:v3+s3+$0x0], $0xffff  }
0x27: {  	v7 =	vld.idx.msk [tilespmem:v7+s3+$0x0], $0xffff  }
0x28: {  	v8 =	vld.idx.msk [tilespmem:v8+s3+$0x0], $0xffff  }
0x29: {  	v17 =	vadd.s32 $0x5000, v4;
	v10 =	vld.idx.msk [tilespmem:v10+s3+$0x0], $0xffff  }
0x2a: {  	v2 =	vadd.s32 $0x7800, v2;
	v12 =	vld.idx.msk [tilespmem:v12+s3+$0x0], $0xffff  }
0x2b: {  	v4 =	vadd.s32 $0x7800, v4;
	v14 =	vld.idx.msk [tilespmem:v14+s3+$0x0], $0xffff  }
0x2c: {  	v0 =	vadd.s32 $0x2800, v0;
	v15 =	vld.idx.msk [tilespmem:v15+s3+$0x0], $0xffff  }
0x2d: {  	v16 =	vld.idx.msk [tilespmem:v16+s3+$0x0], $0xffff;
	v6 =	vmul.bf16 v9, v6;
	v9 =	vand.u32 $0xFFFF, v5  }
0x2e: {  	v22 =	vand.u32 $0xFFFF, v11;
	v17 =	vld.idx.msk [tilespmem:v17+s3+$0x0], $0xffff;
	v5 =	vshra.s32 v5, $0x10  }
0x2f: {  	v23 =	vadd.s32 $0x5000, v22;
	v2 =	vld.idx.msk [tilespmem:v2+s3+$0x0], $0xffff;
	v19 =	vadd.s32 $0x5000, v9  }
0x30: {  	v4 =	vld.idx.msk [tilespmem:v4+s3+$0x0], $0xffff;
	v24 =	vadd.s32 $0x5000, v5;
	v18 =	vunpack.i.u.bf16.f32 v6;
	v6 =	vunpack.i.l.bf16.f32 v6  }
0x31: {  	v0 =	vld.idx.msk [tilespmem:v0+s3+$0x0], $0xffff;
	v20 =	vadd.f32 v6, v18;
	v18 =	vmul.bf16 v7, v3;
	v3 =	vshra.s32 v11, $0x10  }
0x32: {  	v1 =	vmul.bf16 v13, v1;
	v6 =	vadd.s32 $0x7800, v9;
	v7 =	vadd.s32 $0x2800, v9;
	v9 =	vld.idx.msk [tilespmem:v9+s3+$0x0], $0xffff  }
0x33: {  	v27 =	vadd.s32 $0x7800, v22;
	v10 =	vmul.bf16 v10, v14;
	v29 =	vadd.s32 $0x2800, v5;
	v14 =	vld.idx.msk [tilespmem:v5+s3+$0x0], $0xffff  }
0x34: {  	v16 =	vmul.bf16 v17, v16;
	v17 =	vadd.s32 $0x7800, v5;
	v34 =	vunpack.i.l.bf16.f32 v1;
	v19 =	vld.idx.msk [tilespmem:v19+s3+$0x0], $0xffff  }
0x35: {  	v11 =	vadd.s32 $0x2800, v22;
	v30 =	vunpack.i.u.bf16.f32 v10;
	v26 =	vadd.s32 $0x2800, v3;
	v24 =	vld.idx.msk [tilespmem:v24+s3+$0x0], $0xffff  }
0x36: {  	v25 =	vadd.s32 $0x5000, v3;
	v28 =	vadd.s32 $0x7800, v3;
	v33 =	vmul.bf16 v0, v8;
	v5 =	vld.idx.msk [tilespmem:v3+s3+$0x0], $0xffff  }
0x37: {  	v15 =	vmul.bf16 v4, v15;
	v0 =	vmul.bf16 v12, v2;
	v2 =	vunpack.i.l.bf16.f32 v10;
	v3 =	vld.idx.msk [tilespmem:v7+s3+$0x0], $0xffff  }
0x38: {  	v32 =	vunpack.i.l.bf16.f32 v18;
	v30 =	vadd.f32 v2, v30;
	v12 =	vunpack.i.u.bf16.f32 v33;
	v4 =	vld.idx.msk [tilespmem:v6+s3+$0x0], $0xffff  }
0x39: {  	v13 =	vunpack.i.u.bf16.f32 v15;
	v7 =	vunpack.i.l.bf16.f32 v15;
	v6 =	vld.idx.msk [tilespmem:v17+s3+$0x0], $0xffff;
	v2 =	vmul.bf16 v14, v9  }
0x3a: {  	v17 =	vunpack.i.u.bf16.f32 v0;
	v8 =	vld.idx.msk [tilespmem:v26+s3+$0x0], $0xffff;
	v26 =	vunpack.i.l.bf16.f32 v0;
	v9 =	vunpack.i.u.bf16.f32 v1  }
0x3b: {  	v14 =	vunpack.i.l.bf16.f32 v16;
	v1 =	vunpack.i.u.bf16.f32 v2;
	v2 =	vunpack.i.l.bf16.f32 v2  }
0x3c: {  	v22 =	vld.idx.msk [tilespmem:v22+s3+$0x0], $0xffff;
	v16 =	vunpack.i.u.bf16.f32 v16;
	v63 =	vadd.f32 v34, v9;
	v0 =	vadd.f32 v2, v1  }
0x3d: {  	v10 =	vld.idx.msk [tilespmem:v27+s3+$0x0], $0xffff;
	v2 =	vunpack.i.l.bf16.f32 v33;
	v1 =	vmul.bf16 v24, v19;
	v24 =	vadd.f32 v26, v17  }
0x3e: {  	v15 =	vld.idx.msk [tilespmem:v11+s3+$0x0], $0xffff;
	v26 =	vand.u32 $0xFFFF, v21;
	v17 =	vshra.s32 v31, $0x10;
	v9 =	vadd.f32 v2, v12  }
0x3f: {  	v11 =	vld.idx.msk [tilespmem:v23+s3+$0x0], $0xffff;
	v2 =	vunpack.i.u.bf16.f32 v18;
	v18 =	vadd.f32 v14, v16;
	v12 =	vshra.s32 v21, $0x10  }
0x40: {  	v16 =	vld.idx.msk [tilespmem:v25+s3+$0x0], $0xffff;
	v27 =	vadd.s32 $0x5000, v26;
	v14 =	vadd.s32 $0x7800, v26;
	v25 =	vadd.f32 v32, v2  }
0x41: {  	s21 =	simm.s32 $0xDE90;
	s23 =	simm.s32 $0x40;
	v23 =	vld.idx.msk [tilespmem:v28+s3+$0x0], $0xffff;
	v2 =	vand.u32 $0xFFFF, v31;
	v19 =	vadd.f32 v9, v20;
	v20 =	vadd.s32 $0x2800, v26  }
0x42: {  	s24 =	simm.s32 $0xA070;
	s22 =	simm.s32 $0xDEB0;
	s20 =	simm.s32 $0xDEB0;
	v21 =	vld.idx.msk [tilespmem:v29+s3+$0x0], $0xffff;
	v9 =	vadd.s32 $0x2800, v2;
	v24 =	vadd.f32 v24, v25;
	v25 =	vadd.f32 v30, v63  }
.LBB2_3:
0x43: {  	v28 =	vld [tilespmem:s24+$0xFFFFFFF0];
	s23 =	sadd.s32 $0x20, s23;
	v29 =	vadd.s32 $0x5000, v2;
	v30 =	vadd.s32 $0x5000, v17;
	s20 =	sadd.s32 $0x20, s20;
	v7 =	vadd.f32 v7, v13  }
0x44: {  	v31 =	vadd.s32 $0x2800, v17;
	v8 =	vmul.bf16 v8, v15;
	p1 =	slt.u32 s23, $0x1F20;
	v13 =	vld.idx.msk [tilespmem:v26+s3+$0x0], $0xffff;
	v26 =	vadd.s32 $0x5000, v12  }
0x45: {  	v32 =	vadd.s32 $0x7800, v2;
	v33 =	vadd.s32 $0x7800, v17;
	v15 =	vld.idx.msk [tilespmem:v12+s3+$0x0], $0xffff;
	v7 =	vadd.f32 v7, v18  }
0x46: {  	v34 =	vadd.s32 $0x2800, v12;
	v10 =	vmul.bf16 v23, v10;
	v18 =	vld.idx.msk [tilespmem:v27+s3+$0x0], $0xffff;
	v27 =	vunpack.i.u.bf16.f32 v8  }
0x47: {  	v35 =	vunpack.i.l.bf16.f32 v1;
	v11 =	vmul.bf16 v16, v11;
	v16 =	vadd.f32 v24, v19;
	v23 =	vld [tilespmem:s24+$0x0]  }
0x48: {  	v12 =	vadd.s32 $0x7800, v12;
	v19 =	vmul.bf16 v21, v3;
	v21 =	vadd.f32 v7, v25;
	v17 =	vld.idx.msk [tilespmem:v17+s3+$0x0], $0xffff  }
0x49: {  	v25 =	vmul.bf16 v6, v4;
	v5 =	vmul.bf16 v5, v22;
	v4 =	vunpack.i.l.bf16.f32 v8;
	v24 =	vld.idx.msk [tilespmem:v26+s3+$0x0], $0xffff;
	[tilespmem:s21+$0xFFFFFFF0] =	vst v16  }
0x4a: {  	v7 =	vunpack.i.l.bf16.f32 v10;
	v36 =	vadd.f32 v4, v27;
	v16 =	vunpack.i.u.bf16.f32 v19;
	v3 =	vld.idx.msk [tilespmem:v20+s3+$0x0], $0xffff;
	[tilespmem:s21+$0x0] =	vst v21;
	s21 =	smov.u32 s22;
	s22 =	smov.u32 s20  }
0x4b: {  	v6 =	vmul.bf16 v15, v13;
	v20 =	vunpack.i.l.bf16.f32 v11;
	v4 =	vld.idx.msk [tilespmem:v14+s3+$0x0], $0xffff;
	v14 =	vunpack.i.u.bf16.f32 v5  }
0x4c: {  	v22 =	vunpack.i.l.bf16.f32 v5;
	v21 =	vunpack.i.l.bf16.f32 v25;
	v13 =	vunpack.i.u.bf16.f32 v10;
	v8 =	vld.idx.msk [tilespmem:v31+s3+$0x0], $0xffff  }
0x4d: {  	v26 =	vunpack.i.u.bf16.f32 v6;
	v10 =	vunpack.i.l.bf16.f32 v6;
	v6 =	vld.idx.msk [tilespmem:v12+s3+$0x0], $0xffff;
	v12 =	vunpack.i.u.bf16.f32 v25  }
0x4e: {  	v25 =	vadd.f32 v10, v26;
	v5 =	vmovc v17;
	v15 =	vld.idx.msk [tilespmem:v9+s3+$0x0], $0xffff;
	v9 =	vunpack.i.l.bf16.f32 v19;
	v19 =	vunpack.i.u.bf16.f32 v11  }
0x4f: {  	v31 =	vadd.f32 v22, v14;
	v17 =	vmul.bf16 v24, v18;
	v24 =	vadd.f32 v21, v12;
	v10 =	vld.idx.msk [tilespmem:v32+s3+$0x0], $0xffff  }
.Ltmp0:
0x50: {  	v14 =	vunpack.i.u.bf16.f32 v1;
	v9 =	vadd.f32 v9, v16;
	v18 =	vadd.f32 v20, v19;
	v11 =	vld.idx.msk [tilespmem:v29+s3+$0x0], $0xffff;
	(pc) =	sbr.rel @p1 .LBB2_3-.Ltmp0, $4  }
0x51: {  	v26 =	vand.u32 $0xFFFF, v28;
	v12 =	vshra.s32 v28, $0x10;
	v20 =	vadd.f32 v35, v14;
	v1 =	vmovc v17;
	v16 =	vld.idx.msk [tilespmem:v30+s3+$0x0], $0xffff  }
0x52: {  	v28 =	vand.u32 $0xFFFF, v23;
	v17 =	vshra.s32 v23, $0x10;
	v19 =	vadd.f32 v9, v0;
	v0 =	vmovc v25;
	v23 =	vld.idx.msk [tilespmem:v33+s3+$0x0], $0xffff  }
0x53: {  	v27 =	vadd.s32 $0x5000, v26;
	v14 =	vadd.s32 $0x7800, v26;
	v24 =	vadd.f32 v24, v20;
	v21 =	vld.idx.msk [tilespmem:v34+s3+$0x0], $0xffff  }
0x54: {  	s24 =	sadd.s32 $0x20, s24;
	v20 =	vadd.s32 $0x2800, v26;
	v9 =	vadd.s32 $0x2800, v28;
	v25 =	vadd.f32 v36, v31;
	v22 =	vld.idx.msk [tilespmem:v2+s3+$0x0], $0xffff;
	v2 =	vmovc v28  }
0x55: {  	_ =	sdelay $0x3  }
0x56: {  	v26 =	vld.idx.msk [tilespmem:v26+s3+$0x0], $0xffff  }
0x57: {  	v28 =	vadd.s32 $0x5000, v12;
	v29 =	vadd.s32 $0x5000, v2;
	v7 =	vadd.f32 v7, v13;
	v52 =	vld.idx.msk [tilespmem:v12+s3+$0x0], $0xffff  }
0x58: {  	v30 =	vadd.s32 $0x5000, v17;
	v31 =	vadd.s32 $0x2800, v17;
	v8 =	vmul.bf16 v8, v15;
	v53 =	vld.idx.msk [tilespmem:v27+s3+$0x0], $0xffff  }
0x59: {  	v54 =	vadd.s32 $0x7800, v2;
	v32 =	vadd.s32 $0x7800, v17;
	v55 =	vld.idx.msk [tilespmem:v17+s3+$0x0], $0xffff;
	v56 =	vadd.s32 $0x2800, v12  }
0x5a: {  	v58 =	vunpack.i.l.bf16.f32 v1;
	v59 =	vld.idx.msk [tilespmem:v20+s3+$0x0], $0xffff;
	v60 =	vadd.s32 $0x7800, v12;
	v4 =	vmul.bf16 v6, v4  }
0x5b: {  	v14 =	vld.idx.msk [tilespmem:v14+s3+$0x0], $0xffff;
	v41 =	vunpack.i.u.bf16.f32 v1;
	v11 =	vmul.bf16 v16, v11;
	v16 =	vadd.f32 v24, v19  }
0x5c: {  	v9 =	vld.idx.msk [tilespmem:v9+s3+$0x0], $0xffff;
	v1 =	vadd.f32 v58, v41;
	v7 =	vadd.f32 v7, v18;
	v33 =	vunpack.i.u.bf16.f32 v8  }
0x5d: {  	v42 =	vld.idx.msk [tilespmem:v2+s3+$0x0], $0xffff;
	v10 =	vmul.bf16 v23, v10;
	v61 =	vunpack.i.l.bf16.f32 v8;
	v37 =	vunpack.i.l.bf16.f32 v4  }
0x5e: {  	v4 =	vunpack.i.u.bf16.f32 v4;
	v3 =	vmul.bf16 v21, v3;
	v6 =	vadd.f32 v61, v33;
	v57 =	vld.idx.msk [tilespmem:v28+s3+$0x0], $0xffff  }
0x5f: {  	v35 =	vunpack.i.l.bf16.f32 v11;
	v11 =	vunpack.i.u.bf16.f32 v11;
	v4 =	vadd.f32 v37, v4;
	v62 =	vld.idx.msk [tilespmem:v31+s3+$0x0], $0xffff  }
0x60: {  	v7 =	vadd.f32 v7, v25;
	v5 =	vmul.bf16 v5, v22;
	v34 =	vunpack.i.l.bf16.f32 v10;
	v36 =	vld.idx.msk [tilespmem:v54+s3+$0x0], $0xffff  }
0x61: {  	v10 =	vunpack.i.u.bf16.f32 v10;
	v11 =	vadd.f32 v35, v11;
	v63 =	vunpack.i.u.bf16.f32 v3;
	v29 =	vld.idx.msk [tilespmem:v29+s3+$0x0], $0xffff  }
0x62: {  	v13 =	vmul.bf16 v52, v26;
	v39 =	vld.idx.msk [tilespmem:v30+s3+$0x0], $0xffff;
	v3 =	vunpack.i.l.bf16.f32 v3;
	v43 =	vadd.f32 v34, v10  }
0x63: {  	v40 =	vld.idx.msk [tilespmem:v32+s3+$0x0], $0xffff;
	v1 =	vadd.f32 v4, v1;
	v2 =	vmul.bf16 v55, v42;
	v22 =	vunpack.i.u.bf16.f32 v5  }
0x64: {  	v18 =	vld.idx.msk [tilespmem:v56+s3+$0x0], $0xffff;
	v5 =	vunpack.i.l.bf16.f32 v5;
	v3 =	vadd.f32 v3, v63;
	v38 =	vunpack.i.u.bf16.f32 v13  }
0x65: {  	v12 =	vld.idx.msk [tilespmem:v60+s3+$0x0], $0xffff;
	v13 =	vunpack.i.l.bf16.f32 v13;
	v5 =	vadd.f32 v5, v22;
	v56 =	vunpack.i.u.bf16.f32 v2  }
0x66: {  	v2 =	vunpack.i.l.bf16.f32 v2;
	v13 =	vadd.f32 v13, v38;
	v0 =	vadd.f32 v3, v0  }
0x67: {  	v3 =	vadd.f32 v43, v11;
	v2 =	vadd.f32 v2, v56;
	v8 =	vmul.bf16 v62, v9  }
0x68: {  	v45 =	vadd.f32 v6, v5;
	v44 =	vmul.bf16 v57, v53;
	v47 =	vmul.bf16 v40, v36  }
0x69: {  	v49 =	vmul.bf16 v39, v29;
	v50 =	vmul.bf16 v18, v59;
	v0 =	vadd.f32 v1, v0  }
0x6a: {  	v52 =	vmul.bf16 v12, v14;
	v51 =	vadd.f32 v3, v45;
	v46 =	vunpack.i.u.bf16.f32 v8  }
0x6b: {  	v48 =	vunpack.i.l.bf16.f32 v44;
	v53 =	vunpack.i.l.bf16.f32 v8;
	v54 =	vunpack.i.u.bf16.f32 v50  }
0x6c: {  	v55 =	vunpack.i.l.bf16.f32 v47;
	v57 =	vunpack.i.l.bf16.f32 v49;
	v58 =	vunpack.i.l.bf16.f32 v52  }
0x6d: {  	v6 =	vunpack.i.u.bf16.f32 v47;
	v3 =	vunpack.i.u.bf16.f32 v52;
	v15 =	vunpack.i.l.bf16.f32 v50  }
0x6e: {  	v9 =	vunpack.i.u.bf16.f32 v44;
	v4 =	vadd.f32 v53, v46;
	v3 =	vadd.f32 v58, v3  }
0x6f: {  	v11 =	vunpack.i.u.bf16.f32 v49;
	v8 =	vadd.f32 v15, v54;
	v9 =	vadd.f32 v48, v9  }
0x70: {  	v59 =	vadd.f32 v57, v11;
	v5 =	vadd.f32 v55, v6  }
0x71: {  	[tilespmem:s21+$0xFFFFFFF0] =	vst v16;
	v60 =	vadd.f32 v8, v13;
	v3 =	vadd.f32 v3, v9  }
0x72: {  	p1 =	sne.s32 s18, $0x9;
	[tilespmem:s21+$0x0] =	vst v7;
	s21 =	smul.u32 $0x3E80, s18;
	v2 =	vadd.f32 v4, v2;
	v61 =	vadd.f32 v5, v59  }
.Ltmp1:
0x73: {  	[tilespmem:s22+$0xFFFFFFF0] =	vst v0;
	v62 =	vadd.f32 v3, v60;
	(pc) =	sbr.rel @p1 .LBB2_6-.Ltmp1, $4  }
0x74: {  	s20 =	sadd.s32 $0x20, s20;
	s30 =	sadd.s32 s6, s21;
	[tilespmem:s22+$0x0] =	vst v51;
	v63 =	vadd.f32 v61, v2  }
0x75: {  	s22 =	sshrl.u32 s30, $0x3;
	[tilespmem:s20+$0xFFFFFFF0] =	vst v62  }
0x76: {  	s31 =	sadd.s32 s4, s22;
	[tilespmem:s20+$0x0] =	vst v63  }
0x77: {  	[hbm4b:s31+s3] =	stream.linear.scatter [tilespmem:s12], [sflag:$0x3], $0x1F40, $0x38;
	[tilespmem:$0x11D00] =	vst v63  }
.Ltmp2:
0x78: {  	(pc) =	sbr.rel .LBB2_7-.Ltmp2, $4  }
0x79: {  	_ = 	snop  }
0x7a: {  	_ =	swait.ge [sflag:s13], $0x1F40  }
0x7b: {  	[sflag:s13] =	ssyncset.done $0x0  }
0x7c: {  	[sflag:s13] =	ssyncadd.s32 $0xFFFFE0C0  }
.LBB2_6:
0x7d: {  	s20 =	sshrl.u32 s21, $0x3  }
0x7e: {  	s20 =	sadd.s32 s2, s20  }
.Ltmp3:
0x7f: {  	s20 =	sadd.s32 $0x7D0, s20;
	(pc) =	sbr.rel @p0 .LBB2_8-.Ltmp3, $4  }
0x80: {  	[tilespmem:s9], [sflag:$0x1] =	stream.linear.gather [hbm4b:s20+s3], $0x1F40, $0x38;
	[tilespmem:$0x11D00] =	vst v63  }
0x81: {  	_ =	swait.ge [sflag:s13], $0x1F40  }
0x82: {  	[sflag:s13] =	ssyncset.done $0x0  }
0x83: {  	[sflag:s13] =	ssyncadd.s32 $0xFFFFE0C0  }
.LBB2_7:
0x84: {  	_ =	swait.ge [sflag:s14], $0x1F40  }
0x85: {  	[sflag:s14] =	ssyncset.done $0x0  }
0x86: {  	[sflag:s14] =	ssyncadd.s32 $0xFFFFE0C0  }
.LBB2_8:
0x87: {  	s20 =	simm.s32 $0xBF50  }
0x88: {  	v0 =	vld [tilespmem:s20+$0xFFFFFFF0];
	_ =	sdelay $0x1  }
0x89: {  	v1 =	vld [tilespmem:s20+$0x0];
	_ =	sdelay $0x2  }
0x8a: {  	s30 =	simm.s32 $0xBF70;
	v2 =	vand.u32 $0xFFFF, v0  }
0x8b: {  	v5 =	vld [tilespmem:s30+$0xFFFFFFF0];
	v0 =	vshra.s32 v0, $0x10  }
0x8c: {  	s31 =	simm.s32 $0xBF90;
	v11 =	vld [tilespmem:s30+$0x0];
	v4 =	vshra.s32 v1, $0x10  }
0x8d: {  	v21 =	vld [tilespmem:s31+$0xFFFFFFF0];
	v1 =	vand.u32 $0xFFFF, v1  }
0x8e: {  	v31 =	vld [tilespmem:s31+$0x0];
	v3 =	vadd.s32 $0x5000, v2  }
0x8f: {  	v7 =	vadd.s32 $0x5000, v0;
	v6 =	vld.idx.msk [tilespmem:v2+s3+$0x0], $0xffff  }
0x90: {  	v8 =	vadd.s32 $0x2800, v2;
	v9 =	vld.idx.msk [tilespmem:v0+s3+$0x0], $0xffff  }
0x91: {  	v10 =	vadd.s32 $0x2800, v4;
	v12 =	vadd.s32 $0x7800, v0;
	v13 =	vld.idx.msk [tilespmem:v4+s3+$0x0], $0xffff  }
0x92: {  	v14 =	vadd.s32 $0x2800, v1;
	v15 =	vadd.s32 $0x7800, v1;
	v16 =	vadd.s32 $0x5000, v1;
	v1 =	vld.idx.msk [tilespmem:v1+s3+$0x0], $0xffff  }
0x93: {  	v3 =	vld.idx.msk [tilespmem:v3+s3+$0x0], $0xffff  }
0x94: {  	v7 =	vld.idx.msk [tilespmem:v7+s3+$0x0], $0xffff  }
0x95: {  	v8 =	vld.idx.msk [tilespmem:v8+s3+$0x0], $0xffff  }
0x96: {  	v17 =	vadd.s32 $0x5000, v4;
	v10 =	vld.idx.msk [tilespmem:v10+s3+$0x0], $0xffff  }
0x97: {  	v2 =	vadd.s32 $0x7800, v2;
	v12 =	vld.idx.msk [tilespmem:v12+s3+$0x0], $0xffff  }
0x98: {  	v4 =	vadd.s32 $0x7800, v4;
	v14 =	vld.idx.msk [tilespmem:v14+s3+$0x0], $0xffff  }
0x99: {  	v0 =	vadd.s32 $0x2800, v0;
	v15 =	vld.idx.msk [tilespmem:v15+s3+$0x0], $0xffff  }
0x9a: {  	v16 =	vld.idx.msk [tilespmem:v16+s3+$0x0], $0xffff;
	v6 =	vmul.bf16 v9, v6;
	v9 =	vand.u32 $0xFFFF, v5  }
0x9b: {  	v22 =	vand.u32 $0xFFFF, v11;
	v17 =	vld.idx.msk [tilespmem:v17+s3+$0x0], $0xffff;
	v5 =	vshra.s32 v5, $0x10  }
0x9c: {  	v23 =	vadd.s32 $0x5000, v22;
	v2 =	vld.idx.msk [tilespmem:v2+s3+$0x0], $0xffff;
	v19 =	vadd.s32 $0x5000, v9  }
0x9d: {  	v4 =	vld.idx.msk [tilespmem:v4+s3+$0x0], $0xffff;
	v24 =	vadd.s32 $0x5000, v5;
	v18 =	vunpack.i.u.bf16.f32 v6;
	v6 =	vunpack.i.l.bf16.f32 v6  }
0x9e: {  	v0 =	vld.idx.msk [tilespmem:v0+s3+$0x0], $0xffff;
	v20 =	vadd.f32 v6, v18;
	v18 =	vmul.bf16 v7, v3;
	v3 =	vshra.s32 v11, $0x10  }
0x9f: {  	v1 =	vmul.bf16 v13, v1;
	v6 =	vadd.s32 $0x7800, v9;
	v7 =	vadd.s32 $0x2800, v9;
	v9 =	vld.idx.msk [tilespmem:v9+s3+$0x0], $0xffff  }
0xa0: {  	v27 =	vadd.s32 $0x7800, v22;
	v10 =	vmul.bf16 v10, v14;
	v29 =	vadd.s32 $0x2800, v5;
	v14 =	vld.idx.msk [tilespmem:v5+s3+$0x0], $0xffff  }
0xa1: {  	v16 =	vmul.bf16 v17, v16;
	v17 =	vadd.s32 $0x7800, v5;
	v34 =	vunpack.i.l.bf16.f32 v1;
	v19 =	vld.idx.msk [tilespmem:v19+s3+$0x0], $0xffff  }
0xa2: {  	v11 =	vadd.s32 $0x2800, v22;
	v30 =	vunpack.i.u.bf16.f32 v10;
	v26 =	vadd.s32 $0x2800, v3;
	v24 =	vld.idx.msk [tilespmem:v24+s3+$0x0], $0xffff  }
0xa3: {  	v25 =	vadd.s32 $0x5000, v3;
	v28 =	vadd.s32 $0x7800, v3;
	v33 =	vmul.bf16 v0, v8;
	v5 =	vld.idx.msk [tilespmem:v3+s3+$0x0], $0xffff  }
0xa4: {  	v15 =	vmul.bf16 v4, v15;
	v0 =	vmul.bf16 v12, v2;
	v2 =	vunpack.i.l.bf16.f32 v10;
	v3 =	vld.idx.msk [tilespmem:v7+s3+$0x0], $0xffff  }
0xa5: {  	v32 =	vunpack.i.l.bf16.f32 v18;
	v30 =	vadd.f32 v2, v30;
	v12 =	vunpack.i.u.bf16.f32 v33;
	v4 =	vld.idx.msk [tilespmem:v6+s3+$0x0], $0xffff  }
0xa6: {  	v13 =	vunpack.i.u.bf16.f32 v15;
	v7 =	vunpack.i.l.bf16.f32 v15;
	v6 =	vld.idx.msk [tilespmem:v17+s3+$0x0], $0xffff;
	v2 =	vmul.bf16 v14, v9  }
0xa7: {  	v17 =	vunpack.i.u.bf16.f32 v0;
	v8 =	vld.idx.msk [tilespmem:v26+s3+$0x0], $0xffff;
	v26 =	vunpack.i.l.bf16.f32 v0;
	v9 =	vunpack.i.u.bf16.f32 v1  }
0xa8: {  	v14 =	vunpack.i.l.bf16.f32 v16;
	v1 =	vunpack.i.u.bf16.f32 v2;
	v2 =	vunpack.i.l.bf16.f32 v2  }
0xa9: {  	v22 =	vld.idx.msk [tilespmem:v22+s3+$0x0], $0xffff;
	v16 =	vunpack.i.u.bf16.f32 v16;
	v63 =	vadd.f32 v34, v9;
	v0 =	vadd.f32 v2, v1  }
0xaa: {  	v10 =	vld.idx.msk [tilespmem:v27+s3+$0x0], $0xffff;
	v2 =	vunpack.i.l.bf16.f32 v33;
	v1 =	vmul.bf16 v24, v19;
	v24 =	vadd.f32 v26, v17  }
0xab: {  	v15 =	vld.idx.msk [tilespmem:v11+s3+$0x0], $0xffff;
	v26 =	vand.u32 $0xFFFF, v21;
	v17 =	vshra.s32 v31, $0x10;
	v9 =	vadd.f32 v2, v12  }
0xac: {  	v11 =	vld.idx.msk [tilespmem:v23+s3+$0x0], $0xffff;
	v2 =	vunpack.i.u.bf16.f32 v18;
	v18 =	vadd.f32 v14, v16;
	v12 =	vshra.s32 v21, $0x10  }
0xad: {  	v16 =	vld.idx.msk [tilespmem:v25+s3+$0x0], $0xffff;
	v27 =	vadd.s32 $0x5000, v26;
	v14 =	vadd.s32 $0x7800, v26;
	v25 =	vadd.f32 v32, v2  }
0xae: {  	s21 =	simm.s32 $0xFDD0;
	s23 =	simm.s32 $0x40;
	v23 =	vld.idx.msk [tilespmem:v28+s3+$0x0], $0xffff;
	v2 =	vand.u32 $0xFFFF, v31;
	v19 =	vadd.f32 v9, v20;
	v20 =	vadd.s32 $0x2800, v26  }
0xaf: {  	s24 =	simm.s32 $0xBFB0;
	s22 =	simm.s32 $0xFDF0;
	s20 =	simm.s32 $0xFDF0;
	v21 =	vld.idx.msk [tilespmem:v29+s3+$0x0], $0xffff;
	v9 =	vadd.s32 $0x2800, v2;
	v24 =	vadd.f32 v24, v25;
	v25 =	vadd.f32 v30, v63  }
.LBB2_9:
0xb0: {  	v28 =	vld [tilespmem:s24+$0xFFFFFFF0];
	s23 =	sadd.s32 $0x20, s23;
	v29 =	vadd.s32 $0x5000, v2;
	v30 =	vadd.s32 $0x5000, v17;
	s20 =	sadd.s32 $0x20, s20;
	v7 =	vadd.f32 v7, v13  }
0xb1: {  	v31 =	vadd.s32 $0x2800, v17;
	v8 =	vmul.bf16 v8, v15;
	p0 =	slt.u32 s23, $0x1F20;
	v13 =	vld.idx.msk [tilespmem:v26+s3+$0x0], $0xffff;
	v26 =	vadd.s32 $0x5000, v12  }
0xb2: {  	v32 =	vadd.s32 $0x7800, v2;
	v33 =	vadd.s32 $0x7800, v17;
	v15 =	vld.idx.msk [tilespmem:v12+s3+$0x0], $0xffff;
	v7 =	vadd.f32 v7, v18  }
0xb3: {  	v34 =	vadd.s32 $0x2800, v12;
	v10 =	vmul.bf16 v23, v10;
	v18 =	vld.idx.msk [tilespmem:v27+s3+$0x0], $0xffff;
	v27 =	vunpack.i.u.bf16.f32 v8  }
0xb4: {  	v35 =	vunpack.i.l.bf16.f32 v1;
	v11 =	vmul.bf16 v16, v11;
	v16 =	vadd.f32 v24, v19;
	v23 =	vld [tilespmem:s24+$0x0]  }
0xb5: {  	v12 =	vadd.s32 $0x7800, v12;
	v19 =	vmul.bf16 v21, v3;
	v21 =	vadd.f32 v7, v25;
	v17 =	vld.idx.msk [tilespmem:v17+s3+$0x0], $0xffff  }
0xb6: {  	v25 =	vmul.bf16 v6, v4;
	v5 =	vmul.bf16 v5, v22;
	v4 =	vunpack.i.l.bf16.f32 v8;
	v24 =	vld.idx.msk [tilespmem:v26+s3+$0x0], $0xffff;
	[tilespmem:s21+$0xFFFFFFF0] =	vst v16  }
0xb7: {  	v7 =	vunpack.i.l.bf16.f32 v10;
	v36 =	vadd.f32 v4, v27;
	v16 =	vunpack.i.u.bf16.f32 v19;
	v3 =	vld.idx.msk [tilespmem:v20+s3+$0x0], $0xffff;
	[tilespmem:s21+$0x0] =	vst v21;
	s21 =	smov.u32 s22;
	s22 =	smov.u32 s20  }
0xb8: {  	v6 =	vmul.bf16 v15, v13;
	v20 =	vunpack.i.l.bf16.f32 v11;
	v4 =	vld.idx.msk [tilespmem:v14+s3+$0x0], $0xffff;
	v14 =	vunpack.i.u.bf16.f32 v5  }
0xb9: {  	v22 =	vunpack.i.l.bf16.f32 v5;
	v21 =	vunpack.i.l.bf16.f32 v25;
	v13 =	vunpack.i.u.bf16.f32 v10;
	v8 =	vld.idx.msk [tilespmem:v31+s3+$0x0], $0xffff  }
0xba: {  	v26 =	vunpack.i.u.bf16.f32 v6;
	v10 =	vunpack.i.l.bf16.f32 v6;
	v6 =	vld.idx.msk [tilespmem:v12+s3+$0x0], $0xffff;
	v12 =	vunpack.i.u.bf16.f32 v25  }
0xbb: {  	v25 =	vadd.f32 v10, v26;
	v5 =	vmovc v17;
	v15 =	vld.idx.msk [tilespmem:v9+s3+$0x0], $0xffff;
	v9 =	vunpack.i.l.bf16.f32 v19;
	v19 =	vunpack.i.u.bf16.f32 v11  }
0xbc: {  	v31 =	vadd.f32 v22, v14;
	v17 =	vmul.bf16 v24, v18;
	v24 =	vadd.f32 v21, v12;
	v10 =	vld.idx.msk [tilespmem:v32+s3+$0x0], $0xffff  }
.Ltmp4:
0xbd: {  	v14 =	vunpack.i.u.bf16.f32 v1;
	v9 =	vadd.f32 v9, v16;
	v18 =	vadd.f32 v20, v19;
	v11 =	vld.idx.msk [tilespmem:v29+s3+$0x0], $0xffff;
	(pc) =	sbr.rel @p0 .LBB2_9-.Ltmp4, $4  }
0xbe: {  	v26 =	vand.u32 $0xFFFF, v28;
	v12 =	vshra.s32 v28, $0x10;
	v20 =	vadd.f32 v35, v14;
	v1 =	vmovc v17;
	v16 =	vld.idx.msk [tilespmem:v30+s3+$0x0], $0xffff  }
0xbf: {  	v28 =	vand.u32 $0xFFFF, v23;
	v17 =	vshra.s32 v23, $0x10;
	v19 =	vadd.f32 v9, v0;
	v0 =	vmovc v25;
	v23 =	vld.idx.msk [tilespmem:v33+s3+$0x0], $0xffff  }
0xc0: {  	v27 =	vadd.s32 $0x5000, v26;
	v14 =	vadd.s32 $0x7800, v26;
	v24 =	vadd.f32 v24, v20;
	v21 =	vld.idx.msk [tilespmem:v34+s3+$0x0], $0xffff  }
0xc1: {  	s24 =	sadd.s32 $0x20, s24;
	v20 =	vadd.s32 $0x2800, v26;
	v9 =	vadd.s32 $0x2800, v28;
	v25 =	vadd.f32 v36, v31;
	v22 =	vld.idx.msk [tilespmem:v2+s3+$0x0], $0xffff;
	v2 =	vmovc v28  }
0xc2: {  	_ =	sdelay $0x3  }
0xc3: {  	v26 =	vld.idx.msk [tilespmem:v26+s3+$0x0], $0xffff  }
0xc4: {  	v28 =	vadd.s32 $0x5000, v12;
	v29 =	vadd.s32 $0x5000, v2;
	v7 =	vadd.f32 v7, v13;
	v52 =	vld.idx.msk [tilespmem:v12+s3+$0x0], $0xffff  }
0xc5: {  	v30 =	vadd.s32 $0x5000, v17;
	v31 =	vadd.s32 $0x2800, v17;
	v8 =	vmul.bf16 v8, v15;
	v53 =	vld.idx.msk [tilespmem:v27+s3+$0x0], $0xffff  }
0xc6: {  	v54 =	vadd.s32 $0x7800, v2;
	v32 =	vadd.s32 $0x7800, v17;
	v55 =	vld.idx.msk [tilespmem:v17+s3+$0x0], $0xffff;
	v56 =	vadd.s32 $0x2800, v12  }
0xc7: {  	v58 =	vunpack.i.l.bf16.f32 v1;
	v59 =	vld.idx.msk [tilespmem:v20+s3+$0x0], $0xffff;
	v60 =	vadd.s32 $0x7800, v12;
	v4 =	vmul.bf16 v6, v4  }
0xc8: {  	v14 =	vld.idx.msk [tilespmem:v14+s3+$0x0], $0xffff;
	v41 =	vunpack.i.u.bf16.f32 v1;
	v11 =	vmul.bf16 v16, v11;
	v16 =	vadd.f32 v24, v19  }
0xc9: {  	v9 =	vld.idx.msk [tilespmem:v9+s3+$0x0], $0xffff;
	v1 =	vadd.f32 v58, v41;
	v7 =	vadd.f32 v7, v18;
	v33 =	vunpack.i.u.bf16.f32 v8  }
0xca: {  	v42 =	vld.idx.msk [tilespmem:v2+s3+$0x0], $0xffff;
	v10 =	vmul.bf16 v23, v10;
	v61 =	vunpack.i.l.bf16.f32 v8;
	v37 =	vunpack.i.l.bf16.f32 v4  }
0xcb: {  	v4 =	vunpack.i.u.bf16.f32 v4;
	v3 =	vmul.bf16 v21, v3;
	v6 =	vadd.f32 v61, v33;
	v57 =	vld.idx.msk [tilespmem:v28+s3+$0x0], $0xffff  }
0xcc: {  	v35 =	vunpack.i.l.bf16.f32 v11;
	v11 =	vunpack.i.u.bf16.f32 v11;
	v4 =	vadd.f32 v37, v4;
	v62 =	vld.idx.msk [tilespmem:v31+s3+$0x0], $0xffff  }
0xcd: {  	v7 =	vadd.f32 v7, v25;
	v5 =	vmul.bf16 v5, v22;
	v34 =	vunpack.i.l.bf16.f32 v10;
	v36 =	vld.idx.msk [tilespmem:v54+s3+$0x0], $0xffff  }
0xce: {  	v10 =	vunpack.i.u.bf16.f32 v10;
	v11 =	vadd.f32 v35, v11;
	v63 =	vunpack.i.u.bf16.f32 v3;
	v29 =	vld.idx.msk [tilespmem:v29+s3+$0x0], $0xffff  }
0xcf: {  	v13 =	vmul.bf16 v52, v26;
	v39 =	vld.idx.msk [tilespmem:v30+s3+$0x0], $0xffff;
	v3 =	vunpack.i.l.bf16.f32 v3;
	v43 =	vadd.f32 v34, v10  }
0xd0: {  	v40 =	vld.idx.msk [tilespmem:v32+s3+$0x0], $0xffff;
	v1 =	vadd.f32 v4, v1;
	v2 =	vmul.bf16 v55, v42;
	v22 =	vunpack.i.u.bf16.f32 v5  }
0xd1: {  	v18 =	vld.idx.msk [tilespmem:v56+s3+$0x0], $0xffff;
	v5 =	vunpack.i.l.bf16.f32 v5;
	v3 =	vadd.f32 v3, v63;
	v38 =	vunpack.i.u.bf16.f32 v13  }
0xd2: {  	v12 =	vld.idx.msk [tilespmem:v60+s3+$0x0], $0xffff;
	v13 =	vunpack.i.l.bf16.f32 v13;
	v5 =	vadd.f32 v5, v22;
	v56 =	vunpack.i.u.bf16.f32 v2  }
0xd3: {  	v2 =	vunpack.i.l.bf16.f32 v2;
	v13 =	vadd.f32 v13, v38;
	v0 =	vadd.f32 v3, v0  }
0xd4: {  	v3 =	vadd.f32 v43, v11;
	v2 =	vadd.f32 v2, v56;
	v8 =	vmul.bf16 v62, v9  }
0xd5: {  	v45 =	vadd.f32 v6, v5;
	v44 =	vmul.bf16 v57, v53;
	v47 =	vmul.bf16 v40, v36  }
0xd6: {  	v49 =	vmul.bf16 v39, v29;
	v50 =	vmul.bf16 v18, v59;
	v0 =	vadd.f32 v1, v0  }
0xd7: {  	v52 =	vmul.bf16 v12, v14;
	v51 =	vadd.f32 v3, v45;
	v46 =	vunpack.i.u.bf16.f32 v8  }
0xd8: {  	v48 =	vunpack.i.l.bf16.f32 v44;
	v53 =	vunpack.i.l.bf16.f32 v8;
	v54 =	vunpack.i.u.bf16.f32 v50  }
0xd9: {  	v55 =	vunpack.i.l.bf16.f32 v47;
	v57 =	vunpack.i.l.bf16.f32 v49;
	v58 =	vunpack.i.l.bf16.f32 v52  }
0xda: {  	v6 =	vunpack.i.u.bf16.f32 v47;
	v3 =	vunpack.i.u.bf16.f32 v52;
	v15 =	vunpack.i.l.bf16.f32 v50  }
0xdb: {  	v9 =	vunpack.i.u.bf16.f32 v44;
	v4 =	vadd.f32 v53, v46;
	v3 =	vadd.f32 v58, v3  }
0xdc: {  	v11 =	vunpack.i.u.bf16.f32 v49;
	v8 =	vadd.f32 v15, v54;
	v9 =	vadd.f32 v48, v9  }
0xdd: {  	v59 =	vadd.f32 v57, v11;
	v5 =	vadd.f32 v55, v6  }
0xde: {  	s18 =	sadd.s32 $0x1, s18;
	[tilespmem:s21+$0xFFFFFFF0] =	vst v16;
	v60 =	vadd.f32 v8, v13;
	v3 =	vadd.f32 v3, v9  }
0xdf: {  	s19 =	smul.u32 $0x1F40, s19;
	p0 =	sne.s32 s18, $0xA;
	[tilespmem:s21+$0x0] =	vst v7;
	v2 =	vadd.f32 v4, v2;
	v61 =	vadd.f32 v5, v59  }
.Ltmp5:
0xe0: {  	[tilespmem:s22+$0xFFFFFFF0] =	vst v0;
	v62 =	vadd.f32 v3, v60;
	(pc) =	sbr.rel @p0 .LBB2_2-.Ltmp5, $4  }
0xe1: {  	s20 =	sadd.s32 $0x20, s20;
	s19 =	sadd.s32 s6, s19;
	[tilespmem:s22+$0x0] =	vst v51;
	v63 =	vadd.f32 v61, v2  }
0xe2: {  	s19 =	sshrl.u32 s19, $0x3;
	[tilespmem:s20+$0xFFFFFFF0] =	vst v62  }
0xe3: {  	s19 =	sadd.s32 s4, s19;
	[tilespmem:s20+$0x0] =	vst v63  }
0xe4: {  	[hbm4b:s19+s3] =	stream.linear.scatter [tilespmem:s15], [sflag:$0x4], $0x1F40, $0x38;
	[tilespmem:$0x11D00] =	vst v63  }
0xe5: {  	s17 =	sadd.s32 $0x1, s17  }
0xe6: {  	_ =	swait.ge [sflag:s16], $0x1F40;
	p0 =	sne.s32 s17, s7  }
.Ltmp6:
0xe7: {  	[sflag:s16] =	ssyncset.done $0x0;
	(pc) =	sbr.rel @p0 .LBB2_1-.Ltmp6, $4  }
0xe8: {  	[sflag:s16] =	ssyncadd.s32 $0xFFFFE0C0  }
0xe9: {  	_ =	swait.ge [sflag:s14], $0x1F40  }
0xea: {  	[sflag:s14] =	ssyncset.done $0x0  }
0xeb: {  	[sflag:s14] =	ssyncadd.s32 $0xFFFFE0C0  }
0xec: {  	_ =	sfence.sel $0x180000  }
0xed: {  	[bflag:$0x0] =	sbarrier.arrive $0xFFFF  }
0xee: {  	p0 =	sne.s32 s0, $0x0;
	_ =	strace $0x90000047  }
0xef: {  	s0 =	sadd.s32 @!p0 $0x100000, s1;
	[bflag:$0x2] =	sbarrier.arrive $0xFFFF  }
0xf0: {  	[sflag:s0] =	ssyncadd.tile.s32 @!p0 $0x1;
	_ =	shalt  }
.Lfunc_end2:
_tile_overlayer_lowered:
.L_overlay_start_2:
0xf1: {  	(tag) =	ssettag $0x2  }
0xf2: {  	s0 =	rddreg [dreg:$0x0];
	s2 =	stileid.u32  }
0xf3: {  	s1 =	rddreg [dreg:$0x1];
	p0 =	sne.s32 s2, $0x0  }
0xf4: {  	s3 =	rddreg [dreg:$0x2];
	[bflag:$0x3] =	sbarrier.arrive $0xFFFF;
	s2 =	simm.s32 @!p0 $0x1C05  }
0xf5: {  	[timem:s3], [sflag:s2] =	dma.local @!p0 [hbm:s0], s1  }
0xf6: {  	s0 =	simm.s32 @!p0 $0x5  }
0xf7: {  	_ =	swait.ge @!p0 [sflag:s0], s1  }
0xf8: {  	s1 =	ssub.s32 @!p0 $0x0, s1;
	[sflag:s0] =	ssyncset.done @!p0 $0x0  }
0xf9: {  	[sflag:s0] =	ssyncadd.s32 @!p0 s1  }
0xfa: {  	[bflag:$0x3] =	sbarrier.arrive $0xFFFF  }
0xfb: {  	_ =	shalt  }

</sc_bundles>
